<compile_context>
chip_gen: v7x
topology: tpu7x:2x2x1
jax: 0.10.2.dev20260603
libtpu: 0.0.44.dev20260713+nightly
codegen_flags: <defaults>
</compile_context>

<pallas_src>
import functools

import jax
import jax.numpy as jnp
from jax import lax
from jax.experimental import pallas as pl
from jax.experimental.pallas import tpu as pltpu
from jax.experimental.pallas import tpu_sc as plsc

B = 16384
F = 26
V = 100000
D = 64
W = 128

NC = 2
NS = 16
L = 16
NCK = 2
NW = NCK * NS
ROWS = B * F
RPW = ROWS // NW
SUBC = 128
CHUNK = 256
NSUB = CHUNK // SUBC
VPC = CHUNK // L
NCHUNK = RPW // CHUNK
NGROUP = NCHUNK // 2


def _build_kernel():
    mesh = plsc.VectorSubcoreMesh(core_axis_name="c", subcore_axis_name="s",
                                  num_cores=NCK)

    @functools.partial(
        pl.kernel,
        mesh=mesh,
        out_type=jax.ShapeDtypeStruct((ROWS, W), jnp.float32),
        scratch_types=[
            pltpu.VMEM((RPW,), jnp.int32),
            pltpu.VMEM((CHUNK, W), jnp.float32),
            pltpu.VMEM((CHUNK, W), jnp.float32),
            pltpu.SemaphoreType.DMA,
            pltpu.SemaphoreType.DMA,
            pltpu.SemaphoreType.DMA,
            pltpu.SemaphoreType.DMA,
        ],
    )
    def emb_kernel(idx_hbm, tbl_hbm, out_hbm, idx_slab, rows0, rows1,
                   sg0, sg1, sw0, sw1):
        wid = lax.axis_index("s") * NCK + lax.axis_index("c")
        base = wid * RPW
        rows = (rows0, rows1)
        sem_g = (sg0, sg1)
        sem_w = (sw0, sw1)

        pltpu.sync_copy(idx_hbm.at[pl.ds(base, RPW)], idx_slab)

        def adjust(k):
            for j in range(VPC):
                t = k * CHUNK + j * L
                row = base + t + lax.iota(jnp.int32, L)
                off = (row % F) * V
                idx_slab[pl.ds(t, L)] = idx_slab[pl.ds(t, L)] + off

        def issue_gathers(k, b):
            for s in range(NSUB):
                pltpu.async_copy(
                    tbl_hbm.at[idx_slab.at[pl.ds(k * CHUNK + s * SUBC, SUBC)]],
                    rows[b].at[pl.ds(s * SUBC, SUBC)],
                    sem_g[b],
                )

        def drain_gathers(b):
            pltpu.make_async_copy(tbl_hbm.at[pl.ds(0, CHUNK)], rows[b],
                                  sem_g[b]).wait()

        def issue_write(k, b):
            pltpu.async_copy(rows[b], out_hbm.at[pl.ds(base + k * CHUNK, CHUNK)],
                             sem_w[b])

        def drain_write(b):
            pltpu.make_async_copy(rows[b], out_hbm.at[pl.ds(base, CHUNK)],
                                  sem_w[b]).wait()

        adjust(0)
        issue_gathers(0, 0)

        def group_body(g, carry):
            k0 = 2 * g
            @pl.when(g > 0)
            def _():
                drain_write(1)
            adjust(k0 + 1)
            issue_gathers(k0 + 1, 1)
            drain_gathers(0)
            issue_write(k0, 0)
            @pl.when(g < NGROUP - 1)
            def _():
                drain_write(0)
                adjust(k0 + 2)
                issue_gathers(k0 + 2, 0)
            drain_gathers(1)
            issue_write(k0 + 1, 1)
            return carry

        lax.fori_loop(0, NGROUP, group_body, 0)

        drain_write(0)
        drain_write(1)

    return emb_kernel


def kernel(indices, tables):
    idx_flat = indices.reshape(ROWS)
    tbl_pad = jnp.pad(tables, ((0, 0), (0, 0), (0, W - D)))
    tbl_flat = tbl_pad.reshape(F * V, W)
    out = _build_kernel()(idx_flat, tbl_flat)
    return out[:, :D].reshape(B, F, D)

# --- scband reference (transcript-rebuilt; emitter-appended) ---
"""Pipeline reference for scband-structured-model-52656299049609 (READ-ONLY COPY).

The authoritative reference and input builder live on the scoring server;
editing this copy changes nothing except your own understanding.
"""

import jax, jax.numpy as jnp
import numpy as np

B = 16384   # batch
F = 26      # n_sparse_fields
V = 100000  # vocab per feature
D = 64      # embed_dim


def setup_inputs(seed: int = 0) -> dict:
    key = jax.random.key(seed)
    k_idx, k_tab = jax.random.split(key)
    # one column of categorical ids per feature field
    indices = jax.random.randint(k_idx, (B, F), 0, V, dtype=jnp.int32)
    # 26 embedding tables, stacked: [F, V, D] (uniform initializer, keras default range)
    tables = jax.random.uniform(k_tab, (F, V, D), minval=-0.05, maxval=0.05, dtype=jnp.float32)
    return {"indices": indices, "tables": tables}


def reference(indices, tables):
    # StructuredModel._embed with embed_mode='stack':
    # for each feature f: emb_f = table_f[inputs[:, f]]  -> [B, D]
    # then ops.stack(..., axis=1)                        -> [B, F, D]
    def one_field(table, idx_col):
        return jnp.take(table, idx_col, axis=0)  # gather -> [B, D]

    embedded = jax.vmap(one_field, in_axes=(0, 1), out_axes=1)(tables, indices)
    return embedded  # [B, F, D]

if __name__ == "__main__":
    import jax
    _d = setup_inputs()
    print(jax.jit(kernel)(*tuple(_d.values())))

</pallas_src>

<mosaic_0001>
#map = affine_map<(d0, d1) -> (0)>
#map1 = affine_map<(d0, d1) -> (0, 0)>
module attributes {stable_mosaic.version = 14 : i64} {
  func.func @emb_kernel(%arg0: i32, %arg1: i32, %arg2: memref<425984xi32, #tpu.memory_space<hbm>>, %arg3: memref<2600000x128xf32, #tpu.memory_space<hbm>>, %arg4: memref<425984x128xf32, #tpu.memory_space<hbm>>, %arg5: memref<13312xi32, #tpu.memory_space<vmem>>, %arg6: memref<256x128xf32, #tpu.memory_space<vmem>>, %arg7: memref<256x128xf32, #tpu.memory_space<vmem>>, %arg8: memref<!tpu.dma_semaphore, #tpu.memory_space<semaphore_mem>>, %arg9: memref<!tpu.dma_semaphore, #tpu.memory_space<semaphore_mem>>, %arg10: memref<!tpu.dma_semaphore, #tpu.memory_space<semaphore_mem>>, %arg11: memref<!tpu.dma_semaphore, #tpu.memory_space<semaphore_mem>>) attributes {dimension_semantics = [#tpu.dimension_semantics<core_parallel>, #tpu.dimension_semantics<subcore_parallel>], iteration_bounds = array<i64: 2, 16>, scalar_prefetch = 0 : i64, scratch_operands = 7 : i64, tpu.core_type = #tpu.core_type<sc_vector_subcore>, window_params = [{transform_indices = #map}, {transform_indices = #map1}, {transform_indices = #map1}]} {
    %mul3A = arith.constant 2 : i32
    %mul3A_0 = arith.muli %arg1, %mul3A : i32
    %add3A = arith.addi %mul3A_0, %arg0 : i32
    %mul3A_1 = arith.constant 13312 : i32
    %mul3A_2 = arith.muli %add3A, %mul3A_1 : i32
    "tpu.region"() ({
      %run_scoped3A = tpu.sem_alloc : memref<!tpu.dma_semaphore, #tpu.memory_space<semaphore_mem>>
      %dma_start3A_628 = tpu.memref_slice %arg2[%mul3A_2] : memref<425984xi32, #tpu.memory_space<hbm>> -> memref<13312xi32, #tpu.memory_space<hbm>>
      %dma_start3A_629 = tpu.memref_slice %arg2[%mul3A_2] : memref<425984xi32, #tpu.memory_space<hbm>> -> memref<13312xi32, #tpu.memory_space<hbm>>
      tpu.enqueue_dma source(%dma_start3A_629 : memref<13312xi32, #tpu.memory_space<hbm>>) target(%arg5 : memref<13312xi32, #tpu.memory_space<vmem>>) target_semaphore(%run_scoped3A : memref<!tpu.dma_semaphore, #tpu.memory_space<semaphore_mem>>)
      %dma_wait3A_630 = tpu.memref_slice %arg2[%mul3A_2] : memref<425984xi32, #tpu.memory_space<hbm>> -> memref<13312xi32, #tpu.memory_space<hbm>>
      %dma_wait3A_631 = tpu.memref_slice %arg2[%mul3A_2] : memref<425984xi32, #tpu.memory_space<hbm>> -> memref<13312xi32, #tpu.memory_space<hbm>>
      tpu.wait_dma2 semaphore(%run_scoped3A : memref<!tpu.dma_semaphore, #tpu.memory_space<semaphore_mem>>) src(%dma_wait3A_631 : memref<13312xi32, #tpu.memory_space<hbm>>) dst(%arg5 : memref<13312xi32, #tpu.memory_space<vmem>>)
      tpu.yield
    }) : () -> ()
    %add3A_3 = arith.constant 0 : i32
    %add3A_4 = arith.addi %mul3A_2, %add3A_3 : i32
    %iota3A = tpu.iota {dimensions = array<i32: 0>} : vector<16xi32>
    %add3A_5 = vector.broadcast %add3A_4 : i32 to vector<16xi32>
    %add3A_6 = arith.addi %add3A_5, %iota3A : vector<16xi32>
    %jit3A = arith.constant 26 : i32
    %eq3A = arith.constant 0 : i32
    %eq3A_7 = arith.cmpi eq, %jit3A, %eq3A : i32
    %jit3A_8 = arith.constant 1 : i32
    %select_n3A = arith.select %eq3A_7, %jit3A_8, %jit3A : i32
    %rem3A = vector.broadcast %select_n3A : i32 to vector<16xi32>
    %rem3A_9 = arith.remsi %add3A_6, %rem3A : vector<16xi32>
    %ne3A = arith.constant 0 : i32
    %ne3A_10 = vector.broadcast %ne3A : i32 to vector<16xi32>
    %ne3A_11 = arith.cmpi ne, %rem3A_9, %ne3A_10 : vector<16xi32>
    %lt3A = arith.constant 0 : i32
    %lt3A_12 = vector.broadcast %lt3A : i32 to vector<16xi32>
    %lt3A_13 = arith.cmpi slt, %rem3A_9, %lt3A_12 : vector<16xi32>
    %lt3A_14 = arith.constant 0 : i32
    %lt3A_15 = arith.cmpi slt, %select_n3A, %lt3A_14 : i32
    %ne3A_16 = vector.broadcast %lt3A_15 : i1 to vector<16xi1>
    %ne3A_17 = vector.broadcast %ne3A_16 : vector<16xi1> to vector<16xi1>
    %ne3A_18 = arith.xori %lt3A_13, %ne3A_17 : vector<16xi1>
    %and3A = arith.andi %ne3A_18, %ne3A_11 : vector<16xi1>
    %add3A_19 = vector.broadcast %select_n3A : i32 to vector<16xi32>
    %add3A_20 = arith.addi %rem3A_9, %add3A_19 : vector<16xi32>
    %select_n3A_21 = arith.select %and3A, %add3A_20, %rem3A_9 : vector<16xi1>, vector<16xi32>
    %mul3A_22 = arith.constant 100000 : i32
    %mul3A_23 = vector.broadcast %mul3A_22 : i32 to vector<16xi32>
    %mul3A_24 = arith.muli %select_n3A_21, %mul3A_23 : vector<16xi32>
    %get3A = arith.constant 0 : index
    %get3A_25 = tpu.vector_load %arg5[%get3A] {strides = array<i32>} : memref<13312xi32, #tpu.memory_space<vmem>>, vector<16xi32>,
    %get3A_26 = vector.shape_cast %get3A_25 : vector<16xi32> to vector<16xi32>
    %add3A_27 = arith.addi %get3A_26, %mul3A_24 : vector<16xi32>
    %swap3A = arith.constant 0 : index
    %swap3A_28 = tpu.vector_load %arg5[%swap3A] {strides = array<i32>} : memref<13312xi32, #tpu.memory_space<vmem>>, vector<16xi32>,
    %swap3A_29 = vector.shape_cast %swap3A_28 : vector<16xi32> to vector<16xi32>
    %swap3A_30 = vector.shape_cast %add3A_27 : vector<16xi32> to vector<16xi32>
    tpu.vector_store %arg5[%swap3A], %swap3A_30 {strides = array<i32>} : memref<13312xi32, #tpu.memory_space<vmem>>, vector<16xi32>,
    %add3A_31 = arith.constant 16 : i32
    %add3A_32 = arith.addi %mul3A_2, %add3A_31 : i32
    %iota3A_33 = tpu.iota {dimensions = array<i32: 0>} : vector<16xi32>
    %add3A_34 = vector.broadcast %add3A_32 : i32 to vector<16xi32>
    %add3A_35 = arith.addi %add3A_34, %iota3A_33 : vector<16xi32>
    %jit3A_36 = arith.constant 26 : i32
    %eq3A_37 = arith.constant 0 : i32
    %eq3A_38 = arith.cmpi eq, %jit3A_36, %eq3A_37 : i32
    %jit3A_39 = arith.constant 1 : i32
    %select_n3A_40 = arith.select %eq3A_38, %jit3A_39, %jit3A_36 : i32
    %rem3A_41 = vector.broadcast %select_n3A_40 : i32 to vector<16xi32>
    %rem3A_42 = arith.remsi %add3A_35, %rem3A_41 : vector<16xi32>
    %ne3A_43 = arith.constant 0 : i32
    %ne3A_44 = vector.broadcast %ne3A_43 : i32 to vector<16xi32>
    %ne3A_45 = arith.cmpi ne, %rem3A_42, %ne3A_44 : vector<16xi32>
    %lt3A_46 = arith.constant 0 : i32
    %lt3A_47 = vector.broadcast %lt3A_46 : i32 to vector<16xi32>
    %lt3A_48 = arith.cmpi slt, %rem3A_42, %lt3A_47 : vector<16xi32>
    %lt3A_49 = arith.constant 0 : i32
    %lt3A_50 = arith.cmpi slt, %select_n3A_40, %lt3A_49 : i32
    %ne3A_51 = vector.broadcast %lt3A_50 : i1 to vector<16xi1>
    %ne3A_52 = vector.broadcast %ne3A_51 : vector<16xi1> to vector<16xi1>
    %ne3A_53 = arith.xori %lt3A_48, %ne3A_52 : vector<16xi1>
    %and3A_54 = arith.andi %ne3A_53, %ne3A_45 : vector<16xi1>
    %add3A_55 = vector.broadcast %select_n3A_40 : i32 to vector<16xi32>
    %add3A_56 = arith.addi %rem3A_42, %add3A_55 : vector<16xi32>
    %select_n3A_57 = arith.select %and3A_54, %add3A_56, %rem3A_42 : vector<16xi1>, vector<16xi32>
    %mul3A_58 = arith.constant 100000 : i32
    %mul3A_59 = vector.broadcast %mul3A_58 : i32 to vector<16xi32>
    %mul3A_60 = arith.muli %select_n3A_57, %mul3A_59 : vector<16xi32>
    %get3A_61 = arith.constant 16 : index
    %get3A_62 = tpu.vector_load %arg5[%get3A_61] {strides = array<i32>} : memref<13312xi32, #tpu.memory_space<vmem>>, vector<16xi32>,
    %get3A_63 = vector.shape_cast %get3A_62 : vector<16xi32> to vector<16xi32>
    %add3A_64 = arith.addi %get3A_63, %mul3A_60 : vector<16xi32>
    %swap3A_65 = arith.constant 16 : index
    %swap3A_66 = tpu.vector_load %arg5[%swap3A_65] {strides = array<i32>} : memref<13312xi32, #tpu.memory_space<vmem>>, vector<16xi32>,
    %swap3A_67 = vector.shape_cast %swap3A_66 : vector<16xi32> to vector<16xi32>
    %swap3A_68 = vector.shape_cast %add3A_64 : vector<16xi32> to vector<16xi32>
    tpu.vector_store %arg5[%swap3A_65], %swap3A_68 {strides = array<i32>} : memref<13312xi32, #tpu.memory_space<vmem>>, vector<16xi32>,
    %add3A_69 = arith.constant 32 : i32
    %add3A_70 = arith.addi %mul3A_2, %add3A_69 : i32
    %iota3A_71 = tpu.iota {dimensions = array<i32: 0>} : vector<16xi32>
    %add3A_72 = vector.broadcast %add3A_70 : i32 to vector<16xi32>
    %add3A_73 = arith.addi %add3A_72, %iota3A_71 : vector<16xi32>
    %jit3A_74 = arith.constant 26 : i32
    %eq3A_75 = arith.constant 0 : i32
    %eq3A_76 = arith.cmpi eq, %jit3A_74, %eq3A_75 : i32
    %jit3A_77 = arith.constant 1 : i32
    %select_n3A_78 = arith.select %eq3A_76, %jit3A_77, %jit3A_74 : i32
    %rem3A_79 = vector.broadcast %select_n3A_78 : i32 to vector<16xi32>
    %rem3A_80 = arith.remsi %add3A_73, %rem3A_79 : vector<16xi32>
    %ne3A_81 = arith.constant 0 : i32
    %ne3A_82 = vector.broadcast %ne3A_81 : i32 to vector<16xi32>
    %ne3A_83 = arith.cmpi ne, %rem3A_80, %ne3A_82 : vector<16xi32>
    %lt3A_84 = arith.constant 0 : i32
    %lt3A_85 = vector.broadcast %lt3A_84 : i32 to vector<16xi32>
    %lt3A_86 = arith.cmpi slt, %rem3A_80, %lt3A_85 : vector<16xi32>
    %lt3A_87 = arith.constant 0 : i32
    %lt3A_88 = arith.cmpi slt, %select_n3A_78, %lt3A_87 : i32
    %ne3A_89 = vector.broadcast %lt3A_88 : i1 to vector<16xi1>
    %ne3A_90 = vector.broadcast %ne3A_89 : vector<16xi1> to vector<16xi1>
    %ne3A_91 = arith.xori %lt3A_86, %ne3A_90 : vector<16xi1>
    %and3A_92 = arith.andi %ne3A_91, %ne3A_83 : vector<16xi1>
    %add3A_93 = vector.broadcast %select_n3A_78 : i32 to vector<16xi32>
    %add3A_94 = arith.addi %rem3A_80, %add3A_93 : vector<16xi32>
    %select_n3A_95 = arith.select %and3A_92, %add3A_94, %rem3A_80 : vector<16xi1>, vector<16xi32>
    %mul3A_96 = arith.constant 100000 : i32
    %mul3A_97 = vector.broadcast %mul3A_96 : i32 to vector<16xi32>
    %mul3A_98 = arith.muli %select_n3A_95, %mul3A_97 : vector<16xi32>
    %get3A_99 = arith.constant 32 : index
    %get3A_100 = tpu.vector_load %arg5[%get3A_99] {strides = array<i32>} : memref<13312xi32, #tpu.memory_space<vmem>>, vector<16xi32>,
    %get3A_101 = vector.shape_cast %get3A_100 : vector<16xi32> to vector<16xi32>
    %add3A_102 = arith.addi %get3A_101, %mul3A_98 : vector<16xi32>
    %swap3A_103 = arith.constant 32 : index
    %swap3A_104 = tpu.vector_load %arg5[%swap3A_103] {strides = array<i32>} : memref<13312xi32, #tpu.memory_space<vmem>>, vector<16xi32>,
    %swap3A_105 = vector.shape_cast %swap3A_104 : vector<16xi32> to vector<16xi32>
    %swap3A_106 = vector.shape_cast %add3A_102 : vector<16xi32> to vector<16xi32>
    tpu.vector_store %arg5[%swap3A_103], %swap3A_106 {strides = array<i32>} : memref<13312xi32, #tpu.memory_space<vmem>>, vector<16xi32>,
    %add3A_107 = arith.constant 48 : i32
    %add3A_108 = arith.addi %mul3A_2, %add3A_107 : i32
    %iota3A_109 = tpu.iota {dimensions = array<i32: 0>} : vector<16xi32>
    %add3A_110 = vector.broadcast %add3A_108 : i32 to vector<16xi32>
    %add3A_111 = arith.addi %add3A_110, %iota3A_109 : vector<16xi32>
    %jit3A_112 = arith.constant 26 : i32
    %eq3A_113 = arith.constant 0 : i32
    %eq3A_114 = arith.cmpi eq, %jit3A_112, %eq3A_113 : i32
    %jit3A_115 = arith.constant 1 : i32
    %select_n3A_116 = arith.select %eq3A_114, %jit3A_115, %jit3A_112 : i32
    %rem3A_117 = vector.broadcast %select_n3A_116 : i32 to vector<16xi32>
    %rem3A_118 = arith.remsi %add3A_111, %rem3A_117 : vector<16xi32>
    %ne3A_119 = arith.constant 0 : i32
    %ne3A_120 = vector.broadcast %ne3A_119 : i32 to vector<16xi32>
    %ne3A_121 = arith.cmpi ne, %rem3A_118, %ne3A_120 : vector<16xi32>
    %lt3A_122 = arith.constant 0 : i32
    %lt3A_123 = vector.broadcast %lt3A_122 : i32 to vector<16xi32>
    %lt3A_124 = arith.cmpi slt, %rem3A_118, %lt3A_123 : vector<16xi32>
    %lt3A_125 = arith.constant 0 : i32
    %lt3A_126 = arith.cmpi slt, %select_n3A_116, %lt3A_125 : i32
    %ne3A_127 = vector.broadcast %lt3A_126 : i1 to vector<16xi1>
    %ne3A_128 = vector.broadcast %ne3A_127 : vector<16xi1> to vector<16xi1>
    %ne3A_129 = arith.xori %lt3A_124, %ne3A_128 : vector<16xi1>
    %and3A_130 = arith.andi %ne3A_129, %ne3A_121 : vector<16xi1>
    %add3A_131 = vector.broadcast %select_n3A_116 : i32 to vector<16xi32>
    %add3A_132 = arith.addi %rem3A_118, %add3A_131 : vector<16xi32>
    %select_n3A_133 = arith.select %and3A_130, %add3A_132, %rem3A_118 : vector<16xi1>, vector<16xi32>
    %mul3A_134 = arith.constant 100000 : i32
    %mul3A_135 = vector.broadcast %mul3A_134 : i32 to vector<16xi32>
    %mul3A_136 = arith.muli %select_n3A_133, %mul3A_135 : vector<16xi32>
    %get3A_137 = arith.constant 48 : index
    %get3A_138 = tpu.vector_load %arg5[%get3A_137] {strides = array<i32>} : memref<13312xi32, #tpu.memory_space<vmem>>, vector<16xi32>,
    %get3A_139 = vector.shape_cast %get3A_138 : vector<16xi32> to vector<16xi32>
    %add3A_140 = arith.addi %get3A_139, %mul3A_136 : vector<16xi32>
    %swap3A_141 = arith.constant 48 : index
    %swap3A_142 = tpu.vector_load %arg5[%swap3A_141] {strides = array<i32>} : memref<13312xi32, #tpu.memory_space<vmem>>, vector<16xi32>,
    %swap3A_143 = vector.shape_cast %swap3A_142 : vector<16xi32> to vector<16xi32>
    %swap3A_144 = vector.shape_cast %add3A_140 : vector<16xi32> to vector<16xi32>
    tpu.vector_store %arg5[%swap3A_141], %swap3A_144 {strides = array<i32>} : memref<13312xi32, #tpu.memory_space<vmem>>, vector<16xi32>,
    %add3A_145 = arith.constant 64 : i32
    %add3A_146 = arith.addi %mul3A_2, %add3A_145 : i32
    %iota3A_147 = tpu.iota {dimensions = array<i32: 0>} : vector<16xi32>
    %add3A_148 = vector.broadcast %add3A_146 : i32 to vector<16xi32>
    %add3A_149 = arith.addi %add3A_148, %iota3A_147 : vector<16xi32>
    %jit3A_150 = arith.constant 26 : i32
    %eq3A_151 = arith.constant 0 : i32
    %eq3A_152 = arith.cmpi eq, %jit3A_150, %eq3A_151 : i32
    %jit3A_153 = arith.constant 1 : i32
    %select_n3A_154 = arith.select %eq3A_152, %jit3A_153, %jit3A_150 : i32
    %rem3A_155 = vector.broadcast %select_n3A_154 : i32 to vector<16xi32>
    %rem3A_156 = arith.remsi %add3A_149, %rem3A_155 : vector<16xi32>
    %ne3A_157 = arith.constant 0 : i32
    %ne3A_158 = vector.broadcast %ne3A_157 : i32 to vector<16xi32>
    %ne3A_159 = arith.cmpi ne, %rem3A_156, %ne3A_158 : vector<16xi32>
    %lt3A_160 = arith.constant 0 : i32
    %lt3A_161 = vector.broadcast %lt3A_160 : i32 to vector<16xi32>
    %lt3A_162 = arith.cmpi slt, %rem3A_156, %lt3A_161 : vector<16xi32>
    %lt3A_163 = arith.constant 0 : i32
    %lt3A_164 = arith.cmpi slt, %select_n3A_154, %lt3A_163 : i32
    %ne3A_165 = vector.broadcast %lt3A_164 : i1 to vector<16xi1>
    %ne3A_166 = vector.broadcast %ne3A_165 : vector<16xi1> to vector<16xi1>
    %ne3A_167 = arith.xori %lt3A_162, %ne3A_166 : vector<16xi1>
    %and3A_168 = arith.andi %ne3A_167, %ne3A_159 : vector<16xi1>
    %add3A_169 = vector.broadcast %select_n3A_154 : i32 to vector<16xi32>
    %add3A_170 = arith.addi %rem3A_156, %add3A_169 : vector<16xi32>
    %select_n3A_171 = arith.select %and3A_168, %add3A_170, %rem3A_156 : vector<16xi1>, vector<16xi32>
    %mul3A_172 = arith.constant 100000 : i32
    %mul3A_173 = vector.broadcast %mul3A_172 : i32 to vector<16xi32>
    %mul3A_174 = arith.muli %select_n3A_171, %mul3A_173 : vector<16xi32>
    %get3A_175 = arith.constant 64 : index
    %get3A_176 = tpu.vector_load %arg5[%get3A_175] {strides = array<i32>} : memref<13312xi32, #tpu.memory_space<vmem>>, vector<16xi32>,
    %get3A_177 = vector.shape_cast %get3A_176 : vector<16xi32> to vector<16xi32>
    %add3A_178 = arith.addi %get3A_177, %mul3A_174 : vector<16xi32>
    %swap3A_179 = arith.constant 64 : index
    %swap3A_180 = tpu.vector_load %arg5[%swap3A_179] {strides = array<i32>} : memref<13312xi32, #tpu.memory_space<vmem>>, vector<16xi32>,
    %swap3A_181 = vector.shape_cast %swap3A_180 : vector<16xi32> to vector<16xi32>
    %swap3A_182 = vector.shape_cast %add3A_178 : vector<16xi32> to vector<16xi32>
    tpu.vector_store %arg5[%swap3A_179], %swap3A_182 {strides = array<i32>} : memref<13312xi32, #tpu.memory_space<vmem>>, vector<16xi32>,
    %add3A_183 = arith.constant 80 : i32
    %add3A_184 = arith.addi %mul3A_2, %add3A_183 : i32
    %iota3A_185 = tpu.iota {dimensions = array<i32: 0>} : vector<16xi32>
    %add3A_186 = vector.broadcast %add3A_184 : i32 to vector<16xi32>
    %add3A_187 = arith.addi %add3A_186, %iota3A_185 : vector<16xi32>
    %jit3A_188 = arith.constant 26 : i32
    %eq3A_189 = arith.constant 0 : i32
    %eq3A_190 = arith.cmpi eq, %jit3A_188, %eq3A_189 : i32
    %jit3A_191 = arith.constant 1 : i32
    %select_n3A_192 = arith.select %eq3A_190, %jit3A_191, %jit3A_188 : i32
    %rem3A_193 = vector.broadcast %select_n3A_192 : i32 to vector<16xi32>
    %rem3A_194 = arith.remsi %add3A_187, %rem3A_193 : vector<16xi32>
    %ne3A_195 = arith.constant 0 : i32
    %ne3A_196 = vector.broadcast %ne3A_195 : i32 to vector<16xi32>
    %ne3A_197 = arith.cmpi ne, %rem3A_194, %ne3A_196 : vector<16xi32>
    %lt3A_198 = arith.constant 0 : i32
    %lt3A_199 = vector.broadcast %lt3A_198 : i32 to vector<16xi32>
    %lt3A_200 = arith.cmpi slt, %rem3A_194, %lt3A_199 : vector<16xi32>
    %lt3A_201 = arith.constant 0 : i32
    %lt3A_202 = arith.cmpi slt, %select_n3A_192, %lt3A_201 : i32
    %ne3A_203 = vector.broadcast %lt3A_202 : i1 to vector<16xi1>
    %ne3A_204 = vector.broadcast %ne3A_203 : vector<16xi1> to vector<16xi1>
    %ne3A_205 = arith.xori %lt3A_200, %ne3A_204 : vector<16xi1>
    %and3A_206 = arith.andi %ne3A_205, %ne3A_197 : vector<16xi1>
    %add3A_207 = vector.broadcast %select_n3A_192 : i32 to vector<16xi32>
    %add3A_208 = arith.addi %rem3A_194, %add3A_207 : vector<16xi32>
    %select_n3A_209 = arith.select %and3A_206, %add3A_208, %rem3A_194 : vector<16xi1>, vector<16xi32>
    %mul3A_210 = arith.constant 100000 : i32
    %mul3A_211 = vector.broadcast %mul3A_210 : i32 to vector<16xi32>
    %mul3A_212 = arith.muli %select_n3A_209, %mul3A_211 : vector<16xi32>
    %get3A_213 = arith.constant 80 : index
    %get3A_214 = tpu.vector_load %arg5[%get3A_213] {strides = array<i32>} : memref<13312xi32, #tpu.memory_space<vmem>>, vector<16xi32>,
    %get3A_215 = vector.shape_cast %get3A_214 : vector<16xi32> to vector<16xi32>
    %add3A_216 = arith.addi %get3A_215, %mul3A_212 : vector<16xi32>
    %swap3A_217 = arith.constant 80 : index
    %swap3A_218 = tpu.vector_load %arg5[%swap3A_217] {strides = array<i32>} : memref<13312xi32, #tpu.memory_space<vmem>>, vector<16xi32>,
    %swap3A_219 = vector.shape_cast %swap3A_218 : vector<16xi32> to vector<16xi32>
    %swap3A_220 = vector.shape_cast %add3A_216 : vector<16xi32> to vector<16xi32>
    tpu.vector_store %arg5[%swap3A_217], %swap3A_220 {strides = array<i32>} : memref<13312xi32, #tpu.memory_space<vmem>>, vector<16xi32>,
    %add3A_221 = arith.constant 96 : i32
    %add3A_222 = arith.addi %mul3A_2, %add3A_221 : i32
    %iota3A_223 = tpu.iota {dimensions = array<i32: 0>} : vector<16xi32>
    %add3A_224 = vector.broadcast %add3A_222 : i32 to vector<16xi32>
    %add3A_225 = arith.addi %add3A_224, %iota3A_223 : vector<16xi32>
    %jit3A_226 = arith.constant 26 : i32
    %eq3A_227 = arith.constant 0 : i32
    %eq3A_228 = arith.cmpi eq, %jit3A_226, %eq3A_227 : i32
    %jit3A_229 = arith.constant 1 : i32
    %select_n3A_230 = arith.select %eq3A_228, %jit3A_229, %jit3A_226 : i32
    %rem3A_231 = vector.broadcast %select_n3A_230 : i32 to vector<16xi32>
    %rem3A_232 = arith.remsi %add3A_225, %rem3A_231 : vector<16xi32>
    %ne3A_233 = arith.constant 0 : i32
    %ne3A_234 = vector.broadcast %ne3A_233 : i32 to vector<16xi32>
    %ne3A_235 = arith.cmpi ne, %rem3A_232, %ne3A_234 : vector<16xi32>
    %lt3A_236 = arith.constant 0 : i32
    %lt3A_237 = vector.broadcast %lt3A_236 : i32 to vector<16xi32>
    %lt3A_238 = arith.cmpi slt, %rem3A_232, %lt3A_237 : vector<16xi32>
    %lt3A_239 = arith.constant 0 : i32
    %lt3A_240 = arith.cmpi slt, %select_n3A_230, %lt3A_239 : i32
    %ne3A_241 = vector.broadcast %lt3A_240 : i1 to vector<16xi1>
    %ne3A_242 = vector.broadcast %ne3A_241 : vector<16xi1> to vector<16xi1>
    %ne3A_243 = arith.xori %lt3A_238, %ne3A_242 : vector<16xi1>
    %and3A_244 = arith.andi %ne3A_243, %ne3A_235 : vector<16xi1>
    %add3A_245 = vector.broadcast %select_n3A_230 : i32 to vector<16xi32>
    %add3A_246 = arith.addi %rem3A_232, %add3A_245 : vector<16xi32>
    %select_n3A_247 = arith.select %and3A_244, %add3A_246, %rem3A_232 : vector<16xi1>, vector<16xi32>
    %mul3A_248 = arith.constant 100000 : i32
    %mul3A_249 = vector.broadcast %mul3A_248 : i32 to vector<16xi32>
    %mul3A_250 = arith.muli %select_n3A_247, %mul3A_249 : vector<16xi32>
    %get3A_251 = arith.constant 96 : index
    %get3A_252 = tpu.vector_load %arg5[%get3A_251] {strides = array<i32>} : memref<13312xi32, #tpu.memory_space<vmem>>, vector<16xi32>,
    %get3A_253 = vector.shape_cast %get3A_252 : vector<16xi32> to vector<16xi32>
    %add3A_254 = arith.addi %get3A_253, %mul3A_250 : vector<16xi32>
    %swap3A_255 = arith.constant 96 : index
    %swap3A_256 = tpu.vector_load %arg5[%swap3A_255] {strides = array<i32>} : memref<13312xi32, #tpu.memory_space<vmem>>, vector<16xi32>,
    %swap3A_257 = vector.shape_cast %swap3A_256 : vector<16xi32> to vector<16xi32>
    %swap3A_258 = vector.shape_cast %add3A_254 : vector<16xi32> to vector<16xi32>
    tpu.vector_store %arg5[%swap3A_255], %swap3A_258 {strides = array<i32>} : memref<13312xi32, #tpu.memory_space<vmem>>, vector<16xi32>,
    %add3A_259 = arith.constant 112 : i32
    %add3A_260 = arith.addi %mul3A_2, %add3A_259 : i32
    %iota3A_261 = tpu.iota {dimensions = array<i32: 0>} : vector<16xi32>
    %add3A_262 = vector.broadcast %add3A_260 : i32 to vector<16xi32>
    %add3A_263 = arith.addi %add3A_262, %iota3A_261 : vector<16xi32>
    %jit3A_264 = arith.constant 26 : i32
    %eq3A_265 = arith.constant 0 : i32
    %eq3A_266 = arith.cmpi eq, %jit3A_264, %eq3A_265 : i32
    %jit3A_267 = arith.constant 1 : i32
    %select_n3A_268 = arith.select %eq3A_266, %jit3A_267, %jit3A_264 : i32
    %rem3A_269 = vector.broadcast %select_n3A_268 : i32 to vector<16xi32>
    %rem3A_270 = arith.remsi %add3A_263, %rem3A_269 : vector<16xi32>
    %ne3A_271 = arith.constant 0 : i32
    %ne3A_272 = vector.broadcast %ne3A_271 : i32 to vector<16xi32>
    %ne3A_273 = arith.cmpi ne, %rem3A_270, %ne3A_272 : vector<16xi32>
    %lt3A_274 = arith.constant 0 : i32
    %lt3A_275 = vector.broadcast %lt3A_274 : i32 to vector<16xi32>
    %lt3A_276 = arith.cmpi slt, %rem3A_270, %lt3A_275 : vector<16xi32>
    %lt3A_277 = arith.constant 0 : i32
    %lt3A_278 = arith.cmpi slt, %select_n3A_268, %lt3A_277 : i32
    %ne3A_279 = vector.broadcast %lt3A_278 : i1 to vector<16xi1>
    %ne3A_280 = vector.broadcast %ne3A_279 : vector<16xi1> to vector<16xi1>
    %ne3A_281 = arith.xori %lt3A_276, %ne3A_280 : vector<16xi1>
    %and3A_282 = arith.andi %ne3A_281, %ne3A_273 : vector<16xi1>
    %add3A_283 = vector.broadcast %select_n3A_268 : i32 to vector<16xi32>
    %add3A_284 = arith.addi %rem3A_270, %add3A_283 : vector<16xi32>
    %select_n3A_285 = arith.select %and3A_282, %add3A_284, %rem3A_270 : vector<16xi1>, vector<16xi32>
    %mul3A_286 = arith.constant 100000 : i32
    %mul3A_287 = vector.broadcast %mul3A_286 : i32 to vector<16xi32>
    %mul3A_288 = arith.muli %select_n3A_285, %mul3A_287 : vector<16xi32>
    %get3A_289 = arith.constant 112 : index
    %get3A_290 = tpu.vector_load %arg5[%get3A_289] {strides = array<i32>} : memref<13312xi32, #tpu.memory_space<vmem>>, vector<16xi32>,
    %get3A_291 = vector.shape_cast %get3A_290 : vector<16xi32> to vector<16xi32>
    %add3A_292 = arith.addi %get3A_291, %mul3A_288 : vector<16xi32>
    %swap3A_293 = arith.constant 112 : index
    %swap3A_294 = tpu.vector_load %arg5[%swap3A_293] {strides = array<i32>} : memref<13312xi32, #tpu.memory_space<vmem>>, vector<16xi32>,
    %swap3A_295 = vector.shape_cast %swap3A_294 : vector<16xi32> to vector<16xi32>
    %swap3A_296 = vector.shape_cast %add3A_292 : vector<16xi32> to vector<16xi32>
    tpu.vector_store %arg5[%swap3A_293], %swap3A_296 {strides = array<i32>} : memref<13312xi32, #tpu.memory_space<vmem>>, vector<16xi32>,
    %add3A_297 = arith.constant 128 : i32
    %add3A_298 = arith.addi %mul3A_2, %add3A_297 : i32
    %iota3A_299 = tpu.iota {dimensions = array<i32: 0>} : vector<16xi32>
    %add3A_300 = vector.broadcast %add3A_298 : i32 to vector<16xi32>
    %add3A_301 = arith.addi %add3A_300, %iota3A_299 : vector<16xi32>
    %jit3A_302 = arith.constant 26 : i32
    %eq3A_303 = arith.constant 0 : i32
    %eq3A_304 = arith.cmpi eq, %jit3A_302, %eq3A_303 : i32
    %jit3A_305 = arith.constant 1 : i32
    %select_n3A_306 = arith.select %eq3A_304, %jit3A_305, %jit3A_302 : i32
    %rem3A_307 = vector.broadcast %select_n3A_306 : i32 to vector<16xi32>
    %rem3A_308 = arith.remsi %add3A_301, %rem3A_307 : vector<16xi32>
    %ne3A_309 = arith.constant 0 : i32
    %ne3A_310 = vector.broadcast %ne3A_309 : i32 to vector<16xi32>
    %ne3A_311 = arith.cmpi ne, %rem3A_308, %ne3A_310 : vector<16xi32>
    %lt3A_312 = arith.constant 0 : i32
    %lt3A_313 = vector.broadcast %lt3A_312 : i32 to vector<16xi32>
    %lt3A_314 = arith.cmpi slt, %rem3A_308, %lt3A_313 : vector<16xi32>
    %lt3A_315 = arith.constant 0 : i32
    %lt3A_316 = arith.cmpi slt, %select_n3A_306, %lt3A_315 : i32
    %ne3A_317 = vector.broadcast %lt3A_316 : i1 to vector<16xi1>
    %ne3A_318 = vector.broadcast %ne3A_317 : vector<16xi1> to vector<16xi1>
    %ne3A_319 = arith.xori %lt3A_314, %ne3A_318 : vector<16xi1>
    %and3A_320 = arith.andi %ne3A_319, %ne3A_311 : vector<16xi1>
    %add3A_321 = vector.broadcast %select_n3A_306 : i32 to vector<16xi32>
    %add3A_322 = arith.addi %rem3A_308, %add3A_321 : vector<16xi32>
    %select_n3A_323 = arith.select %and3A_320, %add3A_322, %rem3A_308 : vector<16xi1>, vector<16xi32>
    %mul3A_324 = arith.constant 100000 : i32
    %mul3A_325 = vector.broadcast %mul3A_324 : i32 to vector<16xi32>
    %mul3A_326 = arith.muli %select_n3A_323, %mul3A_325 : vector<16xi32>
    %get3A_327 = arith.constant 128 : index
    %get3A_328 = tpu.vector_load %arg5[%get3A_327] {strides = array<i32>} : memref<13312xi32, #tpu.memory_space<vmem>>, vector<16xi32>,
    %get3A_329 = vector.shape_cast %get3A_328 : vector<16xi32> to vector<16xi32>
    %add3A_330 = arith.addi %get3A_329, %mul3A_326 : vector<16xi32>
    %swap3A_331 = arith.constant 128 : index
    %swap3A_332 = tpu.vector_load %arg5[%swap3A_331] {strides = array<i32>} : memref<13312xi32, #tpu.memory_space<vmem>>, vector<16xi32>,
    %swap3A_333 = vector.shape_cast %swap3A_332 : vector<16xi32> to vector<16xi32>
    %swap3A_334 = vector.shape_cast %add3A_330 : vector<16xi32> to vector<16xi32>
    tpu.vector_store %arg5[%swap3A_331], %swap3A_334 {strides = array<i32>} : memref<13312xi32, #tpu.memory_space<vmem>>, vector<16xi32>,
    %add3A_335 = arith.constant 144 : i32
    %add3A_336 = arith.addi %mul3A_2, %add3A_335 : i32
    %iota3A_337 = tpu.iota {dimensions = array<i32: 0>} : vector<16xi32>
    %add3A_338 = vector.broadcast %add3A_336 : i32 to vector<16xi32>
    %add3A_339 = arith.addi %add3A_338, %iota3A_337 : vector<16xi32>
    %jit3A_340 = arith.constant 26 : i32
    %eq3A_341 = arith.constant 0 : i32
    %eq3A_342 = arith.cmpi eq, %jit3A_340, %eq3A_341 : i32
    %jit3A_343 = arith.constant 1 : i32
    %select_n3A_344 = arith.select %eq3A_342, %jit3A_343, %jit3A_340 : i32
    %rem3A_345 = vector.broadcast %select_n3A_344 : i32 to vector<16xi32>
    %rem3A_346 = arith.remsi %add3A_339, %rem3A_345 : vector<16xi32>
    %ne3A_347 = arith.constant 0 : i32
    %ne3A_348 = vector.broadcast %ne3A_347 : i32 to vector<16xi32>
    %ne3A_349 = arith.cmpi ne, %rem3A_346, %ne3A_348 : vector<16xi32>
    %lt3A_350 = arith.constant 0 : i32
    %lt3A_351 = vector.broadcast %lt3A_350 : i32 to vector<16xi32>
    %lt3A_352 = arith.cmpi slt, %rem3A_346, %lt3A_351 : vector<16xi32>
    %lt3A_353 = arith.constant 0 : i32
    %lt3A_354 = arith.cmpi slt, %select_n3A_344, %lt3A_353 : i32
    %ne3A_355 = vector.broadcast %lt3A_354 : i1 to vector<16xi1>
    %ne3A_356 = vector.broadcast %ne3A_355 : vector<16xi1> to vector<16xi1>
    %ne3A_357 = arith.xori %lt3A_352, %ne3A_356 : vector<16xi1>
    %and3A_358 = arith.andi %ne3A_357, %ne3A_349 : vector<16xi1>
    %add3A_359 = vector.broadcast %select_n3A_344 : i32 to vector<16xi32>
    %add3A_360 = arith.addi %rem3A_346, %add3A_359 : vector<16xi32>
    %select_n3A_361 = arith.select %and3A_358, %add3A_360, %rem3A_346 : vector<16xi1>, vector<16xi32>
    %mul3A_362 = arith.constant 100000 : i32
    %mul3A_363 = vector.broadcast %mul3A_362 : i32 to vector<16xi32>
    %mul3A_364 = arith.muli %select_n3A_361, %mul3A_363 : vector<16xi32>
    %get3A_365 = arith.constant 144 : index
    %get3A_366 = tpu.vector_load %arg5[%get3A_365] {strides = array<i32>} : memref<13312xi32, #tpu.memory_space<vmem>>, vector<16xi32>,
    %get3A_367 = vector.shape_cast %get3A_366 : vector<16xi32> to vector<16xi32>
    %add3A_368 = arith.addi %get3A_367, %mul3A_364 : vector<16xi32>
    %swap3A_369 = arith.constant 144 : index
    %swap3A_370 = tpu.vector_load %arg5[%swap3A_369] {strides = array<i32>} : memref<13312xi32, #tpu.memory_space<vmem>>, vector<16xi32>,
    %swap3A_371 = vector.shape_cast %swap3A_370 : vector<16xi32> to vector<16xi32>
    %swap3A_372 = vector.shape_cast %add3A_368 : vector<16xi32> to vector<16xi32>
    tpu.vector_store %arg5[%swap3A_369], %swap3A_372 {strides = array<i32>} : memref<13312xi32, #tpu.memory_space<vmem>>, vector<16xi32>,
    %add3A_373 = arith.constant 160 : i32
    %add3A_374 = arith.addi %mul3A_2, %add3A_373 : i32
    %iota3A_375 = tpu.iota {dimensions = array<i32: 0>} : vector<16xi32>
    %add3A_376 = vector.broadcast %add3A_374 : i32 to vector<16xi32>
    %add3A_377 = arith.addi %add3A_376, %iota3A_375 : vector<16xi32>
    %jit3A_378 = arith.constant 26 : i32
    %eq3A_379 = arith.constant 0 : i32
    %eq3A_380 = arith.cmpi eq, %jit3A_378, %eq3A_379 : i32
    %jit3A_381 = arith.constant 1 : i32
    %select_n3A_382 = arith.select %eq3A_380, %jit3A_381, %jit3A_378 : i32
    %rem3A_383 = vector.broadcast %select_n3A_382 : i32 to vector<16xi32>
    %rem3A_384 = arith.remsi %add3A_377, %rem3A_383 : vector<16xi32>
    %ne3A_385 = arith.constant 0 : i32
    %ne3A_386 = vector.broadcast %ne3A_385 : i32 to vector<16xi32>
    %ne3A_387 = arith.cmpi ne, %rem3A_384, %ne3A_386 : vector<16xi32>
    %lt3A_388 = arith.constant 0 : i32
    %lt3A_389 = vector.broadcast %lt3A_388 : i32 to vector<16xi32>
    %lt3A_390 = arith.cmpi slt, %rem3A_384, %lt3A_389 : vector<16xi32>
    %lt3A_391 = arith.constant 0 : i32
    %lt3A_392 = arith.cmpi slt, %select_n3A_382, %lt3A_391 : i32
    %ne3A_393 = vector.broadcast %lt3A_392 : i1 to vector<16xi1>
    %ne3A_394 = vector.broadcast %ne3A_393 : vector<16xi1> to vector<16xi1>
    %ne3A_395 = arith.xori %lt3A_390, %ne3A_394 : vector<16xi1>
    %and3A_396 = arith.andi %ne3A_395, %ne3A_387 : vector<16xi1>
    %add3A_397 = vector.broadcast %select_n3A_382 : i32 to vector<16xi32>
    %add3A_398 = arith.addi %rem3A_384, %add3A_397 : vector<16xi32>
    %select_n3A_399 = arith.select %and3A_396, %add3A_398, %rem3A_384 : vector<16xi1>, vector<16xi32>
    %mul3A_400 = arith.constant 100000 : i32
    %mul3A_401 = vector.broadcast %mul3A_400 : i32 to vector<16xi32>
    %mul3A_402 = arith.muli %select_n3A_399, %mul3A_401 : vector<16xi32>
    %get3A_403 = arith.constant 160 : index
    %get3A_404 = tpu.vector_load %arg5[%get3A_403] {strides = array<i32>} : memref<13312xi32, #tpu.memory_space<vmem>>, vector<16xi32>,
    %get3A_405 = vector.shape_cast %get3A_404 : vector<16xi32> to vector<16xi32>
    %add3A_406 = arith.addi %get3A_405, %mul3A_402 : vector<16xi32>
    %swap3A_407 = arith.constant 160 : index
    %swap3A_408 = tpu.vector_load %arg5[%swap3A_407] {strides = array<i32>} : memref<13312xi32, #tpu.memory_space<vmem>>, vector<16xi32>,
    %swap3A_409 = vector.shape_cast %swap3A_408 : vector<16xi32> to vector<16xi32>
    %swap3A_410 = vector.shape_cast %add3A_406 : vector<16xi32> to vector<16xi32>
    tpu.vector_store %arg5[%swap3A_407], %swap3A_410 {strides = array<i32>} : memref<13312xi32, #tpu.memory_space<vmem>>, vector<16xi32>,
    %add3A_411 = arith.constant 176 : i32
    %add3A_412 = arith.addi %mul3A_2, %add3A_411 : i32
    %iota3A_413 = tpu.iota {dimensions = array<i32: 0>} : vector<16xi32>
    %add3A_414 = vector.broadcast %add3A_412 : i32 to vector<16xi32>
    %add3A_415 = arith.addi %add3A_414, %iota3A_413 : vector<16xi32>
    %jit3A_416 = arith.constant 26 : i32
    %eq3A_417 = arith.constant 0 : i32
    %eq3A_418 = arith.cmpi eq, %jit3A_416, %eq3A_417 : i32
    %jit3A_419 = arith.constant 1 : i32
    %select_n3A_420 = arith.select %eq3A_418, %jit3A_419, %jit3A_416 : i32
    %rem3A_421 = vector.broadcast %select_n3A_420 : i32 to vector<16xi32>
    %rem3A_422 = arith.remsi %add3A_415, %rem3A_421 : vector<16xi32>
    %ne3A_423 = arith.constant 0 : i32
    %ne3A_424 = vector.broadcast %ne3A_423 : i32 to vector<16xi32>
    %ne3A_425 = arith.cmpi ne, %rem3A_422, %ne3A_424 : vector<16xi32>
    %lt3A_426 = arith.constant 0 : i32
    %lt3A_427 = vector.broadcast %lt3A_426 : i32 to vector<16xi32>
    %lt3A_428 = arith.cmpi slt, %rem3A_422, %lt3A_427 : vector<16xi32>
    %lt3A_429 = arith.constant 0 : i32
    %lt3A_430 = arith.cmpi slt, %select_n3A_420, %lt3A_429 : i32
    %ne3A_431 = vector.broadcast %lt3A_430 : i1 to vector<16xi1>
    %ne3A_432 = vector.broadcast %ne3A_431 : vector<16xi1> to vector<16xi1>
    %ne3A_433 = arith.xori %lt3A_428, %ne3A_432 : vector<16xi1>
    %and3A_434 = arith.andi %ne3A_433, %ne3A_425 : vector<16xi1>
    %add3A_435 = vector.broadcast %select_n3A_420 : i32 to vector<16xi32>
    %add3A_436 = arith.addi %rem3A_422, %add3A_435 : vector<16xi32>
    %select_n3A_437 = arith.select %and3A_434, %add3A_436, %rem3A_422 : vector<16xi1>, vector<16xi32>
    %mul3A_438 = arith.constant 100000 : i32
    %mul3A_439 = vector.broadcast %mul3A_438 : i32 to vector<16xi32>
    %mul3A_440 = arith.muli %select_n3A_437, %mul3A_439 : vector<16xi32>
    %get3A_441 = arith.constant 176 : index
    %get3A_442 = tpu.vector_load %arg5[%get3A_441] {strides = array<i32>} : memref<13312xi32, #tpu.memory_space<vmem>>, vector<16xi32>,
    %get3A_443 = vector.shape_cast %get3A_442 : vector<16xi32> to vector<16xi32>
    %add3A_444 = arith.addi %get3A_443, %mul3A_440 : vector<16xi32>
    %swap3A_445 = arith.constant 176 : index
    %swap3A_446 = tpu.vector_load %arg5[%swap3A_445] {strides = array<i32>} : memref<13312xi32, #tpu.memory_space<vmem>>, vector<16xi32>,
    %swap3A_447 = vector.shape_cast %swap3A_446 : vector<16xi32> to vector<16xi32>
    %swap3A_448 = vector.shape_cast %add3A_444 : vector<16xi32> to vector<16xi32>
    tpu.vector_store %arg5[%swap3A_445], %swap3A_448 {strides = array<i32>} : memref<13312xi32, #tpu.memory_space<vmem>>, vector<16xi32>,
    %add3A_449 = arith.constant 192 : i32
    %add3A_450 = arith.addi %mul3A_2, %add3A_449 : i32
    %iota3A_451 = tpu.iota {dimensions = array<i32: 0>} : vector<16xi32>
    %add3A_452 = vector.broadcast %add3A_450 : i32 to vector<16xi32>
    %add3A_453 = arith.addi %add3A_452, %iota3A_451 : vector<16xi32>
    %jit3A_454 = arith.constant 26 : i32
    %eq3A_455 = arith.constant 0 : i32
    %eq3A_456 = arith.cmpi eq, %jit3A_454, %eq3A_455 : i32
    %jit3A_457 = arith.constant 1 : i32
    %select_n3A_458 = arith.select %eq3A_456, %jit3A_457, %jit3A_454 : i32
    %rem3A_459 = vector.broadcast %select_n3A_458 : i32 to vector<16xi32>
    %rem3A_460 = arith.remsi %add3A_453, %rem3A_459 : vector<16xi32>
    %ne3A_461 = arith.constant 0 : i32
    %ne3A_462 = vector.broadcast %ne3A_461 : i32 to vector<16xi32>
    %ne3A_463 = arith.cmpi ne, %rem3A_460, %ne3A_462 : vector<16xi32>
    %lt3A_464 = arith.constant 0 : i32
    %lt3A_465 = vector.broadcast %lt3A_464 : i32 to vector<16xi32>
    %lt3A_466 = arith.cmpi slt, %rem3A_460, %lt3A_465 : vector<16xi32>
    %lt3A_467 = arith.constant 0 : i32
    %lt3A_468 = arith.cmpi slt, %select_n3A_458, %lt3A_467 : i32
    %ne3A_469 = vector.broadcast %lt3A_468 : i1 to vector<16xi1>
    %ne3A_470 = vector.broadcast %ne3A_469 : vector<16xi1> to vector<16xi1>
    %ne3A_471 = arith.xori %lt3A_466, %ne3A_470 : vector<16xi1>
    %and3A_472 = arith.andi %ne3A_471, %ne3A_463 : vector<16xi1>
    %add3A_473 = vector.broadcast %select_n3A_458 : i32 to vector<16xi32>
    %add3A_474 = arith.addi %rem3A_460, %add3A_473 : vector<16xi32>
    %select_n3A_475 = arith.select %and3A_472, %add3A_474, %rem3A_460 : vector<16xi1>, vector<16xi32>
    %mul3A_476 = arith.constant 100000 : i32
    %mul3A_477 = vector.broadcast %mul3A_476 : i32 to vector<16xi32>
    %mul3A_478 = arith.muli %select_n3A_475, %mul3A_477 : vector<16xi32>
    %get3A_479 = arith.constant 192 : index
    %get3A_480 = tpu.vector_load %arg5[%get3A_479] {strides = array<i32>} : memref<13312xi32, #tpu.memory_space<vmem>>, vector<16xi32>,
    %get3A_481 = vector.shape_cast %get3A_480 : vector<16xi32> to vector<16xi32>
    %add3A_482 = arith.addi %get3A_481, %mul3A_478 : vector<16xi32>
    %swap3A_483 = arith.constant 192 : index
    %swap3A_484 = tpu.vector_load %arg5[%swap3A_483] {strides = array<i32>} : memref<13312xi32, #tpu.memory_space<vmem>>, vector<16xi32>,
    %swap3A_485 = vector.shape_cast %swap3A_484 : vector<16xi32> to vector<16xi32>
    %swap3A_486 = vector.shape_cast %add3A_482 : vector<16xi32> to vector<16xi32>
    tpu.vector_store %arg5[%swap3A_483], %swap3A_486 {strides = array<i32>} : memref<13312xi32, #tpu.memory_space<vmem>>, vector<16xi32>,
    %add3A_487 = arith.constant 208 : i32
    %add3A_488 = arith.addi %mul3A_2, %add3A_487 : i32
    %iota3A_489 = tpu.iota {dimensions = array<i32: 0>} : vector<16xi32>
    %add3A_490 = vector.broadcast %add3A_488 : i32 to vector<16xi32>
    %add3A_491 = arith.addi %add3A_490, %iota3A_489 : vector<16xi32>
    %jit3A_492 = arith.constant 26 : i32
    %eq3A_493 = arith.constant 0 : i32
    %eq3A_494 = arith.cmpi eq, %jit3A_492, %eq3A_493 : i32
    %jit3A_495 = arith.constant 1 : i32
    %select_n3A_496 = arith.select %eq3A_494, %jit3A_495, %jit3A_492 : i32
    %rem3A_497 = vector.broadcast %select_n3A_496 : i32 to vector<16xi32>
    %rem3A_498 = arith.remsi %add3A_491, %rem3A_497 : vector<16xi32>
    %ne3A_499 = arith.constant 0 : i32
    %ne3A_500 = vector.broadcast %ne3A_499 : i32 to vector<16xi32>
    %ne3A_501 = arith.cmpi ne, %rem3A_498, %ne3A_500 : vector<16xi32>
    %lt3A_502 = arith.constant 0 : i32
    %lt3A_503 = vector.broadcast %lt3A_502 : i32 to vector<16xi32>
    %lt3A_504 = arith.cmpi slt, %rem3A_498, %lt3A_503 : vector<16xi32>
    %lt3A_505 = arith.constant 0 : i32
    %lt3A_506 = arith.cmpi slt, %select_n3A_496, %lt3A_505 : i32
    %ne3A_507 = vector.broadcast %lt3A_506 : i1 to vector<16xi1>
    %ne3A_508 = vector.broadcast %ne3A_507 : vector<16xi1> to vector<16xi1>
    %ne3A_509 = arith.xori %lt3A_504, %ne3A_508 : vector<16xi1>
    %and3A_510 = arith.andi %ne3A_509, %ne3A_501 : vector<16xi1>
    %add3A_511 = vector.broadcast %select_n3A_496 : i32 to vector<16xi32>
    %add3A_512 = arith.addi %rem3A_498, %add3A_511 : vector<16xi32>
    %select_n3A_513 = arith.select %and3A_510, %add3A_512, %rem3A_498 : vector<16xi1>, vector<16xi32>
    %mul3A_514 = arith.constant 100000 : i32
    %mul3A_515 = vector.broadcast %mul3A_514 : i32 to vector<16xi32>
    %mul3A_516 = arith.muli %select_n3A_513, %mul3A_515 : vector<16xi32>
    %get3A_517 = arith.constant 208 : index
    %get3A_518 = tpu.vector_load %arg5[%get3A_517] {strides = array<i32>} : memref<13312xi32, #tpu.memory_space<vmem>>, vector<16xi32>,
    %get3A_519 = vector.shape_cast %get3A_518 : vector<16xi32> to vector<16xi32>
    %add3A_520 = arith.addi %get3A_519, %mul3A_516 : vector<16xi32>
    %swap3A_521 = arith.constant 208 : index
    %swap3A_522 = tpu.vector_load %arg5[%swap3A_521] {strides = array<i32>} : memref<13312xi32, #tpu.memory_space<vmem>>, vector<16xi32>,
    %swap3A_523 = vector.shape_cast %swap3A_522 : vector<16xi32> to vector<16xi32>
    %swap3A_524 = vector.shape_cast %add3A_520 : vector<16xi32> to vector<16xi32>
    tpu.vector_store %arg5[%swap3A_521], %swap3A_524 {strides = array<i32>} : memref<13312xi32, #tpu.memory_space<vmem>>, vector<16xi32>,
    %add3A_525 = arith.constant 224 : i32
    %add3A_526 = arith.addi %mul3A_2, %add3A_525 : i32
    %iota3A_527 = tpu.iota {dimensions = array<i32: 0>} : vector<16xi32>
    %add3A_528 = vector.broadcast %add3A_526 : i32 to vector<16xi32>
    %add3A_529 = arith.addi %add3A_528, %iota3A_527 : vector<16xi32>
    %jit3A_530 = arith.constant 26 : i32
    %eq3A_531 = arith.constant 0 : i32
    %eq3A_532 = arith.cmpi eq, %jit3A_530, %eq3A_531 : i32
    %jit3A_533 = arith.constant 1 : i32
    %select_n3A_534 = arith.select %eq3A_532, %jit3A_533, %jit3A_530 : i32
    %rem3A_535 = vector.broadcast %select_n3A_534 : i32 to vector<16xi32>
    %rem3A_536 = arith.remsi %add3A_529, %rem3A_535 : vector<16xi32>
    %ne3A_537 = arith.constant 0 : i32
    %ne3A_538 = vector.broadcast %ne3A_537 : i32 to vector<16xi32>
    %ne3A_539 = arith.cmpi ne, %rem3A_536, %ne3A_538 : vector<16xi32>
    %lt3A_540 = arith.constant 0 : i32
    %lt3A_541 = vector.broadcast %lt3A_540 : i32 to vector<16xi32>
    %lt3A_542 = arith.cmpi slt, %rem3A_536, %lt3A_541 : vector<16xi32>
    %lt3A_543 = arith.constant 0 : i32
    %lt3A_544 = arith.cmpi slt, %select_n3A_534, %lt3A_543 : i32
    %ne3A_545 = vector.broadcast %lt3A_544 : i1 to vector<16xi1>
    %ne3A_546 = vector.broadcast %ne3A_545 : vector<16xi1> to vector<16xi1>
    %ne3A_547 = arith.xori %lt3A_542, %ne3A_546 : vector<16xi1>
    %and3A_548 = arith.andi %ne3A_547, %ne3A_539 : vector<16xi1>
    %add3A_549 = vector.broadcast %select_n3A_534 : i32 to vector<16xi32>
    %add3A_550 = arith.addi %rem3A_536, %add3A_549 : vector<16xi32>
    %select_n3A_551 = arith.select %and3A_548, %add3A_550, %rem3A_536 : vector<16xi1>, vector<16xi32>
    %mul3A_552 = arith.constant 100000 : i32
    %mul3A_553 = vector.broadcast %mul3A_552 : i32 to vector<16xi32>
    %mul3A_554 = arith.muli %select_n3A_551, %mul3A_553 : vector<16xi32>
    %get3A_555 = arith.constant 224 : index
    %get3A_556 = tpu.vector_load %arg5[%get3A_555] {strides = array<i32>} : memref<13312xi32, #tpu.memory_space<vmem>>, vector<16xi32>,
    %get3A_557 = vector.shape_cast %get3A_556 : vector<16xi32> to vector<16xi32>
    %add3A_558 = arith.addi %get3A_557, %mul3A_554 : vector<16xi32>
    %swap3A_559 = arith.constant 224 : index
    %swap3A_560 = tpu.vector_load %arg5[%swap3A_559] {strides = array<i32>} : memref<13312xi32, #tpu.memory_space<vmem>>, vector<16xi32>,
    %swap3A_561 = vector.shape_cast %swap3A_560 : vector<16xi32> to vector<16xi32>
    %swap3A_562 = vector.shape_cast %add3A_558 : vector<16xi32> to vector<16xi32>
    tpu.vector_store %arg5[%swap3A_559], %swap3A_562 {strides = array<i32>} : memref<13312xi32, #tpu.memory_space<vmem>>, vector<16xi32>,
    %add3A_563 = arith.constant 240 : i32
    %add3A_564 = arith.addi %mul3A_2, %add3A_563 : i32
    %iota3A_565 = tpu.iota {dimensions = array<i32: 0>} : vector<16xi32>
    %add3A_566 = vector.broadcast %add3A_564 : i32 to vector<16xi32>
    %add3A_567 = arith.addi %add3A_566, %iota3A_565 : vector<16xi32>
    %jit3A_568 = arith.constant 26 : i32
    %eq3A_569 = arith.constant 0 : i32
    %eq3A_570 = arith.cmpi eq, %jit3A_568, %eq3A_569 : i32
    %jit3A_571 = arith.constant 1 : i32
    %select_n3A_572 = arith.select %eq3A_570, %jit3A_571, %jit3A_568 : i32
    %rem3A_573 = vector.broadcast %select_n3A_572 : i32 to vector<16xi32>
    %rem3A_574 = arith.remsi %add3A_567, %rem3A_573 : vector<16xi32>
    %ne3A_575 = arith.constant 0 : i32
    %ne3A_576 = vector.broadcast %ne3A_575 : i32 to vector<16xi32>
    %ne3A_577 = arith.cmpi ne, %rem3A_574, %ne3A_576 : vector<16xi32>
    %lt3A_578 = arith.constant 0 : i32
    %lt3A_579 = vector.broadcast %lt3A_578 : i32 to vector<16xi32>
    %lt3A_580 = arith.cmpi slt, %rem3A_574, %lt3A_579 : vector<16xi32>
    %lt3A_581 = arith.constant 0 : i32
    %lt3A_582 = arith.cmpi slt, %select_n3A_572, %lt3A_581 : i32
    %ne3A_583 = vector.broadcast %lt3A_582 : i1 to vector<16xi1>
    %ne3A_584 = vector.broadcast %ne3A_583 : vector<16xi1> to vector<16xi1>
    %ne3A_585 = arith.xori %lt3A_580, %ne3A_584 : vector<16xi1>
    %and3A_586 = arith.andi %ne3A_585, %ne3A_577 : vector<16xi1>
    %add3A_587 = vector.broadcast %select_n3A_572 : i32 to vector<16xi32>
    %add3A_588 = arith.addi %rem3A_574, %add3A_587 : vector<16xi32>
    %select_n3A_589 = arith.select %and3A_586, %add3A_588, %rem3A_574 : vector<16xi1>, vector<16xi32>
    %mul3A_590 = arith.constant 100000 : i32
    %mul3A_591 = vector.broadcast %mul3A_590 : i32 to vector<16xi32>
    %mul3A_592 = arith.muli %select_n3A_589, %mul3A_591 : vector<16xi32>
    %get3A_593 = arith.constant 240 : index
    %get3A_594 = tpu.vector_load %arg5[%get3A_593] {strides = array<i32>} : memref<13312xi32, #tpu.memory_space<vmem>>, vector<16xi32>,
    %get3A_595 = vector.shape_cast %get3A_594 : vector<16xi32> to vector<16xi32>
    %add3A_596 = arith.addi %get3A_595, %mul3A_592 : vector<16xi32>
    %swap3A_597 = arith.constant 240 : index
    %swap3A_598 = tpu.vector_load %arg5[%swap3A_597] {strides = array<i32>} : memref<13312xi32, #tpu.memory_space<vmem>>, vector<16xi32>,
    %swap3A_599 = vector.shape_cast %swap3A_598 : vector<16xi32> to vector<16xi32>
    %swap3A_600 = vector.shape_cast %add3A_596 : vector<16xi32> to vector<16xi32>
    tpu.vector_store %arg5[%swap3A_597], %swap3A_600 {strides = array<i32>} : memref<13312xi32, #tpu.memory_space<vmem>>, vector<16xi32>,
    %dma_start3A = arith.constant 0 : i32
    %dma_start3A_601 = arith.constant 0 : i32
    %dma_start3A_602 = tpu.memref_slice %arg6[%dma_start3A, %dma_start3A_601] : memref<256x128xf32, #tpu.memory_space<vmem>> -> memref<128x128xf32, #tpu.memory_space<vmem>>
    %dma_start3A_603 = arith.constant 0 : i32
    %dma_start3A_604 = tpu.memref_slice %arg5[%dma_start3A_603] : memref<13312xi32, #tpu.memory_space<vmem>> -> memref<128xi32, #tpu.memory_space<vmem>>
    %dma_start3A_605 = arith.constant 0 : i32
    %dma_start3A_606 = arith.constant 0 : i32
    %dma_start3A_607 = tpu.memref_slice %arg3[%dma_start3A_605, %dma_start3A_606] : memref<2600000x128xf32, #tpu.memory_space<hbm>> -> memref<2600000x128xf32, #tpu.memory_space<hbm>>
    tpu.enqueue_indirect_dma source(%dma_start3A_607 : memref<2600000x128xf32, #tpu.memory_space<hbm>>) target(%dma_start3A_602 : memref<128x128xf32, #tpu.memory_space<vmem>>) offsets(%dma_start3A_604 : memref<128xi32, #tpu.memory_space<vmem>>) semaphore(%arg8 : memref<!tpu.dma_semaphore, #tpu.memory_space<semaphore_mem>>)
    %dma_start3A_608 = arith.constant 128 : i32
    %dma_start3A_609 = arith.constant 0 : i32
    %dma_start3A_610 = tpu.memref_slice %arg6[%dma_start3A_608, %dma_start3A_609] : memref<256x128xf32, #tpu.memory_space<vmem>> -> memref<128x128xf32, #tpu.memory_space<vmem>>
    %dma_start3A_611 = arith.constant 128 : i32
    %dma_start3A_612 = tpu.memref_slice %arg5[%dma_start3A_611] : memref<13312xi32, #tpu.memory_space<vmem>> -> memref<128xi32, #tpu.memory_space<vmem>>
    %dma_start3A_613 = arith.constant 0 : i32
    %dma_start3A_614 = arith.constant 0 : i32
    %dma_start3A_615 = tpu.memref_slice %arg3[%dma_start3A_613, %dma_start3A_614] : memref<2600000x128xf32, #tpu.memory_space<hbm>> -> memref<2600000x128xf32, #tpu.memory_space<hbm>>
    tpu.enqueue_indirect_dma source(%dma_start3A_615 : memref<2600000x128xf32, #tpu.memory_space<hbm>>) target(%dma_start3A_610 : memref<128x128xf32, #tpu.memory_space<vmem>>) offsets(%dma_start3A_612 : memref<128xi32, #tpu.memory_space<vmem>>) semaphore(%arg8 : memref<!tpu.dma_semaphore, #tpu.memory_space<semaphore_mem>>)
    %scan3A = arith.constant 0 : i32
    %scan3A_616 = arith.constant 0 : i32
    %scan3A_617 = arith.constant 26 : i32
    %scan3A_618 = arith.addi %scan3A_616, %scan3A_617 : i32
    %scan3A_619 = arith.constant 1 : i32
    scf.for %scan3A_628 = %scan3A_616 to %scan3A_618 step %scan3A_619  : i32 {
      %mul3A_629 = arith.constant 2 : i32
      %mul3A_630 = arith.muli %mul3A_629, %scan3A_628 : i32
      %gt3A = arith.constant 0 : i32
      %gt3A_631 = arith.cmpi sgt, %scan3A_628, %gt3A : i32
      %convert_element_type3A = arith.extui %gt3A_631 : i1 to i32
      %cond3A = arith.constant 0 : i32
      %cond3A_632 = arith.cmpi ne, %convert_element_type3A, %cond3A : i32
      scf.if %cond3A_632 {
        %dma_wait3A_1348 = arith.constant 0 : i32
        %dma_wait3A_1349 = tpu.memref_slice %arg4[%mul3A_2, %dma_wait3A_1348] : memref<425984x128xf32, #tpu.memory_space<hbm>> -> memref<256x128xf32, #tpu.memory_space<hbm>>
        %dma_wait3A_1350 = arith.constant 0 : i32
        %dma_wait3A_1351 = tpu.memref_slice %arg4[%mul3A_2, %dma_wait3A_1350] : memref<425984x128xf32, #tpu.memory_space<hbm>> -> memref<256x128xf32, #tpu.memory_space<hbm>>
        tpu.wait_dma2 semaphore(%arg11 : memref<!tpu.dma_semaphore, #tpu.memory_space<semaphore_mem>>) src(%arg7 : memref<256x128xf32, #tpu.memory_space<vmem>>) dst(%dma_wait3A_1351 : memref<256x128xf32, #tpu.memory_space<hbm>>)
      } else {
      }
      %add3A_633 = arith.constant 1 : i32
      %add3A_634 = arith.addi %mul3A_630, %add3A_633 : i32
      %mul3A_635 = arith.constant 256 : i32
      %mul3A_636 = arith.muli %add3A_634, %mul3A_635 : i32
      %add3A_637 = arith.constant 0 : i32
      %add3A_638 = arith.addi %mul3A_636, %add3A_637 : i32
      %add3A_639 = arith.addi %mul3A_2, %add3A_638 : i32
      %iota3A_640 = tpu.iota {dimensions = array<i32: 0>} : vector<16xi32>
      %add3A_641 = vector.broadcast %add3A_639 : i32 to vector<16xi32>
      %add3A_642 = arith.addi %add3A_641, %iota3A_640 : vector<16xi32>
      %jit3A_643 = arith.constant 26 : i32
      %eq3A_644 = arith.constant 0 : i32
      %eq3A_645 = arith.cmpi eq, %jit3A_643, %eq3A_644 : i32
      %jit3A_646 = arith.constant 1 : i32
      %select_n3A_647 = arith.select %eq3A_645, %jit3A_646, %jit3A_643 : i32
      %rem3A_648 = vector.broadcast %select_n3A_647 : i32 to vector<16xi32>
      %rem3A_649 = arith.remsi %add3A_642, %rem3A_648 : vector<16xi32>
      %ne3A_650 = arith.constant 0 : i32
      %ne3A_651 = vector.broadcast %ne3A_650 : i32 to vector<16xi32>
      %ne3A_652 = arith.cmpi ne, %rem3A_649, %ne3A_651 : vector<16xi32>
      %lt3A_653 = arith.constant 0 : i32
      %lt3A_654 = vector.broadcast %lt3A_653 : i32 to vector<16xi32>
      %lt3A_655 = arith.cmpi slt, %rem3A_649, %lt3A_654 : vector<16xi32>
      %lt3A_656 = arith.constant 0 : i32
      %lt3A_657 = arith.cmpi slt, %select_n3A_647, %lt3A_656 : i32
      %ne3A_658 = vector.broadcast %lt3A_657 : i1 to vector<16xi1>
      %ne3A_659 = vector.broadcast %ne3A_658 : vector<16xi1> to vector<16xi1>
      %ne3A_660 = arith.xori %lt3A_655, %ne3A_659 : vector<16xi1>
      %and3A_661 = arith.andi %ne3A_660, %ne3A_652 : vector<16xi1>
      %add3A_662 = vector.broadcast %select_n3A_647 : i32 to vector<16xi32>
      %add3A_663 = arith.addi %rem3A_649, %add3A_662 : vector<16xi32>
      %select_n3A_664 = arith.select %and3A_661, %add3A_663, %rem3A_649 : vector<16xi1>, vector<16xi32>
      %mul3A_665 = arith.constant 100000 : i32
      %mul3A_666 = vector.broadcast %mul3A_665 : i32 to vector<16xi32>
      %mul3A_667 = arith.muli %select_n3A_664, %mul3A_666 : vector<16xi32>
      %get3A_668 = arith.index_cast %add3A_638 : i32 to index
      %get3A_669 = tpu.vector_load %arg5[%get3A_668] {strides = array<i32>} : memref<13312xi32, #tpu.memory_space<vmem>>, vector<16xi32>,
      %get3A_670 = vector.shape_cast %get3A_669 : vector<16xi32> to vector<16xi32>
      %add3A_671 = arith.addi %get3A_670, %mul3A_667 : vector<16xi32>
      %swap3A_672 = arith.index_cast %add3A_638 : i32 to index
      %swap3A_673 = tpu.vector_load %arg5[%swap3A_672] {strides = array<i32>} : memref<13312xi32, #tpu.memory_space<vmem>>, vector<16xi32>,
      %swap3A_674 = vector.shape_cast %swap3A_673 : vector<16xi32> to vector<16xi32>
      %swap3A_675 = vector.shape_cast %add3A_671 : vector<16xi32> to vector<16xi32>
      tpu.vector_store %arg5[%swap3A_672], %swap3A_675 {strides = array<i32>} : memref<13312xi32, #tpu.memory_space<vmem>>, vector<16xi32>,
      %mul3A_676 = arith.constant 256 : i32
      %mul3A_677 = arith.muli %add3A_634, %mul3A_676 : i32
      %add3A_678 = arith.constant 16 : i32
      %add3A_679 = arith.addi %mul3A_677, %add3A_678 : i32
      %add3A_680 = arith.addi %mul3A_2, %add3A_679 : i32
      %iota3A_681 = tpu.iota {dimensions = array<i32: 0>} : vector<16xi32>
      %add3A_682 = vector.broadcast %add3A_680 : i32 to vector<16xi32>
      %add3A_683 = arith.addi %add3A_682, %iota3A_681 : vector<16xi32>
      %jit3A_684 = arith.constant 26 : i32
      %eq3A_685 = arith.constant 0 : i32
      %eq3A_686 = arith.cmpi eq, %jit3A_684, %eq3A_685 : i32
      %jit3A_687 = arith.constant 1 : i32
      %select_n3A_688 = arith.select %eq3A_686, %jit3A_687, %jit3A_684 : i32
      %rem3A_689 = vector.broadcast %select_n3A_688 : i32 to vector<16xi32>
      %rem3A_690 = arith.remsi %add3A_683, %rem3A_689 : vector<16xi32>
      %ne3A_691 = arith.constant 0 : i32
      %ne3A_692 = vector.broadcast %ne3A_691 : i32 to vector<16xi32>
      %ne3A_693 = arith.cmpi ne, %rem3A_690, %ne3A_692 : vector<16xi32>
      %lt3A_694 = arith.constant 0 : i32
      %lt3A_695 = vector.broadcast %lt3A_694 : i32 to vector<16xi32>
      %lt3A_696 = arith.cmpi slt, %rem3A_690, %lt3A_695 : vector<16xi32>
      %lt3A_697 = arith.constant 0 : i32
      %lt3A_698 = arith.cmpi slt, %select_n3A_688, %lt3A_697 : i32
      %ne3A_699 = vector.broadcast %lt3A_698 : i1 to vector<16xi1>
      %ne3A_700 = vector.broadcast %ne3A_699 : vector<16xi1> to vector<16xi1>
      %ne3A_701 = arith.xori %lt3A_696, %ne3A_700 : vector<16xi1>
      %and3A_702 = arith.andi %ne3A_701, %ne3A_693 : vector<16xi1>
      %add3A_703 = vector.broadcast %select_n3A_688 : i32 to vector<16xi32>
      %add3A_704 = arith.addi %rem3A_690, %add3A_703 : vector<16xi32>
      %select_n3A_705 = arith.select %and3A_702, %add3A_704, %rem3A_690 : vector<16xi1>, vector<16xi32>
      %mul3A_706 = arith.constant 100000 : i32
      %mul3A_707 = vector.broadcast %mul3A_706 : i32 to vector<16xi32>
      %mul3A_708 = arith.muli %select_n3A_705, %mul3A_707 : vector<16xi32>
      %get3A_709 = arith.index_cast %add3A_679 : i32 to index
      %get3A_710 = tpu.vector_load %arg5[%get3A_709] {strides = array<i32>} : memref<13312xi32, #tpu.memory_space<vmem>>, vector<16xi32>,
      %get3A_711 = vector.shape_cast %get3A_710 : vector<16xi32> to vector<16xi32>
      %add3A_712 = arith.addi %get3A_711, %mul3A_708 : vector<16xi32>
      %swap3A_713 = arith.index_cast %add3A_679 : i32 to index
      %swap3A_714 = tpu.vector_load %arg5[%swap3A_713] {strides = array<i32>} : memref<13312xi32, #tpu.memory_space<vmem>>, vector<16xi32>,
      %swap3A_715 = vector.shape_cast %swap3A_714 : vector<16xi32> to vector<16xi32>
      %swap3A_716 = vector.shape_cast %add3A_712 : vector<16xi32> to vector<16xi32>
      tpu.vector_store %arg5[%swap3A_713], %swap3A_716 {strides = array<i32>} : memref<13312xi32, #tpu.memory_space<vmem>>, vector<16xi32>,
      %mul3A_717 = arith.constant 256 : i32
      %mul3A_718 = arith.muli %add3A_634, %mul3A_717 : i32
      %add3A_719 = arith.constant 32 : i32
      %add3A_720 = arith.addi %mul3A_718, %add3A_719 : i32
      %add3A_721 = arith.addi %mul3A_2, %add3A_720 : i32
      %iota3A_722 = tpu.iota {dimensions = array<i32: 0>} : vector<16xi32>
      %add3A_723 = vector.broadcast %add3A_721 : i32 to vector<16xi32>
      %add3A_724 = arith.addi %add3A_723, %iota3A_722 : vector<16xi32>
      %jit3A_725 = arith.constant 26 : i32
      %eq3A_726 = arith.constant 0 : i32
      %eq3A_727 = arith.cmpi eq, %jit3A_725, %eq3A_726 : i32
      %jit3A_728 = arith.constant 1 : i32
      %select_n3A_729 = arith.select %eq3A_727, %jit3A_728, %jit3A_725 : i32
      %rem3A_730 = vector.broadcast %select_n3A_729 : i32 to vector<16xi32>
      %rem3A_731 = arith.remsi %add3A_724, %rem3A_730 : vector<16xi32>
      %ne3A_732 = arith.constant 0 : i32
      %ne3A_733 = vector.broadcast %ne3A_732 : i32 to vector<16xi32>
      %ne3A_734 = arith.cmpi ne, %rem3A_731, %ne3A_733 : vector<16xi32>
      %lt3A_735 = arith.constant 0 : i32
      %lt3A_736 = vector.broadcast %lt3A_735 : i32 to vector<16xi32>
      %lt3A_737 = arith.cmpi slt, %rem3A_731, %lt3A_736 : vector<16xi32>
      %lt3A_738 = arith.constant 0 : i32
      %lt3A_739 = arith.cmpi slt, %select_n3A_729, %lt3A_738 : i32
      %ne3A_740 = vector.broadcast %lt3A_739 : i1 to vector<16xi1>
      %ne3A_741 = vector.broadcast %ne3A_740 : vector<16xi1> to vector<16xi1>
      %ne3A_742 = arith.xori %lt3A_737, %ne3A_741 : vector<16xi1>
      %and3A_743 = arith.andi %ne3A_742, %ne3A_734 : vector<16xi1>
      %add3A_744 = vector.broadcast %select_n3A_729 : i32 to vector<16xi32>
      %add3A_745 = arith.addi %rem3A_731, %add3A_744 : vector<16xi32>
      %select_n3A_746 = arith.select %and3A_743, %add3A_745, %rem3A_731 : vector<16xi1>, vector<16xi32>
      %mul3A_747 = arith.constant 100000 : i32
      %mul3A_748 = vector.broadcast %mul3A_747 : i32 to vector<16xi32>
      %mul3A_749 = arith.muli %select_n3A_746, %mul3A_748 : vector<16xi32>
      %get3A_750 = arith.index_cast %add3A_720 : i32 to index
      %get3A_751 = tpu.vector_load %arg5[%get3A_750] {strides = array<i32>} : memref<13312xi32, #tpu.memory_space<vmem>>, vector<16xi32>,
      %get3A_752 = vector.shape_cast %get3A_751 : vector<16xi32> to vector<16xi32>
      %add3A_753 = arith.addi %get3A_752, %mul3A_749 : vector<16xi32>
      %swap3A_754 = arith.index_cast %add3A_720 : i32 to index
      %swap3A_755 = tpu.vector_load %arg5[%swap3A_754] {strides = array<i32>} : memref<13312xi32, #tpu.memory_space<vmem>>, vector<16xi32>,
      %swap3A_756 = vector.shape_cast %swap3A_755 : vector<16xi32> to vector<16xi32>
      %swap3A_757 = vector.shape_cast %add3A_753 : vector<16xi32> to vector<16xi32>
      tpu.vector_store %arg5[%swap3A_754], %swap3A_757 {strides = array<i32>} : memref<13312xi32, #tpu.memory_space<vmem>>, vector<16xi32>,
      %mul3A_758 = arith.constant 256 : i32
      %mul3A_759 = arith.muli %add3A_634, %mul3A_758 : i32
      %add3A_760 = arith.constant 48 : i32
      %add3A_761 = arith.addi %mul3A_759, %add3A_760 : i32
      %add3A_762 = arith.addi %mul3A_2, %add3A_761 : i32
      %iota3A_763 = tpu.iota {dimensions = array<i32: 0>} : vector<16xi32>
      %add3A_764 = vector.broadcast %add3A_762 : i32 to vector<16xi32>
      %add3A_765 = arith.addi %add3A_764, %iota3A_763 : vector<16xi32>
      %jit3A_766 = arith.constant 26 : i32
      %eq3A_767 = arith.constant 0 : i32
      %eq3A_768 = arith.cmpi eq, %jit3A_766, %eq3A_767 : i32
      %jit3A_769 = arith.constant 1 : i32
      %select_n3A_770 = arith.select %eq3A_768, %jit3A_769, %jit3A_766 : i32
      %rem3A_771 = vector.broadcast %select_n3A_770 : i32 to vector<16xi32>
      %rem3A_772 = arith.remsi %add3A_765, %rem3A_771 : vector<16xi32>
      %ne3A_773 = arith.constant 0 : i32
      %ne3A_774 = vector.broadcast %ne3A_773 : i32 to vector<16xi32>
      %ne3A_775 = arith.cmpi ne, %rem3A_772, %ne3A_774 : vector<16xi32>
      %lt3A_776 = arith.constant 0 : i32
      %lt3A_777 = vector.broadcast %lt3A_776 : i32 to vector<16xi32>
      %lt3A_778 = arith.cmpi slt, %rem3A_772, %lt3A_777 : vector<16xi32>
      %lt3A_779 = arith.constant 0 : i32
      %lt3A_780 = arith.cmpi slt, %select_n3A_770, %lt3A_779 : i32
      %ne3A_781 = vector.broadcast %lt3A_780 : i1 to vector<16xi1>
      %ne3A_782 = vector.broadcast %ne3A_781 : vector<16xi1> to vector<16xi1>
      %ne3A_783 = arith.xori %lt3A_778, %ne3A_782 : vector<16xi1>
      %and3A_784 = arith.andi %ne3A_783, %ne3A_775 : vector<16xi1>
      %add3A_785 = vector.broadcast %select_n3A_770 : i32 to vector<16xi32>
      %add3A_786 = arith.addi %rem3A_772, %add3A_785 : vector<16xi32>
      %select_n3A_787 = arith.select %and3A_784, %add3A_786, %rem3A_772 : vector<16xi1>, vector<16xi32>
      %mul3A_788 = arith.constant 100000 : i32
      %mul3A_789 = vector.broadcast %mul3A_788 : i32 to vector<16xi32>
      %mul3A_790 = arith.muli %select_n3A_787, %mul3A_789 : vector<16xi32>
      %get3A_791 = arith.index_cast %add3A_761 : i32 to index
      %get3A_792 = tpu.vector_load %arg5[%get3A_791] {strides = array<i32>} : memref<13312xi32, #tpu.memory_space<vmem>>, vector<16xi32>,
      %get3A_793 = vector.shape_cast %get3A_792 : vector<16xi32> to vector<16xi32>
      %add3A_794 = arith.addi %get3A_793, %mul3A_790 : vector<16xi32>
      %swap3A_795 = arith.index_cast %add3A_761 : i32 to index
      %swap3A_796 = tpu.vector_load %arg5[%swap3A_795] {strides = array<i32>} : memref<13312xi32, #tpu.memory_space<vmem>>, vector<16xi32>,
      %swap3A_797 = vector.shape_cast %swap3A_796 : vector<16xi32> to vector<16xi32>
      %swap3A_798 = vector.shape_cast %add3A_794 : vector<16xi32> to vector<16xi32>
      tpu.vector_store %arg5[%swap3A_795], %swap3A_798 {strides = array<i32>} : memref<13312xi32, #tpu.memory_space<vmem>>, vector<16xi32>,
      %mul3A_799 = arith.constant 256 : i32
      %mul3A_800 = arith.muli %add3A_634, %mul3A_799 : i32
      %add3A_801 = arith.constant 64 : i32
      %add3A_802 = arith.addi %mul3A_800, %add3A_801 : i32
      %add3A_803 = arith.addi %mul3A_2, %add3A_802 : i32
      %iota3A_804 = tpu.iota {dimensions = array<i32: 0>} : vector<16xi32>
      %add3A_805 = vector.broadcast %add3A_803 : i32 to vector<16xi32>
      %add3A_806 = arith.addi %add3A_805, %iota3A_804 : vector<16xi32>
      %jit3A_807 = arith.constant 26 : i32
      %eq3A_808 = arith.constant 0 : i32
      %eq3A_809 = arith.cmpi eq, %jit3A_807, %eq3A_808 : i32
      %jit3A_810 = arith.constant 1 : i32
      %select_n3A_811 = arith.select %eq3A_809, %jit3A_810, %jit3A_807 : i32
      %rem3A_812 = vector.broadcast %select_n3A_811 : i32 to vector<16xi32>
      %rem3A_813 = arith.remsi %add3A_806, %rem3A_812 : vector<16xi32>
      %ne3A_814 = arith.constant 0 : i32
      %ne3A_815 = vector.broadcast %ne3A_814 : i32 to vector<16xi32>
      %ne3A_816 = arith.cmpi ne, %rem3A_813, %ne3A_815 : vector<16xi32>
      %lt3A_817 = arith.constant 0 : i32
      %lt3A_818 = vector.broadcast %lt3A_817 : i32 to vector<16xi32>
      %lt3A_819 = arith.cmpi slt, %rem3A_813, %lt3A_818 : vector<16xi32>
      %lt3A_820 = arith.constant 0 : i32
      %lt3A_821 = arith.cmpi slt, %select_n3A_811, %lt3A_820 : i32
      %ne3A_822 = vector.broadcast %lt3A_821 : i1 to vector<16xi1>
      %ne3A_823 = vector.broadcast %ne3A_822 : vector<16xi1> to vector<16xi1>
      %ne3A_824 = arith.xori %lt3A_819, %ne3A_823 : vector<16xi1>
      %and3A_825 = arith.andi %ne3A_824, %ne3A_816 : vector<16xi1>
      %add3A_826 = vector.broadcast %select_n3A_811 : i32 to vector<16xi32>
      %add3A_827 = arith.addi %rem3A_813, %add3A_826 : vector<16xi32>
      %select_n3A_828 = arith.select %and3A_825, %add3A_827, %rem3A_813 : vector<16xi1>, vector<16xi32>
      %mul3A_829 = arith.constant 100000 : i32
      %mul3A_830 = vector.broadcast %mul3A_829 : i32 to vector<16xi32>
      %mul3A_831 = arith.muli %select_n3A_828, %mul3A_830 : vector<16xi32>
      %get3A_832 = arith.index_cast %add3A_802 : i32 to index
      %get3A_833 = tpu.vector_load %arg5[%get3A_832] {strides = array<i32>} : memref<13312xi32, #tpu.memory_space<vmem>>, vector<16xi32>,
      %get3A_834 = vector.shape_cast %get3A_833 : vector<16xi32> to vector<16xi32>
      %add3A_835 = arith.addi %get3A_834, %mul3A_831 : vector<16xi32>
      %swap3A_836 = arith.index_cast %add3A_802 : i32 to index
      %swap3A_837 = tpu.vector_load %arg5[%swap3A_836] {strides = array<i32>} : memref<13312xi32, #tpu.memory_space<vmem>>, vector<16xi32>,
      %swap3A_838 = vector.shape_cast %swap3A_837 : vector<16xi32> to vector<16xi32>
      %swap3A_839 = vector.shape_cast %add3A_835 : vector<16xi32> to vector<16xi32>
      tpu.vector_store %arg5[%swap3A_836], %swap3A_839 {strides = array<i32>} : memref<13312xi32, #tpu.memory_space<vmem>>, vector<16xi32>,
      %mul3A_840 = arith.constant 256 : i32
      %mul3A_841 = arith.muli %add3A_634, %mul3A_840 : i32
      %add3A_842 = arith.constant 80 : i32
      %add3A_843 = arith.addi %mul3A_841, %add3A_842 : i32
      %add3A_844 = arith.addi %mul3A_2, %add3A_843 : i32
      %iota3A_845 = tpu.iota {dimensions = array<i32: 0>} : vector<16xi32>
      %add3A_846 = vector.broadcast %add3A_844 : i32 to vector<16xi32>
      %add3A_847 = arith.addi %add3A_846, %iota3A_845 : vector<16xi32>
      %jit3A_848 = arith.constant 26 : i32
      %eq3A_849 = arith.constant 0 : i32
      %eq3A_850 = arith.cmpi eq, %jit3A_848, %eq3A_849 : i32
      %jit3A_851 = arith.constant 1 : i32
      %select_n3A_852 = arith.select %eq3A_850, %jit3A_851, %jit3A_848 : i32
      %rem3A_853 = vector.broadcast %select_n3A_852 : i32 to vector<16xi32>
      %rem3A_854 = arith.remsi %add3A_847, %rem3A_853 : vector<16xi32>
      %ne3A_855 = arith.constant 0 : i32
      %ne3A_856 = vector.broadcast %ne3A_855 : i32 to vector<16xi32>
      %ne3A_857 = arith.cmpi ne, %rem3A_854, %ne3A_856 : vector<16xi32>
      %lt3A_858 = arith.constant 0 : i32
      %lt3A_859 = vector.broadcast %lt3A_858 : i32 to vector<16xi32>
      %lt3A_860 = arith.cmpi slt, %rem3A_854, %lt3A_859 : vector<16xi32>
      %lt3A_861 = arith.constant 0 : i32
      %lt3A_862 = arith.cmpi slt, %select_n3A_852, %lt3A_861 : i32
      %ne3A_863 = vector.broadcast %lt3A_862 : i1 to vector<16xi1>
      %ne3A_864 = vector.broadcast %ne3A_863 : vector<16xi1> to vector<16xi1>
      %ne3A_865 = arith.xori %lt3A_860, %ne3A_864 : vector<16xi1>
      %and3A_866 = arith.andi %ne3A_865, %ne3A_857 : vector<16xi1>
      %add3A_867 = vector.broadcast %select_n3A_852 : i32 to vector<16xi32>
      %add3A_868 = arith.addi %rem3A_854, %add3A_867 : vector<16xi32>
      %select_n3A_869 = arith.select %and3A_866, %add3A_868, %rem3A_854 : vector<16xi1>, vector<16xi32>
      %mul3A_870 = arith.constant 100000 : i32
      %mul3A_871 = vector.broadcast %mul3A_870 : i32 to vector<16xi32>
      %mul3A_872 = arith.muli %select_n3A_869, %mul3A_871 : vector<16xi32>
      %get3A_873 = arith.index_cast %add3A_843 : i32 to index
      %get3A_874 = tpu.vector_load %arg5[%get3A_873] {strides = array<i32>} : memref<13312xi32, #tpu.memory_space<vmem>>, vector<16xi32>,
      %get3A_875 = vector.shape_cast %get3A_874 : vector<16xi32> to vector<16xi32>
      %add3A_876 = arith.addi %get3A_875, %mul3A_872 : vector<16xi32>
      %swap3A_877 = arith.index_cast %add3A_843 : i32 to index
      %swap3A_878 = tpu.vector_load %arg5[%swap3A_877] {strides = array<i32>} : memref<13312xi32, #tpu.memory_space<vmem>>, vector<16xi32>,
      %swap3A_879 = vector.shape_cast %swap3A_878 : vector<16xi32> to vector<16xi32>
      %swap3A_880 = vector.shape_cast %add3A_876 : vector<16xi32> to vector<16xi32>
      tpu.vector_store %arg5[%swap3A_877], %swap3A_880 {strides = array<i32>} : memref<13312xi32, #tpu.memory_space<vmem>>, vector<16xi32>,
      %mul3A_881 = arith.constant 256 : i32
      %mul3A_882 = arith.muli %add3A_634, %mul3A_881 : i32
      %add3A_883 = arith.constant 96 : i32
      %add3A_884 = arith.addi %mul3A_882, %add3A_883 : i32
      %add3A_885 = arith.addi %mul3A_2, %add3A_884 : i32
      %iota3A_886 = tpu.iota {dimensions = array<i32: 0>} : vector<16xi32>
      %add3A_887 = vector.broadcast %add3A_885 : i32 to vector<16xi32>
      %add3A_888 = arith.addi %add3A_887, %iota3A_886 : vector<16xi32>
      %jit3A_889 = arith.constant 26 : i32
      %eq3A_890 = arith.constant 0 : i32
      %eq3A_891 = arith.cmpi eq, %jit3A_889, %eq3A_890 : i32
      %jit3A_892 = arith.constant 1 : i32
      %select_n3A_893 = arith.select %eq3A_891, %jit3A_892, %jit3A_889 : i32
      %rem3A_894 = vector.broadcast %select_n3A_893 : i32 to vector<16xi32>
      %rem3A_895 = arith.remsi %add3A_888, %rem3A_894 : vector<16xi32>
      %ne3A_896 = arith.constant 0 : i32
      %ne3A_897 = vector.broadcast %ne3A_896 : i32 to vector<16xi32>
      %ne3A_898 = arith.cmpi ne, %rem3A_895, %ne3A_897 : vector<16xi32>
      %lt3A_899 = arith.constant 0 : i32
      %lt3A_900 = vector.broadcast %lt3A_899 : i32 to vector<16xi32>
      %lt3A_901 = arith.cmpi slt, %rem3A_895, %lt3A_900 : vector<16xi32>
      %lt3A_902 = arith.constant 0 : i32
      %lt3A_903 = arith.cmpi slt, %select_n3A_893, %lt3A_902 : i32
      %ne3A_904 = vector.broadcast %lt3A_903 : i1 to vector<16xi1>
      %ne3A_905 = vector.broadcast %ne3A_904 : vector<16xi1> to vector<16xi1>
      %ne3A_906 = arith.xori %lt3A_901, %ne3A_905 : vector<16xi1>
      %and3A_907 = arith.andi %ne3A_906, %ne3A_898 : vector<16xi1>
      %add3A_908 = vector.broadcast %select_n3A_893 : i32 to vector<16xi32>
      %add3A_909 = arith.addi %rem3A_895, %add3A_908 : vector<16xi32>
      %select_n3A_910 = arith.select %and3A_907, %add3A_909, %rem3A_895 : vector<16xi1>, vector<16xi32>
      %mul3A_911 = arith.constant 100000 : i32
      %mul3A_912 = vector.broadcast %mul3A_911 : i32 to vector<16xi32>
      %mul3A_913 = arith.muli %select_n3A_910, %mul3A_912 : vector<16xi32>
      %get3A_914 = arith.index_cast %add3A_884 : i32 to index
      %get3A_915 = tpu.vector_load %arg5[%get3A_914] {strides = array<i32>} : memref<13312xi32, #tpu.memory_space<vmem>>, vector<16xi32>,
      %get3A_916 = vector.shape_cast %get3A_915 : vector<16xi32> to vector<16xi32>
      %add3A_917 = arith.addi %get3A_916, %mul3A_913 : vector<16xi32>
      %swap3A_918 = arith.index_cast %add3A_884 : i32 to index
      %swap3A_919 = tpu.vector_load %arg5[%swap3A_918] {strides = array<i32>} : memref<13312xi32, #tpu.memory_space<vmem>>, vector<16xi32>,
      %swap3A_920 = vector.shape_cast %swap3A_919 : vector<16xi32> to vector<16xi32>
      %swap3A_921 = vector.shape_cast %add3A_917 : vector<16xi32> to vector<16xi32>
      tpu.vector_store %arg5[%swap3A_918], %swap3A_921 {strides = array<i32>} : memref<13312xi32, #tpu.memory_space<vmem>>, vector<16xi32>,
      %mul3A_922 = arith.constant 256 : i32
      %mul3A_923 = arith.muli %add3A_634, %mul3A_922 : i32
      %add3A_924 = arith.constant 112 : i32
      %add3A_925 = arith.addi %mul3A_923, %add3A_924 : i32
      %add3A_926 = arith.addi %mul3A_2, %add3A_925 : i32
      %iota3A_927 = tpu.iota {dimensions = array<i32: 0>} : vector<16xi32>
      %add3A_928 = vector.broadcast %add3A_926 : i32 to vector<16xi32>
      %add3A_929 = arith.addi %add3A_928, %iota3A_927 : vector<16xi32>
      %jit3A_930 = arith.constant 26 : i32
      %eq3A_931 = arith.constant 0 : i32
      %eq3A_932 = arith.cmpi eq, %jit3A_930, %eq3A_931 : i32
      %jit3A_933 = arith.constant 1 : i32
      %select_n3A_934 = arith.select %eq3A_932, %jit3A_933, %jit3A_930 : i32
      %rem3A_935 = vector.broadcast %select_n3A_934 : i32 to vector<16xi32>
      %rem3A_936 = arith.remsi %add3A_929, %rem3A_935 : vector<16xi32>
      %ne3A_937 = arith.constant 0 : i32
      %ne3A_938 = vector.broadcast %ne3A_937 : i32 to vector<16xi32>
      %ne3A_939 = arith.cmpi ne, %rem3A_936, %ne3A_938 : vector<16xi32>
      %lt3A_940 = arith.constant 0 : i32
      %lt3A_941 = vector.broadcast %lt3A_940 : i32 to vector<16xi32>
      %lt3A_942 = arith.cmpi slt, %rem3A_936, %lt3A_941 : vector<16xi32>
      %lt3A_943 = arith.constant 0 : i32
      %lt3A_944 = arith.cmpi slt, %select_n3A_934, %lt3A_943 : i32
      %ne3A_945 = vector.broadcast %lt3A_944 : i1 to vector<16xi1>
      %ne3A_946 = vector.broadcast %ne3A_945 : vector<16xi1> to vector<16xi1>
      %ne3A_947 = arith.xori %lt3A_942, %ne3A_946 : vector<16xi1>
      %and3A_948 = arith.andi %ne3A_947, %ne3A_939 : vector<16xi1>
      %add3A_949 = vector.broadcast %select_n3A_934 : i32 to vector<16xi32>
      %add3A_950 = arith.addi %rem3A_936, %add3A_949 : vector<16xi32>
      %select_n3A_951 = arith.select %and3A_948, %add3A_950, %rem3A_936 : vector<16xi1>, vector<16xi32>
      %mul3A_952 = arith.constant 100000 : i32
      %mul3A_953 = vector.broadcast %mul3A_952 : i32 to vector<16xi32>
      %mul3A_954 = arith.muli %select_n3A_951, %mul3A_953 : vector<16xi32>
      %get3A_955 = arith.index_cast %add3A_925 : i32 to index
      %get3A_956 = tpu.vector_load %arg5[%get3A_955] {strides = array<i32>} : memref<13312xi32, #tpu.memory_space<vmem>>, vector<16xi32>,
      %get3A_957 = vector.shape_cast %get3A_956 : vector<16xi32> to vector<16xi32>
      %add3A_958 = arith.addi %get3A_957, %mul3A_954 : vector<16xi32>
      %swap3A_959 = arith.index_cast %add3A_925 : i32 to index
      %swap3A_960 = tpu.vector_load %arg5[%swap3A_959] {strides = array<i32>} : memref<13312xi32, #tpu.memory_space<vmem>>, vector<16xi32>,
      %swap3A_961 = vector.shape_cast %swap3A_960 : vector<16xi32> to vector<16xi32>
      %swap3A_962 = vector.shape_cast %add3A_958 : vector<16xi32> to vector<16xi32>
      tpu.vector_store %arg5[%swap3A_959], %swap3A_962 {strides = array<i32>} : memref<13312xi32, #tpu.memory_space<vmem>>, vector<16xi32>,
      %mul3A_963 = arith.constant 256 : i32
      %mul3A_964 = arith.muli %add3A_634, %mul3A_963 : i32
      %add3A_965 = arith.constant 128 : i32
      %add3A_966 = arith.addi %mul3A_964, %add3A_965 : i32
      %add3A_967 = arith.addi %mul3A_2, %add3A_966 : i32
      %iota3A_968 = tpu.iota {dimensions = array<i32: 0>} : vector<16xi32>
      %add3A_969 = vector.broadcast %add3A_967 : i32 to vector<16xi32>
      %add3A_970 = arith.addi %add3A_969, %iota3A_968 : vector<16xi32>
      %jit3A_971 = arith.constant 26 : i32
      %eq3A_972 = arith.constant 0 : i32
      %eq3A_973 = arith.cmpi eq, %jit3A_971, %eq3A_972 : i32
      %jit3A_974 = arith.constant 1 : i32
      %select_n3A_975 = arith.select %eq3A_973, %jit3A_974, %jit3A_971 : i32
      %rem3A_976 = vector.broadcast %select_n3A_975 : i32 to vector<16xi32>
      %rem3A_977 = arith.remsi %add3A_970, %rem3A_976 : vector<16xi32>
      %ne3A_978 = arith.constant 0 : i32
      %ne3A_979 = vector.broadcast %ne3A_978 : i32 to vector<16xi32>
      %ne3A_980 = arith.cmpi ne, %rem3A_977, %ne3A_979 : vector<16xi32>
      %lt3A_981 = arith.constant 0 : i32
      %lt3A_982 = vector.broadcast %lt3A_981 : i32 to vector<16xi32>
      %lt3A_983 = arith.cmpi slt, %rem3A_977, %lt3A_982 : vector<16xi32>
      %lt3A_984 = arith.constant 0 : i32
      %lt3A_985 = arith.cmpi slt, %select_n3A_975, %lt3A_984 : i32
      %ne3A_986 = vector.broadcast %lt3A_985 : i1 to vector<16xi1>
      %ne3A_987 = vector.broadcast %ne3A_986 : vector<16xi1> to vector<16xi1>
      %ne3A_988 = arith.xori %lt3A_983, %ne3A_987 : vector<16xi1>
      %and3A_989 = arith.andi %ne3A_988, %ne3A_980 : vector<16xi1>
      %add3A_990 = vector.broadcast %select_n3A_975 : i32 to vector<16xi32>
      %add3A_991 = arith.addi %rem3A_977, %add3A_990 : vector<16xi32>
      %select_n3A_992 = arith.select %and3A_989, %add3A_991, %rem3A_977 : vector<16xi1>, vector<16xi32>
      %mul3A_993 = arith.constant 100000 : i32
      %mul3A_994 = vector.broadcast %mul3A_993 : i32 to vector<16xi32>
      %mul3A_995 = arith.muli %select_n3A_992, %mul3A_994 : vector<16xi32>
      %get3A_996 = arith.index_cast %add3A_966 : i32 to index
      %get3A_997 = tpu.vector_load %arg5[%get3A_996] {strides = array<i32>} : memref<13312xi32, #tpu.memory_space<vmem>>, vector<16xi32>,
      %get3A_998 = vector.shape_cast %get3A_997 : vector<16xi32> to vector<16xi32>
      %add3A_999 = arith.addi %get3A_998, %mul3A_995 : vector<16xi32>
      %swap3A_1000 = arith.index_cast %add3A_966 : i32 to index
      %swap3A_1001 = tpu.vector_load %arg5[%swap3A_1000] {strides = array<i32>} : memref<13312xi32, #tpu.memory_space<vmem>>, vector<16xi32>,
      %swap3A_1002 = vector.shape_cast %swap3A_1001 : vector<16xi32> to vector<16xi32>
      %swap3A_1003 = vector.shape_cast %add3A_999 : vector<16xi32> to vector<16xi32>
      tpu.vector_store %arg5[%swap3A_1000], %swap3A_1003 {strides = array<i32>} : memref<13312xi32, #tpu.memory_space<vmem>>, vector<16xi32>,
      %mul3A_1004 = arith.constant 256 : i32
      %mul3A_1005 = arith.muli %add3A_634, %mul3A_1004 : i32
      %add3A_1006 = arith.constant 144 : i32
      %add3A_1007 = arith.addi %mul3A_1005, %add3A_1006 : i32
      %add3A_1008 = arith.addi %mul3A_2, %add3A_1007 : i32
      %iota3A_1009 = tpu.iota {dimensions = array<i32: 0>} : vector<16xi32>
      %add3A_1010 = vector.broadcast %add3A_1008 : i32 to vector<16xi32>
      %add3A_1011 = arith.addi %add3A_1010, %iota3A_1009 : vector<16xi32>
      %jit3A_1012 = arith.constant 26 : i32
      %eq3A_1013 = arith.constant 0 : i32
      %eq3A_1014 = arith.cmpi eq, %jit3A_1012, %eq3A_1013 : i32
      %jit3A_1015 = arith.constant 1 : i32
      %select_n3A_1016 = arith.select %eq3A_1014, %jit3A_1015, %jit3A_1012 : i32
      %rem3A_1017 = vector.broadcast %select_n3A_1016 : i32 to vector<16xi32>
      %rem3A_1018 = arith.remsi %add3A_1011, %rem3A_1017 : vector<16xi32>
      %ne3A_1019 = arith.constant 0 : i32
      %ne3A_1020 = vector.broadcast %ne3A_1019 : i32 to vector<16xi32>
      %ne3A_1021 = arith.cmpi ne, %rem3A_1018, %ne3A_1020 : vector<16xi32>
      %lt3A_1022 = arith.constant 0 : i32
      %lt3A_1023 = vector.broadcast %lt3A_1022 : i32 to vector<16xi32>
      %lt3A_1024 = arith.cmpi slt, %rem3A_1018, %lt3A_1023 : vector<16xi32>
      %lt3A_1025 = arith.constant 0 : i32
      %lt3A_1026 = arith.cmpi slt, %select_n3A_1016, %lt3A_1025 : i32
      %ne3A_1027 = vector.broadcast %lt3A_1026 : i1 to vector<16xi1>
      %ne3A_1028 = vector.broadcast %ne3A_1027 : vector<16xi1> to vector<16xi1>
      %ne3A_1029 = arith.xori %lt3A_1024, %ne3A_1028 : vector<16xi1>
      %and3A_1030 = arith.andi %ne3A_1029, %ne3A_1021 : vector<16xi1>
      %add3A_1031 = vector.broadcast %select_n3A_1016 : i32 to vector<16xi32>
      %add3A_1032 = arith.addi %rem3A_1018, %add3A_1031 : vector<16xi32>
      %select_n3A_1033 = arith.select %and3A_1030, %add3A_1032, %rem3A_1018 : vector<16xi1>, vector<16xi32>
      %mul3A_1034 = arith.constant 100000 : i32
      %mul3A_1035 = vector.broadcast %mul3A_1034 : i32 to vector<16xi32>
      %mul3A_1036 = arith.muli %select_n3A_1033, %mul3A_1035 : vector<16xi32>
      %get3A_1037 = arith.index_cast %add3A_1007 : i32 to index
      %get3A_1038 = tpu.vector_load %arg5[%get3A_1037] {strides = array<i32>} : memref<13312xi32, #tpu.memory_space<vmem>>, vector<16xi32>,
      %get3A_1039 = vector.shape_cast %get3A_1038 : vector<16xi32> to vector<16xi32>
      %add3A_1040 = arith.addi %get3A_1039, %mul3A_1036 : vector<16xi32>
      %swap3A_1041 = arith.index_cast %add3A_1007 : i32 to index
      %swap3A_1042 = tpu.vector_load %arg5[%swap3A_1041] {strides = array<i32>} : memref<13312xi32, #tpu.memory_space<vmem>>, vector<16xi32>,
      %swap3A_1043 = vector.shape_cast %swap3A_1042 : vector<16xi32> to vector<16xi32>
      %swap3A_1044 = vector.shape_cast %add3A_1040 : vector<16xi32> to vector<16xi32>
      tpu.vector_store %arg5[%swap3A_1041], %swap3A_1044 {strides = array<i32>} : memref<13312xi32, #tpu.memory_space<vmem>>, vector<16xi32>,
      %mul3A_1045 = arith.constant 256 : i32
      %mul3A_1046 = arith.muli %add3A_634, %mul3A_1045 : i32
      %add3A_1047 = arith.constant 160 : i32
      %add3A_1048 = arith.addi %mul3A_1046, %add3A_1047 : i32
      %add3A_1049 = arith.addi %mul3A_2, %add3A_1048 : i32
      %iota3A_1050 = tpu.iota {dimensions = array<i32: 0>} : vector<16xi32>
      %add3A_1051 = vector.broadcast %add3A_1049 : i32 to vector<16xi32>
      %add3A_1052 = arith.addi %add3A_1051, %iota3A_1050 : vector<16xi32>
      %jit3A_1053 = arith.constant 26 : i32
      %eq3A_1054 = arith.constant 0 : i32
      %eq3A_1055 = arith.cmpi eq, %jit3A_1053, %eq3A_1054 : i32
      %jit3A_1056 = arith.constant 1 : i32
      %select_n3A_1057 = arith.select %eq3A_1055, %jit3A_1056, %jit3A_1053 : i32
      %rem3A_1058 = vector.broadcast %select_n3A_1057 : i32 to vector<16xi32>
      %rem3A_1059 = arith.remsi %add3A_1052, %rem3A_1058 : vector<16xi32>
      %ne3A_1060 = arith.constant 0 : i32
      %ne3A_1061 = vector.broadcast %ne3A_1060 : i32 to vector<16xi32>
      %ne3A_1062 = arith.cmpi ne, %rem3A_1059, %ne3A_1061 : vector<16xi32>
      %lt3A_1063 = arith.constant 0 : i32
      %lt3A_1064 = vector.broadcast %lt3A_1063 : i32 to vector<16xi32>
      %lt3A_1065 = arith.cmpi slt, %rem3A_1059, %lt3A_1064 : vector<16xi32>
      %lt3A_1066 = arith.constant 0 : i32
      %lt3A_1067 = arith.cmpi slt, %select_n3A_1057, %lt3A_1066 : i32
      %ne3A_1068 = vector.broadcast %lt3A_1067 : i1 to vector<16xi1>
      %ne3A_1069 = vector.broadcast %ne3A_1068 : vector<16xi1> to vector<16xi1>
      %ne3A_1070 = arith.xori %lt3A_1065, %ne3A_1069 : vector<16xi1>
      %and3A_1071 = arith.andi %ne3A_1070, %ne3A_1062 : vector<16xi1>
      %add3A_1072 = vector.broadcast %select_n3A_1057 : i32 to vector<16xi32>
      %add3A_1073 = arith.addi %rem3A_1059, %add3A_1072 : vector<16xi32>
      %select_n3A_1074 = arith.select %and3A_1071, %add3A_1073, %rem3A_1059 : vector<16xi1>, vector<16xi32>
      %mul3A_1075 = arith.constant 100000 : i32
      %mul3A_1076 = vector.broadcast %mul3A_1075 : i32 to vector<16xi32>
      %mul3A_1077 = arith.muli %select_n3A_1074, %mul3A_1076 : vector<16xi32>
      %get3A_1078 = arith.index_cast %add3A_1048 : i32 to index
      %get3A_1079 = tpu.vector_load %arg5[%get3A_1078] {strides = array<i32>} : memref<13312xi32, #tpu.memory_space<vmem>>, vector<16xi32>,
      %get3A_1080 = vector.shape_cast %get3A_1079 : vector<16xi32> to vector<16xi32>
      %add3A_1081 = arith.addi %get3A_1080, %mul3A_1077 : vector<16xi32>
      %swap3A_1082 = arith.index_cast %add3A_1048 : i32 to index
      %swap3A_1083 = tpu.vector_load %arg5[%swap3A_1082] {strides = array<i32>} : memref<13312xi32, #tpu.memory_space<vmem>>, vector<16xi32>,
      %swap3A_1084 = vector.shape_cast %swap3A_1083 : vector<16xi32> to vector<16xi32>
      %swap3A_1085 = vector.shape_cast %add3A_1081 : vector<16xi32> to vector<16xi32>
      tpu.vector_store %arg5[%swap3A_1082], %swap3A_1085 {strides = array<i32>} : memref<13312xi32, #tpu.memory_space<vmem>>, vector<16xi32>,
      %mul3A_1086 = arith.constant 256 : i32
      %mul3A_1087 = arith.muli %add3A_634, %mul3A_1086 : i32
      %add3A_1088 = arith.constant 176 : i32
      %add3A_1089 = arith.addi %mul3A_1087, %add3A_1088 : i32
      %add3A_1090 = arith.addi %mul3A_2, %add3A_1089 : i32
      %iota3A_1091 = tpu.iota {dimensions = array<i32: 0>} : vector<16xi32>
      %add3A_1092 = vector.broadcast %add3A_1090 : i32 to vector<16xi32>
      %add3A_1093 = arith.addi %add3A_1092, %iota3A_1091 : vector<16xi32>
      %jit3A_1094 = arith.constant 26 : i32
      %eq3A_1095 = arith.constant 0 : i32
      %eq3A_1096 = arith.cmpi eq, %jit3A_1094, %eq3A_1095 : i32
      %jit3A_1097 = arith.constant 1 : i32
      %select_n3A_1098 = arith.select %eq3A_1096, %jit3A_1097, %jit3A_1094 : i32
      %rem3A_1099 = vector.broadcast %select_n3A_1098 : i32 to vector<16xi32>
      %rem3A_1100 = arith.remsi %add3A_1093, %rem3A_1099 : vector<16xi32>
      %ne3A_1101 = arith.constant 0 : i32
      %ne3A_1102 = vector.broadcast %ne3A_1101 : i32 to vector<16xi32>
      %ne3A_1103 = arith.cmpi ne, %rem3A_1100, %ne3A_1102 : vector<16xi32>
      %lt3A_1104 = arith.constant 0 : i32
      %lt3A_1105 = vector.broadcast %lt3A_1104 : i32 to vector<16xi32>
      %lt3A_1106 = arith.cmpi slt, %rem3A_1100, %lt3A_1105 : vector<16xi32>
      %lt3A_1107 = arith.constant 0 : i32
      %lt3A_1108 = arith.cmpi slt, %select_n3A_1098, %lt3A_1107 : i32
      %ne3A_1109 = vector.broadcast %lt3A_1108 : i1 to vector<16xi1>
      %ne3A_1110 = vector.broadcast %ne3A_1109 : vector<16xi1> to vector<16xi1>
      %ne3A_1111 = arith.xori %lt3A_1106, %ne3A_1110 : vector<16xi1>
      %and3A_1112 = arith.andi %ne3A_1111, %ne3A_1103 : vector<16xi1>
      %add3A_1113 = vector.broadcast %select_n3A_1098 : i32 to vector<16xi32>
      %add3A_1114 = arith.addi %rem3A_1100, %add3A_1113 : vector<16xi32>
      %select_n3A_1115 = arith.select %and3A_1112, %add3A_1114, %rem3A_1100 : vector<16xi1>, vector<16xi32>
      %mul3A_1116 = arith.constant 100000 : i32
      %mul3A_1117 = vector.broadcast %mul3A_1116 : i32 to vector<16xi32>
      %mul3A_1118 = arith.muli %select_n3A_1115, %mul3A_1117 : vector<16xi32>
      %get3A_1119 = arith.index_cast %add3A_1089 : i32 to index
      %get3A_1120 = tpu.vector_load %arg5[%get3A_1119] {strides = array<i32>} : memref<13312xi32, #tpu.memory_space<vmem>>, vector<16xi32>,
      %get3A_1121 = vector.shape_cast %get3A_1120 : vector<16xi32> to vector<16xi32>
      %add3A_1122 = arith.addi %get3A_1121, %mul3A_1118 : vector<16xi32>
      %swap3A_1123 = arith.index_cast %add3A_1089 : i32 to index
      %swap3A_1124 = tpu.vector_load %arg5[%swap3A_1123] {strides = array<i32>} : memref<13312xi32, #tpu.memory_space<vmem>>, vector<16xi32>,
      %swap3A_1125 = vector.shape_cast %swap3A_1124 : vector<16xi32> to vector<16xi32>
      %swap3A_1126 = vector.shape_cast %add3A_1122 : vector<16xi32> to vector<16xi32>
      tpu.vector_store %arg5[%swap3A_1123], %swap3A_1126 {strides = array<i32>} : memref<13312xi32, #tpu.memory_space<vmem>>, vector<16xi32>,
      %mul3A_1127 = arith.constant 256 : i32
      %mul3A_1128 = arith.muli %add3A_634, %mul3A_1127 : i32
      %add3A_1129 = arith.constant 192 : i32
      %add3A_1130 = arith.addi %mul3A_1128, %add3A_1129 : i32
      %add3A_1131 = arith.addi %mul3A_2, %add3A_1130 : i32
      %iota3A_1132 = tpu.iota {dimensions = array<i32: 0>} : vector<16xi32>
      %add3A_1133 = vector.broadcast %add3A_1131 : i32 to vector<16xi32>
      %add3A_1134 = arith.addi %add3A_1133, %iota3A_1132 : vector<16xi32>
      %jit3A_1135 = arith.constant 26 : i32
      %eq3A_1136 = arith.constant 0 : i32
      %eq3A_1137 = arith.cmpi eq, %jit3A_1135, %eq3A_1136 : i32
      %jit3A_1138 = arith.constant 1 : i32
      %select_n3A_1139 = arith.select %eq3A_1137, %jit3A_1138, %jit3A_1135 : i32
      %rem3A_1140 = vector.broadcast %select_n3A_1139 : i32 to vector<16xi32>
      %rem3A_1141 = arith.remsi %add3A_1134, %rem3A_1140 : vector<16xi32>
      %ne3A_1142 = arith.constant 0 : i32
      %ne3A_1143 = vector.broadcast %ne3A_1142 : i32 to vector<16xi32>
      %ne3A_1144 = arith.cmpi ne, %rem3A_1141, %ne3A_1143 : vector<16xi32>
      %lt3A_1145 = arith.constant 0 : i32
      %lt3A_1146 = vector.broadcast %lt3A_1145 : i32 to vector<16xi32>
      %lt3A_1147 = arith.cmpi slt, %rem3A_1141, %lt3A_1146 : vector<16xi32>
      %lt3A_1148 = arith.constant 0 : i32
      %lt3A_1149 = arith.cmpi slt, %select_n3A_1139, %lt3A_1148 : i32
      %ne3A_1150 = vector.broadcast %lt3A_1149 : i1 to vector<16xi1>
      %ne3A_1151 = vector.broadcast %ne3A_1150 : vector<16xi1> to vector<16xi1>
      %ne3A_1152 = arith.xori %lt3A_1147, %ne3A_1151 : vector<16xi1>
      %and3A_1153 = arith.andi %ne3A_1152, %ne3A_1144 : vector<16xi1>
      %add3A_1154 = vector.broadcast %select_n3A_1139 : i32 to vector<16xi32>
      %add3A_1155 = arith.addi %rem3A_1141, %add3A_1154 : vector<16xi32>
      %select_n3A_1156 = arith.select %and3A_1153, %add3A_1155, %rem3A_1141 : vector<16xi1>, vector<16xi32>
      %mul3A_1157 = arith.constant 100000 : i32
      %mul3A_1158 = vector.broadcast %mul3A_1157 : i32 to vector<16xi32>
      %mul3A_1159 = arith.muli %select_n3A_1156, %mul3A_1158 : vector<16xi32>
      %get3A_1160 = arith.index_cast %add3A_1130 : i32 to index
      %get3A_1161 = tpu.vector_load %arg5[%get3A_1160] {strides = array<i32>} : memref<13312xi32, #tpu.memory_space<vmem>>, vector<16xi32>,
      %get3A_1162 = vector.shape_cast %get3A_1161 : vector<16xi32> to vector<16xi32>
      %add3A_1163 = arith.addi %get3A_1162, %mul3A_1159 : vector<16xi32>
      %swap3A_1164 = arith.index_cast %add3A_1130 : i32 to index
      %swap3A_1165 = tpu.vector_load %arg5[%swap3A_1164] {strides = array<i32>} : memref<13312xi32, #tpu.memory_space<vmem>>, vector<16xi32>,
      %swap3A_1166 = vector.shape_cast %swap3A_1165 : vector<16xi32> to vector<16xi32>
      %swap3A_1167 = vector.shape_cast %add3A_1163 : vector<16xi32> to vector<16xi32>
      tpu.vector_store %arg5[%swap3A_1164], %swap3A_1167 {strides = array<i32>} : memref<13312xi32, #tpu.memory_space<vmem>>, vector<16xi32>,
      %mul3A_1168 = arith.constant 256 : i32
      %mul3A_1169 = arith.muli %add3A_634, %mul3A_1168 : i32
      %add3A_1170 = arith.constant 208 : i32
      %add3A_1171 = arith.addi %mul3A_1169, %add3A_1170 : i32
      %add3A_1172 = arith.addi %mul3A_2, %add3A_1171 : i32
      %iota3A_1173 = tpu.iota {dimensions = array<i32: 0>} : vector<16xi32>
      %add3A_1174 = vector.broadcast %add3A_1172 : i32 to vector<16xi32>
      %add3A_1175 = arith.addi %add3A_1174, %iota3A_1173 : vector<16xi32>
      %jit3A_1176 = arith.constant 26 : i32
      %eq3A_1177 = arith.constant 0 : i32
      %eq3A_1178 = arith.cmpi eq, %jit3A_1176, %eq3A_1177 : i32
      %jit3A_1179 = arith.constant 1 : i32
      %select_n3A_1180 = arith.select %eq3A_1178, %jit3A_1179, %jit3A_1176 : i32
      %rem3A_1181 = vector.broadcast %select_n3A_1180 : i32 to vector<16xi32>
      %rem3A_1182 = arith.remsi %add3A_1175, %rem3A_1181 : vector<16xi32>
      %ne3A_1183 = arith.constant 0 : i32
      %ne3A_1184 = vector.broadcast %ne3A_1183 : i32 to vector<16xi32>
      %ne3A_1185 = arith.cmpi ne, %rem3A_1182, %ne3A_1184 : vector<16xi32>
      %lt3A_1186 = arith.constant 0 : i32
      %lt3A_1187 = vector.broadcast %lt3A_1186 : i32 to vector<16xi32>
      %lt3A_1188 = arith.cmpi slt, %rem3A_1182, %lt3A_1187 : vector<16xi32>
      %lt3A_1189 = arith.constant 0 : i32
      %lt3A_1190 = arith.cmpi slt, %select_n3A_1180, %lt3A_1189 : i32
      %ne3A_1191 = vector.broadcast %lt3A_1190 : i1 to vector<16xi1>
      %ne3A_1192 = vector.broadcast %ne3A_1191 : vector<16xi1> to vector<16xi1>
      %ne3A_1193 = arith.xori %lt3A_1188, %ne3A_1192 : vector<16xi1>
      %and3A_1194 = arith.andi %ne3A_1193, %ne3A_1185 : vector<16xi1>
      %add3A_1195 = vector.broadcast %select_n3A_1180 : i32 to vector<16xi32>
      %add3A_1196 = arith.addi %rem3A_1182, %add3A_1195 : vector<16xi32>
      %select_n3A_1197 = arith.select %and3A_1194, %add3A_1196, %rem3A_1182 : vector<16xi1>, vector<16xi32>
      %mul3A_1198 = arith.constant 100000 : i32
      %mul3A_1199 = vector.broadcast %mul3A_1198 : i32 to vector<16xi32>
      %mul3A_1200 = arith.muli %select_n3A_1197, %mul3A_1199 : vector<16xi32>
      %get3A_1201 = arith.index_cast %add3A_1171 : i32 to index
      %get3A_1202 = tpu.vector_load %arg5[%get3A_1201] {strides = array<i32>} : memref<13312xi32, #tpu.memory_space<vmem>>, vector<16xi32>,
      %get3A_1203 = vector.shape_cast %get3A_1202 : vector<16xi32> to vector<16xi32>
      %add3A_1204 = arith.addi %get3A_1203, %mul3A_1200 : vector<16xi32>
      %swap3A_1205 = arith.index_cast %add3A_1171 : i32 to index
      %swap3A_1206 = tpu.vector_load %arg5[%swap3A_1205] {strides = array<i32>} : memref<13312xi32, #tpu.memory_space<vmem>>, vector<16xi32>,
      %swap3A_1207 = vector.shape_cast %swap3A_1206 : vector<16xi32> to vector<16xi32>
      %swap3A_1208 = vector.shape_cast %add3A_1204 : vector<16xi32> to vector<16xi32>
      tpu.vector_store %arg5[%swap3A_1205], %swap3A_1208 {strides = array<i32>} : memref<13312xi32, #tpu.memory_space<vmem>>, vector<16xi32>,
      %mul3A_1209 = arith.constant 256 : i32
      %mul3A_1210 = arith.muli %add3A_634, %mul3A_1209 : i32
      %add3A_1211 = arith.constant 224 : i32
      %add3A_1212 = arith.addi %mul3A_1210, %add3A_1211 : i32
      %add3A_1213 = arith.addi %mul3A_2, %add3A_1212 : i32
      %iota3A_1214 = tpu.iota {dimensions = array<i32: 0>} : vector<16xi32>
      %add3A_1215 = vector.broadcast %add3A_1213 : i32 to vector<16xi32>
      %add3A_1216 = arith.addi %add3A_1215, %iota3A_1214 : vector<16xi32>
      %jit3A_1217 = arith.constant 26 : i32
      %eq3A_1218 = arith.constant 0 : i32
      %eq3A_1219 = arith.cmpi eq, %jit3A_1217, %eq3A_1218 : i32
      %jit3A_1220 = arith.constant 1 : i32
      %select_n3A_1221 = arith.select %eq3A_1219, %jit3A_1220, %jit3A_1217 : i32
      %rem3A_1222 = vector.broadcast %select_n3A_1221 : i32 to vector<16xi32>
      %rem3A_1223 = arith.remsi %add3A_1216, %rem3A_1222 : vector<16xi32>
      %ne3A_1224 = arith.constant 0 : i32
      %ne3A_1225 = vector.broadcast %ne3A_1224 : i32 to vector<16xi32>
      %ne3A_1226 = arith.cmpi ne, %rem3A_1223, %ne3A_1225 : vector<16xi32>
      %lt3A_1227 = arith.constant 0 : i32
      %lt3A_1228 = vector.broadcast %lt3A_1227 : i32 to vector<16xi32>
      %lt3A_1229 = arith.cmpi slt, %rem3A_1223, %lt3A_1228 : vector<16xi32>
      %lt3A_1230 = arith.constant 0 : i32
      %lt3A_1231 = arith.cmpi slt, %select_n3A_1221, %lt3A_1230 : i32
      %ne3A_1232 = vector.broadcast %lt3A_1231 : i1 to vector<16xi1>
      %ne3A_1233 = vector.broadcast %ne3A_1232 : vector<16xi1> to vector<16xi1>
      %ne3A_1234 = arith.xori %lt3A_1229, %ne3A_1233 : vector<16xi1>
      %and3A_1235 = arith.andi %ne3A_1234, %ne3A_1226 : vector<16xi1>
      %add3A_1236 = vector.broadcast %select_n3A_1221 : i32 to vector<16xi32>
      %add3A_1237 = arith.addi %rem3A_1223, %add3A_1236 : vector<16xi32>
      %select_n3A_1238 = arith.select %and3A_1235, %add3A_1237, %rem3A_1223 : vector<16xi1>, vector<16xi32>
      %mul3A_1239 = arith.constant 100000 : i32
      %mul3A_1240 = vector.broadcast %mul3A_1239 : i32 to vector<16xi32>
      %mul3A_1241 = arith.muli %select_n3A_1238, %mul3A_1240 : vector<16xi32>
      %get3A_1242 = arith.index_cast %add3A_1212 : i32 to index
      %get3A_1243 = tpu.vector_load %arg5[%get3A_1242] {strides = array<i32>} : memref<13312xi32, #tpu.memory_space<vmem>>, vector<16xi32>,
      %get3A_1244 = vector.shape_cast %get3A_1243 : vector<16xi32> to vector<16xi32>
      %add3A_1245 = arith.addi %get3A_1244, %mul3A_1241 : vector<16xi32>
      %swap3A_1246 = arith.index_cast %add3A_1212 : i32 to index
      %swap3A_1247 = tpu.vector_load %arg5[%swap3A_1246] {strides = array<i32>} : memref<13312xi32, #tpu.memory_space<vmem>>, vector<16xi32>,
      %swap3A_1248 = vector.shape_cast %swap3A_1247 : vector<16xi32> to vector<16xi32>
      %swap3A_1249 = vector.shape_cast %add3A_1245 : vector<16xi32> to vector<16xi32>
      tpu.vector_store %arg5[%swap3A_1246], %swap3A_1249 {strides = array<i32>} : memref<13312xi32, #tpu.memory_space<vmem>>, vector<16xi32>,
      %mul3A_1250 = arith.constant 256 : i32
      %mul3A_1251 = arith.muli %add3A_634, %mul3A_1250 : i32
      %add3A_1252 = arith.constant 240 : i32
      %add3A_1253 = arith.addi %mul3A_1251, %add3A_1252 : i32
      %add3A_1254 = arith.addi %mul3A_2, %add3A_1253 : i32
      %iota3A_1255 = tpu.iota {dimensions = array<i32: 0>} : vector<16xi32>
      %add3A_1256 = vector.broadcast %add3A_1254 : i32 to vector<16xi32>
      %add3A_1257 = arith.addi %add3A_1256, %iota3A_1255 : vector<16xi32>
      %jit3A_1258 = arith.constant 26 : i32
      %eq3A_1259 = arith.constant 0 : i32
      %eq3A_1260 = arith.cmpi eq, %jit3A_1258, %eq3A_1259 : i32
      %jit3A_1261 = arith.constant 1 : i32
      %select_n3A_1262 = arith.select %eq3A_1260, %jit3A_1261, %jit3A_1258 : i32
      %rem3A_1263 = vector.broadcast %select_n3A_1262 : i32 to vector<16xi32>
      %rem3A_1264 = arith.remsi %add3A_1257, %rem3A_1263 : vector<16xi32>
      %ne3A_1265 = arith.constant 0 : i32
      %ne3A_1266 = vector.broadcast %ne3A_1265 : i32 to vector<16xi32>
      %ne3A_1267 = arith.cmpi ne, %rem3A_1264, %ne3A_1266 : vector<16xi32>
      %lt3A_1268 = arith.constant 0 : i32
      %lt3A_1269 = vector.broadcast %lt3A_1268 : i32 to vector<16xi32>
      %lt3A_1270 = arith.cmpi slt, %rem3A_1264, %lt3A_1269 : vector<16xi32>
      %lt3A_1271 = arith.constant 0 : i32
      %lt3A_1272 = arith.cmpi slt, %select_n3A_1262, %lt3A_1271 : i32
      %ne3A_1273 = vector.broadcast %lt3A_1272 : i1 to vector<16xi1>
      %ne3A_1274 = vector.broadcast %ne3A_1273 : vector<16xi1> to vector<16xi1>
      %ne3A_1275 = arith.xori %lt3A_1270, %ne3A_1274 : vector<16xi1>
      %and3A_1276 = arith.andi %ne3A_1275, %ne3A_1267 : vector<16xi1>
      %add3A_1277 = vector.broadcast %select_n3A_1262 : i32 to vector<16xi32>
      %add3A_1278 = arith.addi %rem3A_1264, %add3A_1277 : vector<16xi32>
      %select_n3A_1279 = arith.select %and3A_1276, %add3A_1278, %rem3A_1264 : vector<16xi1>, vector<16xi32>
      %mul3A_1280 = arith.constant 100000 : i32
      %mul3A_1281 = vector.broadcast %mul3A_1280 : i32 to vector<16xi32>
      %mul3A_1282 = arith.muli %select_n3A_1279, %mul3A_1281 : vector<16xi32>
      %get3A_1283 = arith.index_cast %add3A_1253 : i32 to index
      %get3A_1284 = tpu.vector_load %arg5[%get3A_1283] {strides = array<i32>} : memref<13312xi32, #tpu.memory_space<vmem>>, vector<16xi32>,
      %get3A_1285 = vector.shape_cast %get3A_1284 : vector<16xi32> to vector<16xi32>
      %add3A_1286 = arith.addi %get3A_1285, %mul3A_1282 : vector<16xi32>
      %swap3A_1287 = arith.index_cast %add3A_1253 : i32 to index
      %swap3A_1288 = tpu.vector_load %arg5[%swap3A_1287] {strides = array<i32>} : memref<13312xi32, #tpu.memory_space<vmem>>, vector<16xi32>,
      %swap3A_1289 = vector.shape_cast %swap3A_1288 : vector<16xi32> to vector<16xi32>
      %swap3A_1290 = vector.shape_cast %add3A_1286 : vector<16xi32> to vector<16xi32>
      tpu.vector_store %arg5[%swap3A_1287], %swap3A_1290 {strides = array<i32>} : memref<13312xi32, #tpu.memory_space<vmem>>, vector<16xi32>,
      %add3A_1291 = arith.constant 1 : i32
      %add3A_1292 = arith.addi %mul3A_630, %add3A_1291 : i32
      %mul3A_1293 = arith.constant 256 : i32
      %mul3A_1294 = arith.muli %add3A_1292, %mul3A_1293 : i32
      %add3A_1295 = arith.constant 0 : i32
      %add3A_1296 = arith.addi %mul3A_1294, %add3A_1295 : i32
      %dma_start3A_1297 = arith.constant 0 : i32
      %dma_start3A_1298 = arith.constant 0 : i32
      %dma_start3A_1299 = tpu.memref_slice %arg7[%dma_start3A_1297, %dma_start3A_1298] : memref<256x128xf32, #tpu.memory_space<vmem>> -> memref<128x128xf32, #tpu.memory_space<vmem>>
      %dma_start3A_1300 = tpu.memref_slice %arg5[%add3A_1296] : memref<13312xi32, #tpu.memory_space<vmem>> -> memref<128xi32, #tpu.memory_space<vmem>>
      %dma_start3A_1301 = arith.constant 0 : i32
      %dma_start3A_1302 = arith.constant 0 : i32
      %dma_start3A_1303 = tpu.memref_slice %arg3[%dma_start3A_1301, %dma_start3A_1302] : memref<2600000x128xf32, #tpu.memory_space<hbm>> -> memref<2600000x128xf32, #tpu.memory_space<hbm>>
      tpu.enqueue_indirect_dma source(%dma_start3A_1303 : memref<2600000x128xf32, #tpu.memory_space<hbm>>) target(%dma_start3A_1299 : memref<128x128xf32, #tpu.memory_space<vmem>>) offsets(%dma_start3A_1300 : memref<128xi32, #tpu.memory_space<vmem>>) semaphore(%arg9 : memref<!tpu.dma_semaphore, #tpu.memory_space<semaphore_mem>>)
      %mul3A_1304 = arith.constant 256 : i32
      %mul3A_1305 = arith.muli %add3A_1292, %mul3A_1304 : i32
      %add3A_1306 = arith.constant 128 : i32
      %add3A_1307 = arith.addi %mul3A_1305, %add3A_1306 : i32
      %dma_start3A_1308 = arith.constant 128 : i32
      %dma_start3A_1309 = arith.constant 0 : i32
      %dma_start3A_1310 = tpu.memref_slice %arg7[%dma_start3A_1308, %dma_start3A_1309] : memref<256x128xf32, #tpu.memory_space<vmem>> -> memref<128x128xf32, #tpu.memory_space<vmem>>
      %dma_start3A_1311 = tpu.memref_slice %arg5[%add3A_1307] : memref<13312xi32, #tpu.memory_space<vmem>> -> memref<128xi32, #tpu.memory_space<vmem>>
      %dma_start3A_1312 = arith.constant 0 : i32
      %dma_start3A_1313 = arith.constant 0 : i32
      %dma_start3A_1314 = tpu.memref_slice %arg3[%dma_start3A_1312, %dma_start3A_1313] : memref<2600000x128xf32, #tpu.memory_space<hbm>> -> memref<2600000x128xf32, #tpu.memory_space<hbm>>
      tpu.enqueue_indirect_dma source(%dma_start3A_1314 : memref<2600000x128xf32, #tpu.memory_space<hbm>>) target(%dma_start3A_1310 : memref<128x128xf32, #tpu.memory_space<vmem>>) offsets(%dma_start3A_1311 : memref<128xi32, #tpu.memory_space<vmem>>) semaphore(%arg9 : memref<!tpu.dma_semaphore, #tpu.memory_space<semaphore_mem>>)
      %dma_wait3A_1315 = arith.constant 0 : i32
      %dma_wait3A_1316 = arith.constant 0 : i32
      %dma_wait3A_1317 = tpu.memref_slice %arg3[%dma_wait3A_1315, %dma_wait3A_1316] : memref<2600000x128xf32, #tpu.memory_space<hbm>> -> memref<256x128xf32, #tpu.memory_space<hbm>>
      %dma_wait3A_1318 = arith.constant 0 : i32
      %dma_wait3A_1319 = arith.constant 0 : i32
      %dma_wait3A_1320 = tpu.memref_slice %arg3[%dma_wait3A_1318, %dma_wait3A_1319] : memref<2600000x128xf32, #tpu.memory_space<hbm>> -> memref<256x128xf32, #tpu.memory_space<hbm>>
      tpu.wait_dma2 semaphore(%arg8 : memref<!tpu.dma_semaphore, #tpu.memory_space<semaphore_mem>>) src(%dma_wait3A_1320 : memref<256x128xf32, #tpu.memory_space<hbm>>) dst(%arg6 : memref<256x128xf32, #tpu.memory_space<vmem>>)
      %mul3A_1321 = arith.constant 256 : i32
      %mul3A_1322 = arith.muli %mul3A_630, %mul3A_1321 : i32
      %add3A_1323 = arith.addi %mul3A_2, %mul3A_1322 : i32
      %dma_start3A_1324 = arith.constant 0 : i32
      %dma_start3A_1325 = tpu.memref_slice %arg4[%add3A_1323, %dma_start3A_1324] : memref<425984x128xf32, #tpu.memory_space<hbm>> -> memref<256x128xf32, #tpu.memory_space<hbm>>
      %dma_start3A_1326 = arith.constant 0 : i32
      %dma_start3A_1327 = tpu.memref_slice %arg4[%add3A_1323, %dma_start3A_1326] : memref<425984x128xf32, #tpu.memory_space<hbm>> -> memref<256x128xf32, #tpu.memory_space<hbm>>
      tpu.enqueue_dma source(%arg6 : memref<256x128xf32, #tpu.memory_space<vmem>>) target(%dma_start3A_1327 : memref<256x128xf32, #tpu.memory_space<hbm>>) target_semaphore(%arg10 : memref<!tpu.dma_semaphore, #tpu.memory_space<semaphore_mem>>)
      %lt3A_1328 = arith.constant 25 : i32
      %lt3A_1329 = arith.cmpi slt, %scan3A_628, %lt3A_1328 : i32
      %convert_element_type3A_1330 = arith.extui %lt3A_1329 : i1 to i32
      %cond3A_1331 = arith.constant 0 : i32
      %cond3A_1332 = arith.cmpi ne, %convert_element_type3A_1330, %cond3A_1331 : i32
      scf.if %cond3A_1332 {
        %dma_wait3A_1348 = arith.constant 0 : i32
        %dma_wait3A_1349 = tpu.memref_slice %arg4[%mul3A_2, %dma_wait3A_1348] : memref<425984x128xf32, #tpu.memory_space<hbm>> -> memref<256x128xf32, #tpu.memory_space<hbm>>
        %dma_wait3A_1350 = arith.constant 0 : i32
        %dma_wait3A_1351 = tpu.memref_slice %arg4[%mul3A_2, %dma_wait3A_1350] : memref<425984x128xf32, #tpu.memory_space<hbm>> -> memref<256x128xf32, #tpu.memory_space<hbm>>
        tpu.wait_dma2 semaphore(%arg10 : memref<!tpu.dma_semaphore, #tpu.memory_space<semaphore_mem>>) src(%arg6 : memref<256x128xf32, #tpu.memory_space<vmem>>) dst(%dma_wait3A_1351 : memref<256x128xf32, #tpu.memory_space<hbm>>)
        %add3A_1352 = arith.constant 2 : i32
        %add3A_1353 = arith.addi %mul3A_630, %add3A_1352 : i32
        %mul3A_1354 = arith.constant 256 : i32
        %mul3A_1355 = arith.muli %add3A_1353, %mul3A_1354 : i32
        %add3A_1356 = arith.constant 0 : i32
        %add3A_1357 = arith.addi %mul3A_1355, %add3A_1356 : i32
        %add3A_1358 = arith.addi %mul3A_2, %add3A_1357 : i32
        %iota3A_1359 = tpu.iota {dimensions = array<i32: 0>} : vector<16xi32>
        %add3A_1360 = vector.broadcast %add3A_1358 : i32 to vector<16xi32>
        %add3A_1361 = arith.addi %add3A_1360, %iota3A_1359 : vector<16xi32>
        %jit3A_1362 = arith.constant 26 : i32
        %eq3A_1363 = arith.constant 0 : i32
        %eq3A_1364 = arith.cmpi eq, %jit3A_1362, %eq3A_1363 : i32
        %jit3A_1365 = arith.constant 1 : i32
        %select_n3A_1366 = arith.select %eq3A_1364, %jit3A_1365, %jit3A_1362 : i32
        %rem3A_1367 = vector.broadcast %select_n3A_1366 : i32 to vector<16xi32>
        %rem3A_1368 = arith.remsi %add3A_1361, %rem3A_1367 : vector<16xi32>
        %ne3A_1369 = arith.constant 0 : i32
        %ne3A_1370 = vector.broadcast %ne3A_1369 : i32 to vector<16xi32>
        %ne3A_1371 = arith.cmpi ne, %rem3A_1368, %ne3A_1370 : vector<16xi32>
        %lt3A_1372 = arith.constant 0 : i32
        %lt3A_1373 = vector.broadcast %lt3A_1372 : i32 to vector<16xi32>
        %lt3A_1374 = arith.cmpi slt, %rem3A_1368, %lt3A_1373 : vector<16xi32>
        %lt3A_1375 = arith.constant 0 : i32
        %lt3A_1376 = arith.cmpi slt, %select_n3A_1366, %lt3A_1375 : i32
        %ne3A_1377 = vector.broadcast %lt3A_1376 : i1 to vector<16xi1>
        %ne3A_1378 = vector.broadcast %ne3A_1377 : vector<16xi1> to vector<16xi1>
        %ne3A_1379 = arith.xori %lt3A_1374, %ne3A_1378 : vector<16xi1>
        %and3A_1380 = arith.andi %ne3A_1379, %ne3A_1371 : vector<16xi1>
        %add3A_1381 = vector.broadcast %select_n3A_1366 : i32 to vector<16xi32>
        %add3A_1382 = arith.addi %rem3A_1368, %add3A_1381 : vector<16xi32>
        %select_n3A_1383 = arith.select %and3A_1380, %add3A_1382, %rem3A_1368 : vector<16xi1>, vector<16xi32>
        %mul3A_1384 = arith.constant 100000 : i32
        %mul3A_1385 = vector.broadcast %mul3A_1384 : i32 to vector<16xi32>
        %mul3A_1386 = arith.muli %select_n3A_1383, %mul3A_1385 : vector<16xi32>
        %get3A_1387 = arith.index_cast %add3A_1357 : i32 to index
        %get3A_1388 = tpu.vector_load %arg5[%get3A_1387] {strides = array<i32>} : memref<13312xi32, #tpu.memory_space<vmem>>, vector<16xi32>,
        %get3A_1389 = vector.shape_cast %get3A_1388 : vector<16xi32> to vector<16xi32>
        %add3A_1390 = arith.addi %get3A_1389, %mul3A_1386 : vector<16xi32>
        %swap3A_1391 = arith.index_cast %add3A_1357 : i32 to index
        %swap3A_1392 = tpu.vector_load %arg5[%swap3A_1391] {strides = array<i32>} : memref<13312xi32, #tpu.memory_space<vmem>>, vector<16xi32>,
        %swap3A_1393 = vector.shape_cast %swap3A_1392 : vector<16xi32> to vector<16xi32>
        %swap3A_1394 = vector.shape_cast %add3A_1390 : vector<16xi32> to vector<16xi32>
        tpu.vector_store %arg5[%swap3A_1391], %swap3A_1394 {strides = array<i32>} : memref<13312xi32, #tpu.memory_space<vmem>>, vector<16xi32>,
        %mul3A_1395 = arith.constant 256 : i32
        %mul3A_1396 = arith.muli %add3A_1353, %mul3A_1395 : i32
        %add3A_1397 = arith.constant 16 : i32
        %add3A_1398 = arith.addi %mul3A_1396, %add3A_1397 : i32
        %add3A_1399 = arith.addi %mul3A_2, %add3A_1398 : i32
        %iota3A_1400 = tpu.iota {dimensions = array<i32: 0>} : vector<16xi32>
        %add3A_1401 = vector.broadcast %add3A_1399 : i32 to vector<16xi32>
        %add3A_1402 = arith.addi %add3A_1401, %iota3A_1400 : vector<16xi32>
        %jit3A_1403 = arith.constant 26 : i32
        %eq3A_1404 = arith.constant 0 : i32
        %eq3A_1405 = arith.cmpi eq, %jit3A_1403, %eq3A_1404 : i32
        %jit3A_1406 = arith.constant 1 : i32
        %select_n3A_1407 = arith.select %eq3A_1405, %jit3A_1406, %jit3A_1403 : i32
        %rem3A_1408 = vector.broadcast %select_n3A_1407 : i32 to vector<16xi32>
        %rem3A_1409 = arith.remsi %add3A_1402, %rem3A_1408 : vector<16xi32>
        %ne3A_1410 = arith.constant 0 : i32
        %ne3A_1411 = vector.broadcast %ne3A_1410 : i32 to vector<16xi32>
        %ne3A_1412 = arith.cmpi ne, %rem3A_1409, %ne3A_1411 : vector<16xi32>
        %lt3A_1413 = arith.constant 0 : i32
        %lt3A_1414 = vector.broadcast %lt3A_1413 : i32 to vector<16xi32>
        %lt3A_1415 = arith.cmpi slt, %rem3A_1409, %lt3A_1414 : vector<16xi32>
        %lt3A_1416 = arith.constant 0 : i32
        %lt3A_1417 = arith.cmpi slt, %select_n3A_1407, %lt3A_1416 : i32
        %ne3A_1418 = vector.broadcast %lt3A_1417 : i1 to vector<16xi1>
        %ne3A_1419 = vector.broadcast %ne3A_1418 : vector<16xi1> to vector<16xi1>
        %ne3A_1420 = arith.xori %lt3A_1415, %ne3A_1419 : vector<16xi1>
        %and3A_1421 = arith.andi %ne3A_1420, %ne3A_1412 : vector<16xi1>
        %add3A_1422 = vector.broadcast %select_n3A_1407 : i32 to vector<16xi32>
        %add3A_1423 = arith.addi %rem3A_1409, %add3A_1422 : vector<16xi32>
        %select_n3A_1424 = arith.select %and3A_1421, %add3A_1423, %rem3A_1409 : vector<16xi1>, vector<16xi32>
        %mul3A_1425 = arith.constant 100000 : i32
        %mul3A_1426 = vector.broadcast %mul3A_1425 : i32 to vector<16xi32>
        %mul3A_1427 = arith.muli %select_n3A_1424, %mul3A_1426 : vector<16xi32>
        %get3A_1428 = arith.index_cast %add3A_1398 : i32 to index
        %get3A_1429 = tpu.vector_load %arg5[%get3A_1428] {strides = array<i32>} : memref<13312xi32, #tpu.memory_space<vmem>>, vector<16xi32>,
        %get3A_1430 = vector.shape_cast %get3A_1429 : vector<16xi32> to vector<16xi32>
        %add3A_1431 = arith.addi %get3A_1430, %mul3A_1427 : vector<16xi32>
        %swap3A_1432 = arith.index_cast %add3A_1398 : i32 to index
        %swap3A_1433 = tpu.vector_load %arg5[%swap3A_1432] {strides = array<i32>} : memref<13312xi32, #tpu.memory_space<vmem>>, vector<16xi32>,
        %swap3A_1434 = vector.shape_cast %swap3A_1433 : vector<16xi32> to vector<16xi32>
        %swap3A_1435 = vector.shape_cast %add3A_1431 : vector<16xi32> to vector<16xi32>
        tpu.vector_store %arg5[%swap3A_1432], %swap3A_1435 {strides = array<i32>} : memref<13312xi32, #tpu.memory_space<vmem>>, vector<16xi32>,
        %mul3A_1436 = arith.constant 256 : i32
        %mul3A_1437 = arith.muli %add3A_1353, %mul3A_1436 : i32
        %add3A_1438 = arith.constant 32 : i32
        %add3A_1439 = arith.addi %mul3A_1437, %add3A_1438 : i32
        %add3A_1440 = arith.addi %mul3A_2, %add3A_1439 : i32
        %iota3A_1441 = tpu.iota {dimensions = array<i32: 0>} : vector<16xi32>
        %add3A_1442 = vector.broadcast %add3A_1440 : i32 to vector<16xi32>
        %add3A_1443 = arith.addi %add3A_1442, %iota3A_1441 : vector<16xi32>
        %jit3A_1444 = arith.constant 26 : i32
        %eq3A_1445 = arith.constant 0 : i32
        %eq3A_1446 = arith.cmpi eq, %jit3A_1444, %eq3A_1445 : i32
        %jit3A_1447 = arith.constant 1 : i32
        %select_n3A_1448 = arith.select %eq3A_1446, %jit3A_1447, %jit3A_1444 : i32
        %rem3A_1449 = vector.broadcast %select_n3A_1448 : i32 to vector<16xi32>
        %rem3A_1450 = arith.remsi %add3A_1443, %rem3A_1449 : vector<16xi32>
        %ne3A_1451 = arith.constant 0 : i32
        %ne3A_1452 = vector.broadcast %ne3A_1451 : i32 to vector<16xi32>
        %ne3A_1453 = arith.cmpi ne, %rem3A_1450, %ne3A_1452 : vector<16xi32>
        %lt3A_1454 = arith.constant 0 : i32
        %lt3A_1455 = vector.broadcast %lt3A_1454 : i32 to vector<16xi32>
        %lt3A_1456 = arith.cmpi slt, %rem3A_1450, %lt3A_1455 : vector<16xi32>
        %lt3A_1457 = arith.constant 0 : i32
        %lt3A_1458 = arith.cmpi slt, %select_n3A_1448, %lt3A_1457 : i32
        %ne3A_1459 = vector.broadcast %lt3A_1458 : i1 to vector<16xi1>
        %ne3A_1460 = vector.broadcast %ne3A_1459 : vector<16xi1> to vector<16xi1>
        %ne3A_1461 = arith.xori %lt3A_1456, %ne3A_1460 : vector<16xi1>
        %and3A_1462 = arith.andi %ne3A_1461, %ne3A_1453 : vector<16xi1>
        %add3A_1463 = vector.broadcast %select_n3A_1448 : i32 to vector<16xi32>
        %add3A_1464 = arith.addi %rem3A_1450, %add3A_1463 : vector<16xi32>
        %select_n3A_1465 = arith.select %and3A_1462, %add3A_1464, %rem3A_1450 : vector<16xi1>, vector<16xi32>
        %mul3A_1466 = arith.constant 100000 : i32
        %mul3A_1467 = vector.broadcast %mul3A_1466 : i32 to vector<16xi32>
        %mul3A_1468 = arith.muli %select_n3A_1465, %mul3A_1467 : vector<16xi32>
        %get3A_1469 = arith.index_cast %add3A_1439 : i32 to index
        %get3A_1470 = tpu.vector_load %arg5[%get3A_1469] {strides = array<i32>} : memref<13312xi32, #tpu.memory_space<vmem>>, vector<16xi32>,
        %get3A_1471 = vector.shape_cast %get3A_1470 : vector<16xi32> to vector<16xi32>
        %add3A_1472 = arith.addi %get3A_1471, %mul3A_1468 : vector<16xi32>
        %swap3A_1473 = arith.index_cast %add3A_1439 : i32 to index
        %swap3A_1474 = tpu.vector_load %arg5[%swap3A_1473] {strides = array<i32>} : memref<13312xi32, #tpu.memory_space<vmem>>, vector<16xi32>,
        %swap3A_1475 = vector.shape_cast %swap3A_1474 : vector<16xi32> to vector<16xi32>
        %swap3A_1476 = vector.shape_cast %add3A_1472 : vector<16xi32> to vector<16xi32>
        tpu.vector_store %arg5[%swap3A_1473], %swap3A_1476 {strides = array<i32>} : memref<13312xi32, #tpu.memory_space<vmem>>, vector<16xi32>,
        %mul3A_1477 = arith.constant 256 : i32
        %mul3A_1478 = arith.muli %add3A_1353, %mul3A_1477 : i32
        %add3A_1479 = arith.constant 48 : i32
        %add3A_1480 = arith.addi %mul3A_1478, %add3A_1479 : i32
        %add3A_1481 = arith.addi %mul3A_2, %add3A_1480 : i32
        %iota3A_1482 = tpu.iota {dimensions = array<i32: 0>} : vector<16xi32>
        %add3A_1483 = vector.broadcast %add3A_1481 : i32 to vector<16xi32>
        %add3A_1484 = arith.addi %add3A_1483, %iota3A_1482 : vector<16xi32>
        %jit3A_1485 = arith.constant 26 : i32
        %eq3A_1486 = arith.constant 0 : i32
        %eq3A_1487 = arith.cmpi eq, %jit3A_1485, %eq3A_1486 : i32
        %jit3A_1488 = arith.constant 1 : i32
        %select_n3A_1489 = arith.select %eq3A_1487, %jit3A_1488, %jit3A_1485 : i32
        %rem3A_1490 = vector.broadcast %select_n3A_1489 : i32 to vector<16xi32>
        %rem3A_1491 = arith.remsi %add3A_1484, %rem3A_1490 : vector<16xi32>
        %ne3A_1492 = arith.constant 0 : i32
        %ne3A_1493 = vector.broadcast %ne3A_1492 : i32 to vector<16xi32>
        %ne3A_1494 = arith.cmpi ne, %rem3A_1491, %ne3A_1493 : vector<16xi32>
        %lt3A_1495 = arith.constant 0 : i32
        %lt3A_1496 = vector.broadcast %lt3A_1495 : i32 to vector<16xi32>
        %lt3A_1497 = arith.cmpi slt, %rem3A_1491, %lt3A_1496 : vector<16xi32>
        %lt3A_1498 = arith.constant 0 : i32
        %lt3A_1499 = arith.cmpi slt, %select_n3A_1489, %lt3A_1498 : i32
        %ne3A_1500 = vector.broadcast %lt3A_1499 : i1 to vector<16xi1>
        %ne3A_1501 = vector.broadcast %ne3A_1500 : vector<16xi1> to vector<16xi1>
        %ne3A_1502 = arith.xori %lt3A_1497, %ne3A_1501 : vector<16xi1>
        %and3A_1503 = arith.andi %ne3A_1502, %ne3A_1494 : vector<16xi1>
        %add3A_1504 = vector.broadcast %select_n3A_1489 : i32 to vector<16xi32>
        %add3A_1505 = arith.addi %rem3A_1491, %add3A_1504 : vector<16xi32>
        %select_n3A_1506 = arith.select %and3A_1503, %add3A_1505, %rem3A_1491 : vector<16xi1>, vector<16xi32>
        %mul3A_1507 = arith.constant 100000 : i32
        %mul3A_1508 = vector.broadcast %mul3A_1507 : i32 to vector<16xi32>
        %mul3A_1509 = arith.muli %select_n3A_1506, %mul3A_1508 : vector<16xi32>
        %get3A_1510 = arith.index_cast %add3A_1480 : i32 to index
        %get3A_1511 = tpu.vector_load %arg5[%get3A_1510] {strides = array<i32>} : memref<13312xi32, #tpu.memory_space<vmem>>, vector<16xi32>,
        %get3A_1512 = vector.shape_cast %get3A_1511 : vector<16xi32> to vector<16xi32>
        %add3A_1513 = arith.addi %get3A_1512, %mul3A_1509 : vector<16xi32>
        %swap3A_1514 = arith.index_cast %add3A_1480 : i32 to index
        %swap3A_1515 = tpu.vector_load %arg5[%swap3A_1514] {strides = array<i32>} : memref<13312xi32, #tpu.memory_space<vmem>>, vector<16xi32>,
        %swap3A_1516 = vector.shape_cast %swap3A_1515 : vector<16xi32> to vector<16xi32>
        %swap3A_1517 = vector.shape_cast %add3A_1513 : vector<16xi32> to vector<16xi32>
        tpu.vector_store %arg5[%swap3A_1514], %swap3A_1517 {strides = array<i32>} : memref<13312xi32, #tpu.memory_space<vmem>>, vector<16xi32>,
        %mul3A_1518 = arith.constant 256 : i32
        %mul3A_1519 = arith.muli %add3A_1353, %mul3A_1518 : i32
        %add3A_1520 = arith.constant 64 : i32
        %add3A_1521 = arith.addi %mul3A_1519, %add3A_1520 : i32
        %add3A_1522 = arith.addi %mul3A_2, %add3A_1521 : i32
        %iota3A_1523 = tpu.iota {dimensions = array<i32: 0>} : vector<16xi32>
        %add3A_1524 = vector.broadcast %add3A_1522 : i32 to vector<16xi32>
        %add3A_1525 = arith.addi %add3A_1524, %iota3A_1523 : vector<16xi32>
        %jit3A_1526 = arith.constant 26 : i32
        %eq3A_1527 = arith.constant 0 : i32
        %eq3A_1528 = arith.cmpi eq, %jit3A_1526, %eq3A_1527 : i32
        %jit3A_1529 = arith.constant 1 : i32
        %select_n3A_1530 = arith.select %eq3A_1528, %jit3A_1529, %jit3A_1526 : i32
        %rem3A_1531 = vector.broadcast %select_n3A_1530 : i32 to vector<16xi32>
        %rem3A_1532 = arith.remsi %add3A_1525, %rem3A_1531 : vector<16xi32>
        %ne3A_1533 = arith.constant 0 : i32
        %ne3A_1534 = vector.broadcast %ne3A_1533 : i32 to vector<16xi32>
        %ne3A_1535 = arith.cmpi ne, %rem3A_1532, %ne3A_1534 : vector<16xi32>
        %lt3A_1536 = arith.constant 0 : i32
        %lt3A_1537 = vector.broadcast %lt3A_1536 : i32 to vector<16xi32>
        %lt3A_1538 = arith.cmpi slt, %rem3A_1532, %lt3A_1537 : vector<16xi32>
        %lt3A_1539 = arith.constant 0 : i32
        %lt3A_1540 = arith.cmpi slt, %select_n3A_1530, %lt3A_1539 : i32
        %ne3A_1541 = vector.broadcast %lt3A_1540 : i1 to vector<16xi1>
        %ne3A_1542 = vector.broadcast %ne3A_1541 : vector<16xi1> to vector<16xi1>
        %ne3A_1543 = arith.xori %lt3A_1538, %ne3A_1542 : vector<16xi1>
        %and3A_1544 = arith.andi %ne3A_1543, %ne3A_1535 : vector<16xi1>
        %add3A_1545 = vector.broadcast %select_n3A_1530 : i32 to vector<16xi32>
        %add3A_1546 = arith.addi %rem3A_1532, %add3A_1545 : vector<16xi32>
        %select_n3A_1547 = arith.select %and3A_1544, %add3A_1546, %rem3A_1532 : vector<16xi1>, vector<16xi32>
        %mul3A_1548 = arith.constant 100000 : i32
        %mul3A_1549 = vector.broadcast %mul3A_1548 : i32 to vector<16xi32>
        %mul3A_1550 = arith.muli %select_n3A_1547, %mul3A_1549 : vector<16xi32>
        %get3A_1551 = arith.index_cast %add3A_1521 : i32 to index
        %get3A_1552 = tpu.vector_load %arg5[%get3A_1551] {strides = array<i32>} : memref<13312xi32, #tpu.memory_space<vmem>>, vector<16xi32>,
        %get3A_1553 = vector.shape_cast %get3A_1552 : vector<16xi32> to vector<16xi32>
        %add3A_1554 = arith.addi %get3A_1553, %mul3A_1550 : vector<16xi32>
        %swap3A_1555 = arith.index_cast %add3A_1521 : i32 to index
        %swap3A_1556 = tpu.vector_load %arg5[%swap3A_1555] {strides = array<i32>} : memref<13312xi32, #tpu.memory_space<vmem>>, vector<16xi32>,
        %swap3A_1557 = vector.shape_cast %swap3A_1556 : vector<16xi32> to vector<16xi32>
        %swap3A_1558 = vector.shape_cast %add3A_1554 : vector<16xi32> to vector<16xi32>
        tpu.vector_store %arg5[%swap3A_1555], %swap3A_1558 {strides = array<i32>} : memref<13312xi32, #tpu.memory_space<vmem>>, vector<16xi32>,
        %mul3A_1559 = arith.constant 256 : i32
        %mul3A_1560 = arith.muli %add3A_1353, %mul3A_1559 : i32
        %add3A_1561 = arith.constant 80 : i32
        %add3A_1562 = arith.addi %mul3A_1560, %add3A_1561 : i32
        %add3A_1563 = arith.addi %mul3A_2, %add3A_1562 : i32
        %iota3A_1564 = tpu.iota {dimensions = array<i32: 0>} : vector<16xi32>
        %add3A_1565 = vector.broadcast %add3A_1563 : i32 to vector<16xi32>
        %add3A_1566 = arith.addi %add3A_1565, %iota3A_1564 : vector<16xi32>
        %jit3A_1567 = arith.constant 26 : i32
        %eq3A_1568 = arith.constant 0 : i32
        %eq3A_1569 = arith.cmpi eq, %jit3A_1567, %eq3A_1568 : i32
        %jit3A_1570 = arith.constant 1 : i32
        %select_n3A_1571 = arith.select %eq3A_1569, %jit3A_1570, %jit3A_1567 : i32
        %rem3A_1572 = vector.broadcast %select_n3A_1571 : i32 to vector<16xi32>
        %rem3A_1573 = arith.remsi %add3A_1566, %rem3A_1572 : vector<16xi32>
        %ne3A_1574 = arith.constant 0 : i32
        %ne3A_1575 = vector.broadcast %ne3A_1574 : i32 to vector<16xi32>
        %ne3A_1576 = arith.cmpi ne, %rem3A_1573, %ne3A_1575 : vector<16xi32>
        %lt3A_1577 = arith.constant 0 : i32
        %lt3A_1578 = vector.broadcast %lt3A_1577 : i32 to vector<16xi32>
        %lt3A_1579 = arith.cmpi slt, %rem3A_1573, %lt3A_1578 : vector<16xi32>
        %lt3A_1580 = arith.constant 0 : i32
        %lt3A_1581 = arith.cmpi slt, %select_n3A_1571, %lt3A_1580 : i32
        %ne3A_1582 = vector.broadcast %lt3A_1581 : i1 to vector<16xi1>
        %ne3A_1583 = vector.broadcast %ne3A_1582 : vector<16xi1> to vector<16xi1>
        %ne3A_1584 = arith.xori %lt3A_1579, %ne3A_1583 : vector<16xi1>
        %and3A_1585 = arith.andi %ne3A_1584, %ne3A_1576 : vector<16xi1>
        %add3A_1586 = vector.broadcast %select_n3A_1571 : i32 to vector<16xi32>
        %add3A_1587 = arith.addi %rem3A_1573, %add3A_1586 : vector<16xi32>
        %select_n3A_1588 = arith.select %and3A_1585, %add3A_1587, %rem3A_1573 : vector<16xi1>, vector<16xi32>
        %mul3A_1589 = arith.constant 100000 : i32
        %mul3A_1590 = vector.broadcast %mul3A_1589 : i32 to vector<16xi32>
        %mul3A_1591 = arith.muli %select_n3A_1588, %mul3A_1590 : vector<16xi32>
        %get3A_1592 = arith.index_cast %add3A_1562 : i32 to index
        %get3A_1593 = tpu.vector_load %arg5[%get3A_1592] {strides = array<i32>} : memref<13312xi32, #tpu.memory_space<vmem>>, vector<16xi32>,
        %get3A_1594 = vector.shape_cast %get3A_1593 : vector<16xi32> to vector<16xi32>
        %add3A_1595 = arith.addi %get3A_1594, %mul3A_1591 : vector<16xi32>
        %swap3A_1596 = arith.index_cast %add3A_1562 : i32 to index
        %swap3A_1597 = tpu.vector_load %arg5[%swap3A_1596] {strides = array<i32>} : memref<13312xi32, #tpu.memory_space<vmem>>, vector<16xi32>,
        %swap3A_1598 = vector.shape_cast %swap3A_1597 : vector<16xi32> to vector<16xi32>
        %swap3A_1599 = vector.shape_cast %add3A_1595 : vector<16xi32> to vector<16xi32>
        tpu.vector_store %arg5[%swap3A_1596], %swap3A_1599 {strides = array<i32>} : memref<13312xi32, #tpu.memory_space<vmem>>, vector<16xi32>,
        %mul3A_1600 = arith.constant 256 : i32
        %mul3A_1601 = arith.muli %add3A_1353, %mul3A_1600 : i32
        %add3A_1602 = arith.constant 96 : i32
        %add3A_1603 = arith.addi %mul3A_1601, %add3A_1602 : i32
        %add3A_1604 = arith.addi %mul3A_2, %add3A_1603 : i32
        %iota3A_1605 = tpu.iota {dimensions = array<i32: 0>} : vector<16xi32>
        %add3A_1606 = vector.broadcast %add3A_1604 : i32 to vector<16xi32>
        %add3A_1607 = arith.addi %add3A_1606, %iota3A_1605 : vector<16xi32>
        %jit3A_1608 = arith.constant 26 : i32
        %eq3A_1609 = arith.constant 0 : i32
        %eq3A_1610 = arith.cmpi eq, %jit3A_1608, %eq3A_1609 : i32
        %jit3A_1611 = arith.constant 1 : i32
        %select_n3A_1612 = arith.select %eq3A_1610, %jit3A_1611, %jit3A_1608 : i32
        %rem3A_1613 = vector.broadcast %select_n3A_1612 : i32 to vector<16xi32>
        %rem3A_1614 = arith.remsi %add3A_1607, %rem3A_1613 : vector<16xi32>
        %ne3A_1615 = arith.constant 0 : i32
        %ne3A_1616 = vector.broadcast %ne3A_1615 : i32 to vector<16xi32>
        %ne3A_1617 = arith.cmpi ne, %rem3A_1614, %ne3A_1616 : vector<16xi32>
        %lt3A_1618 = arith.constant 0 : i32
        %lt3A_1619 = vector.broadcast %lt3A_1618 : i32 to vector<16xi32>
        %lt3A_1620 = arith.cmpi slt, %rem3A_1614, %lt3A_1619 : vector<16xi32>
        %lt3A_1621 = arith.constant 0 : i32
        %lt3A_1622 = arith.cmpi slt, %select_n3A_1612, %lt3A_1621 : i32
        %ne3A_1623 = vector.broadcast %lt3A_1622 : i1 to vector<16xi1>
        %ne3A_1624 = vector.broadcast %ne3A_1623 : vector<16xi1> to vector<16xi1>
        %ne3A_1625 = arith.xori %lt3A_1620, %ne3A_1624 : vector<16xi1>
        %and3A_1626 = arith.andi %ne3A_1625, %ne3A_1617 : vector<16xi1>
        %add3A_1627 = vector.broadcast %select_n3A_1612 : i32 to vector<16xi32>
        %add3A_1628 = arith.addi %rem3A_1614, %add3A_1627 : vector<16xi32>
        %select_n3A_1629 = arith.select %and3A_1626, %add3A_1628, %rem3A_1614 : vector<16xi1>, vector<16xi32>
        %mul3A_1630 = arith.constant 100000 : i32
        %mul3A_1631 = vector.broadcast %mul3A_1630 : i32 to vector<16xi32>
        %mul3A_1632 = arith.muli %select_n3A_1629, %mul3A_1631 : vector<16xi32>
        %get3A_1633 = arith.index_cast %add3A_1603 : i32 to index
        %get3A_1634 = tpu.vector_load %arg5[%get3A_1633] {strides = array<i32>} : memref<13312xi32, #tpu.memory_space<vmem>>, vector<16xi32>,
        %get3A_1635 = vector.shape_cast %get3A_1634 : vector<16xi32> to vector<16xi32>
        %add3A_1636 = arith.addi %get3A_1635, %mul3A_1632 : vector<16xi32>
        %swap3A_1637 = arith.index_cast %add3A_1603 : i32 to index
        %swap3A_1638 = tpu.vector_load %arg5[%swap3A_1637] {strides = array<i32>} : memref<13312xi32, #tpu.memory_space<vmem>>, vector<16xi32>,
        %swap3A_1639 = vector.shape_cast %swap3A_1638 : vector<16xi32> to vector<16xi32>
        %swap3A_1640 = vector.shape_cast %add3A_1636 : vector<16xi32> to vector<16xi32>
        tpu.vector_store %arg5[%swap3A_1637], %swap3A_1640 {strides = array<i32>} : memref<13312xi32, #tpu.memory_space<vmem>>, vector<16xi32>,
        %mul3A_1641 = arith.constant 256 : i32
        %mul3A_1642 = arith.muli %add3A_1353, %mul3A_1641 : i32
        %add3A_1643 = arith.constant 112 : i32
        %add3A_1644 = arith.addi %mul3A_1642, %add3A_1643 : i32
        %add3A_1645 = arith.addi %mul3A_2, %add3A_1644 : i32
        %iota3A_1646 = tpu.iota {dimensions = array<i32: 0>} : vector<16xi32>
        %add3A_1647 = vector.broadcast %add3A_1645 : i32 to vector<16xi32>
        %add3A_1648 = arith.addi %add3A_1647, %iota3A_1646 : vector<16xi32>
        %jit3A_1649 = arith.constant 26 : i32
        %eq3A_1650 = arith.constant 0 : i32
        %eq3A_1651 = arith.cmpi eq, %jit3A_1649, %eq3A_1650 : i32
        %jit3A_1652 = arith.constant 1 : i32
        %select_n3A_1653 = arith.select %eq3A_1651, %jit3A_1652, %jit3A_1649 : i32
        %rem3A_1654 = vector.broadcast %select_n3A_1653 : i32 to vector<16xi32>
        %rem3A_1655 = arith.remsi %add3A_1648, %rem3A_1654 : vector<16xi32>
        %ne3A_1656 = arith.constant 0 : i32
        %ne3A_1657 = vector.broadcast %ne3A_1656 : i32 to vector<16xi32>
        %ne3A_1658 = arith.cmpi ne, %rem3A_1655, %ne3A_1657 : vector<16xi32>
        %lt3A_1659 = arith.constant 0 : i32
        %lt3A_1660 = vector.broadcast %lt3A_1659 : i32 to vector<16xi32>
        %lt3A_1661 = arith.cmpi slt, %rem3A_1655, %lt3A_1660 : vector<16xi32>
        %lt3A_1662 = arith.constant 0 : i32
        %lt3A_1663 = arith.cmpi slt, %select_n3A_1653, %lt3A_1662 : i32
        %ne3A_1664 = vector.broadcast %lt3A_1663 : i1 to vector<16xi1>
        %ne3A_1665 = vector.broadcast %ne3A_1664 : vector<16xi1> to vector<16xi1>
        %ne3A_1666 = arith.xori %lt3A_1661, %ne3A_1665 : vector<16xi1>
        %and3A_1667 = arith.andi %ne3A_1666, %ne3A_1658 : vector<16xi1>
        %add3A_1668 = vector.broadcast %select_n3A_1653 : i32 to vector<16xi32>
        %add3A_1669 = arith.addi %rem3A_1655, %add3A_1668 : vector<16xi32>
        %select_n3A_1670 = arith.select %and3A_1667, %add3A_1669, %rem3A_1655 : vector<16xi1>, vector<16xi32>
        %mul3A_1671 = arith.constant 100000 : i32
        %mul3A_1672 = vector.broadcast %mul3A_1671 : i32 to vector<16xi32>
        %mul3A_1673 = arith.muli %select_n3A_1670, %mul3A_1672 : vector<16xi32>
        %get3A_1674 = arith.index_cast %add3A_1644 : i32 to index
        %get3A_1675 = tpu.vector_load %arg5[%get3A_1674] {strides = array<i32>} : memref<13312xi32, #tpu.memory_space<vmem>>, vector<16xi32>,
        %get3A_1676 = vector.shape_cast %get3A_1675 : vector<16xi32> to vector<16xi32>
        %add3A_1677 = arith.addi %get3A_1676, %mul3A_1673 : vector<16xi32>
        %swap3A_1678 = arith.index_cast %add3A_1644 : i32 to index
        %swap3A_1679 = tpu.vector_load %arg5[%swap3A_1678] {strides = array<i32>} : memref<13312xi32, #tpu.memory_space<vmem>>, vector<16xi32>,
        %swap3A_1680 = vector.shape_cast %swap3A_1679 : vector<16xi32> to vector<16xi32>
        %swap3A_1681 = vector.shape_cast %add3A_1677 : vector<16xi32> to vector<16xi32>
        tpu.vector_store %arg5[%swap3A_1678], %swap3A_1681 {strides = array<i32>} : memref<13312xi32, #tpu.memory_space<vmem>>, vector<16xi32>,
        %mul3A_1682 = arith.constant 256 : i32
        %mul3A_1683 = arith.muli %add3A_1353, %mul3A_1682 : i32
        %add3A_1684 = arith.constant 128 : i32
        %add3A_1685 = arith.addi %mul3A_1683, %add3A_1684 : i32
        %add3A_1686 = arith.addi %mul3A_2, %add3A_1685 : i32
        %iota3A_1687 = tpu.iota {dimensions = array<i32: 0>} : vector<16xi32>
        %add3A_1688 = vector.broadcast %add3A_1686 : i32 to vector<16xi32>
        %add3A_1689 = arith.addi %add3A_1688, %iota3A_1687 : vector<16xi32>
        %jit3A_1690 = arith.constant 26 : i32
        %eq3A_1691 = arith.constant 0 : i32
        %eq3A_1692 = arith.cmpi eq, %jit3A_1690, %eq3A_1691 : i32
        %jit3A_1693 = arith.constant 1 : i32
        %select_n3A_1694 = arith.select %eq3A_1692, %jit3A_1693, %jit3A_1690 : i32
        %rem3A_1695 = vector.broadcast %select_n3A_1694 : i32 to vector<16xi32>
        %rem3A_1696 = arith.remsi %add3A_1689, %rem3A_1695 : vector<16xi32>
        %ne3A_1697 = arith.constant 0 : i32
        %ne3A_1698 = vector.broadcast %ne3A_1697 : i32 to vector<16xi32>
        %ne3A_1699 = arith.cmpi ne, %rem3A_1696, %ne3A_1698 : vector<16xi32>
        %lt3A_1700 = arith.constant 0 : i32
        %lt3A_1701 = vector.broadcast %lt3A_1700 : i32 to vector<16xi32>
        %lt3A_1702 = arith.cmpi slt, %rem3A_1696, %lt3A_1701 : vector<16xi32>
        %lt3A_1703 = arith.constant 0 : i32
        %lt3A_1704 = arith.cmpi slt, %select_n3A_1694, %lt3A_1703 : i32
        %ne3A_1705 = vector.broadcast %lt3A_1704 : i1 to vector<16xi1>
        %ne3A_1706 = vector.broadcast %ne3A_1705 : vector<16xi1> to vector<16xi1>
        %ne3A_1707 = arith.xori %lt3A_1702, %ne3A_1706 : vector<16xi1>
        %and3A_1708 = arith.andi %ne3A_1707, %ne3A_1699 : vector<16xi1>
        %add3A_1709 = vector.broadcast %select_n3A_1694 : i32 to vector<16xi32>
        %add3A_1710 = arith.addi %rem3A_1696, %add3A_1709 : vector<16xi32>
        %select_n3A_1711 = arith.select %and3A_1708, %add3A_1710, %rem3A_1696 : vector<16xi1>, vector<16xi32>
        %mul3A_1712 = arith.constant 100000 : i32
        %mul3A_1713 = vector.broadcast %mul3A_1712 : i32 to vector<16xi32>
        %mul3A_1714 = arith.muli %select_n3A_1711, %mul3A_1713 : vector<16xi32>
        %get3A_1715 = arith.index_cast %add3A_1685 : i32 to index
        %get3A_1716 = tpu.vector_load %arg5[%get3A_1715] {strides = array<i32>} : memref<13312xi32, #tpu.memory_space<vmem>>, vector<16xi32>,
        %get3A_1717 = vector.shape_cast %get3A_1716 : vector<16xi32> to vector<16xi32>
        %add3A_1718 = arith.addi %get3A_1717, %mul3A_1714 : vector<16xi32>
        %swap3A_1719 = arith.index_cast %add3A_1685 : i32 to index
        %swap3A_1720 = tpu.vector_load %arg5[%swap3A_1719] {strides = array<i32>} : memref<13312xi32, #tpu.memory_space<vmem>>, vector<16xi32>,
        %swap3A_1721 = vector.shape_cast %swap3A_1720 : vector<16xi32> to vector<16xi32>
        %swap3A_1722 = vector.shape_cast %add3A_1718 : vector<16xi32> to vector<16xi32>
        tpu.vector_store %arg5[%swap3A_1719], %swap3A_1722 {strides = array<i32>} : memref<13312xi32, #tpu.memory_space<vmem>>, vector<16xi32>,
        %mul3A_1723 = arith.constant 256 : i32
        %mul3A_1724 = arith.muli %add3A_1353, %mul3A_1723 : i32
        %add3A_1725 = arith.constant 144 : i32
        %add3A_1726 = arith.addi %mul3A_1724, %add3A_1725 : i32
        %add3A_1727 = arith.addi %mul3A_2, %add3A_1726 : i32
        %iota3A_1728 = tpu.iota {dimensions = array<i32: 0>} : vector<16xi32>
        %add3A_1729 = vector.broadcast %add3A_1727 : i32 to vector<16xi32>
        %add3A_1730 = arith.addi %add3A_1729, %iota3A_1728 : vector<16xi32>
        %jit3A_1731 = arith.constant 26 : i32
        %eq3A_1732 = arith.constant 0 : i32
        %eq3A_1733 = arith.cmpi eq, %jit3A_1731, %eq3A_1732 : i32
        %jit3A_1734 = arith.constant 1 : i32
        %select_n3A_1735 = arith.select %eq3A_1733, %jit3A_1734, %jit3A_1731 : i32
        %rem3A_1736 = vector.broadcast %select_n3A_1735 : i32 to vector<16xi32>
        %rem3A_1737 = arith.remsi %add3A_1730, %rem3A_1736 : vector<16xi32>
        %ne3A_1738 = arith.constant 0 : i32
        %ne3A_1739 = vector.broadcast %ne3A_1738 : i32 to vector<16xi32>
        %ne3A_1740 = arith.cmpi ne, %rem3A_1737, %ne3A_1739 : vector<16xi32>
        %lt3A_1741 = arith.constant 0 : i32
        %lt3A_1742 = vector.broadcast %lt3A_1741 : i32 to vector<16xi32>
        %lt3A_1743 = arith.cmpi slt, %rem3A_1737, %lt3A_1742 : vector<16xi32>
        %lt3A_1744 = arith.constant 0 : i32
        %lt3A_1745 = arith.cmpi slt, %select_n3A_1735, %lt3A_1744 : i32
        %ne3A_1746 = vector.broadcast %lt3A_1745 : i1 to vector<16xi1>
        %ne3A_1747 = vector.broadcast %ne3A_1746 : vector<16xi1> to vector<16xi1>
        %ne3A_1748 = arith.xori %lt3A_1743, %ne3A_1747 : vector<16xi1>
        %and3A_1749 = arith.andi %ne3A_1748, %ne3A_1740 : vector<16xi1>
        %add3A_1750 = vector.broadcast %select_n3A_1735 : i32 to vector<16xi32>
        %add3A_1751 = arith.addi %rem3A_1737, %add3A_1750 : vector<16xi32>
        %select_n3A_1752 = arith.select %and3A_1749, %add3A_1751, %rem3A_1737 : vector<16xi1>, vector<16xi32>
        %mul3A_1753 = arith.constant 100000 : i32
        %mul3A_1754 = vector.broadcast %mul3A_1753 : i32 to vector<16xi32>
        %mul3A_1755 = arith.muli %select_n3A_1752, %mul3A_1754 : vector<16xi32>
        %get3A_1756 = arith.index_cast %add3A_1726 : i32 to index
        %get3A_1757 = tpu.vector_load %arg5[%get3A_1756] {strides = array<i32>} : memref<13312xi32, #tpu.memory_space<vmem>>, vector<16xi32>,
        %get3A_1758 = vector.shape_cast %get3A_1757 : vector<16xi32> to vector<16xi32>
        %add3A_1759 = arith.addi %get3A_1758, %mul3A_1755 : vector<16xi32>
        %swap3A_1760 = arith.index_cast %add3A_1726 : i32 to index
        %swap3A_1761 = tpu.vector_load %arg5[%swap3A_1760] {strides = array<i32>} : memref<13312xi32, #tpu.memory_space<vmem>>, vector<16xi32>,
        %swap3A_1762 = vector.shape_cast %swap3A_1761 : vector<16xi32> to vector<16xi32>
        %swap3A_1763 = vector.shape_cast %add3A_1759 : vector<16xi32> to vector<16xi32>
        tpu.vector_store %arg5[%swap3A_1760], %swap3A_1763 {strides = array<i32>} : memref<13312xi32, #tpu.memory_space<vmem>>, vector<16xi32>,
        %mul3A_1764 = arith.constant 256 : i32
        %mul3A_1765 = arith.muli %add3A_1353, %mul3A_1764 : i32
        %add3A_1766 = arith.constant 160 : i32
        %add3A_1767 = arith.addi %mul3A_1765, %add3A_1766 : i32
        %add3A_1768 = arith.addi %mul3A_2, %add3A_1767 : i32
        %iota3A_1769 = tpu.iota {dimensions = array<i32: 0>} : vector<16xi32>
        %add3A_1770 = vector.broadcast %add3A_1768 : i32 to vector<16xi32>
        %add3A_1771 = arith.addi %add3A_1770, %iota3A_1769 : vector<16xi32>
        %jit3A_1772 = arith.constant 26 : i32
        %eq3A_1773 = arith.constant 0 : i32
        %eq3A_1774 = arith.cmpi eq, %jit3A_1772, %eq3A_1773 : i32
        %jit3A_1775 = arith.constant 1 : i32
        %select_n3A_1776 = arith.select %eq3A_1774, %jit3A_1775, %jit3A_1772 : i32
        %rem3A_1777 = vector.broadcast %select_n3A_1776 : i32 to vector<16xi32>
        %rem3A_1778 = arith.remsi %add3A_1771, %rem3A_1777 : vector<16xi32>
        %ne3A_1779 = arith.constant 0 : i32
        %ne3A_1780 = vector.broadcast %ne3A_1779 : i32 to vector<16xi32>
        %ne3A_1781 = arith.cmpi ne, %rem3A_1778, %ne3A_1780 : vector<16xi32>
        %lt3A_1782 = arith.constant 0 : i32
        %lt3A_1783 = vector.broadcast %lt3A_1782 : i32 to vector<16xi32>
        %lt3A_1784 = arith.cmpi slt, %rem3A_1778, %lt3A_1783 : vector<16xi32>
        %lt3A_1785 = arith.constant 0 : i32
        %lt3A_1786 = arith.cmpi slt, %select_n3A_1776, %lt3A_1785 : i32
        %ne3A_1787 = vector.broadcast %lt3A_1786 : i1 to vector<16xi1>
        %ne3A_1788 = vector.broadcast %ne3A_1787 : vector<16xi1> to vector<16xi1>
        %ne3A_1789 = arith.xori %lt3A_1784, %ne3A_1788 : vector<16xi1>
        %and3A_1790 = arith.andi %ne3A_1789, %ne3A_1781 : vector<16xi1>
        %add3A_1791 = vector.broadcast %select_n3A_1776 : i32 to vector<16xi32>
        %add3A_1792 = arith.addi %rem3A_1778, %add3A_1791 : vector<16xi32>
        %select_n3A_1793 = arith.select %and3A_1790, %add3A_1792, %rem3A_1778 : vector<16xi1>, vector<16xi32>
        %mul3A_1794 = arith.constant 100000 : i32
        %mul3A_1795 = vector.broadcast %mul3A_1794 : i32 to vector<16xi32>
        %mul3A_1796 = arith.muli %select_n3A_1793, %mul3A_1795 : vector<16xi32>
        %get3A_1797 = arith.index_cast %add3A_1767 : i32 to index
        %get3A_1798 = tpu.vector_load %arg5[%get3A_1797] {strides = array<i32>} : memref<13312xi32, #tpu.memory_space<vmem>>, vector<16xi32>,
        %get3A_1799 = vector.shape_cast %get3A_1798 : vector<16xi32> to vector<16xi32>
        %add3A_1800 = arith.addi %get3A_1799, %mul3A_1796 : vector<16xi32>
        %swap3A_1801 = arith.index_cast %add3A_1767 : i32 to index
        %swap3A_1802 = tpu.vector_load %arg5[%swap3A_1801] {strides = array<i32>} : memref<13312xi32, #tpu.memory_space<vmem>>, vector<16xi32>,
        %swap3A_1803 = vector.shape_cast %swap3A_1802 : vector<16xi32> to vector<16xi32>
        %swap3A_1804 = vector.shape_cast %add3A_1800 : vector<16xi32> to vector<16xi32>
        tpu.vector_store %arg5[%swap3A_1801], %swap3A_1804 {strides = array<i32>} : memref<13312xi32, #tpu.memory_space<vmem>>, vector<16xi32>,
        %mul3A_1805 = arith.constant 256 : i32
        %mul3A_1806 = arith.muli %add3A_1353, %mul3A_1805 : i32
        %add3A_1807 = arith.constant 176 : i32
        %add3A_1808 = arith.addi %mul3A_1806, %add3A_1807 : i32
        %add3A_1809 = arith.addi %mul3A_2, %add3A_1808 : i32
        %iota3A_1810 = tpu.iota {dimensions = array<i32: 0>} : vector<16xi32>
        %add3A_1811 = vector.broadcast %add3A_1809 : i32 to vector<16xi32>
        %add3A_1812 = arith.addi %add3A_1811, %iota3A_1810 : vector<16xi32>
        %jit3A_1813 = arith.constant 26 : i32
        %eq3A_1814 = arith.constant 0 : i32
        %eq3A_1815 = arith.cmpi eq, %jit3A_1813, %eq3A_1814 : i32
        %jit3A_1816 = arith.constant 1 : i32
        %select_n3A_1817 = arith.select %eq3A_1815, %jit3A_1816, %jit3A_1813 : i32
        %rem3A_1818 = vector.broadcast %select_n3A_1817 : i32 to vector<16xi32>
        %rem3A_1819 = arith.remsi %add3A_1812, %rem3A_1818 : vector<16xi32>
        %ne3A_1820 = arith.constant 0 : i32
        %ne3A_1821 = vector.broadcast %ne3A_1820 : i32 to vector<16xi32>
        %ne3A_1822 = arith.cmpi ne, %rem3A_1819, %ne3A_1821 : vector<16xi32>
        %lt3A_1823 = arith.constant 0 : i32
        %lt3A_1824 = vector.broadcast %lt3A_1823 : i32 to vector<16xi32>
        %lt3A_1825 = arith.cmpi slt, %rem3A_1819, %lt3A_1824 : vector<16xi32>
        %lt3A_1826 = arith.constant 0 : i32
        %lt3A_1827 = arith.cmpi slt, %select_n3A_1817, %lt3A_1826 : i32
        %ne3A_1828 = vector.broadcast %lt3A_1827 : i1 to vector<16xi1>
        %ne3A_1829 = vector.broadcast %ne3A_1828 : vector<16xi1> to vector<16xi1>
        %ne3A_1830 = arith.xori %lt3A_1825, %ne3A_1829 : vector<16xi1>
        %and3A_1831 = arith.andi %ne3A_1830, %ne3A_1822 : vector<16xi1>
        %add3A_1832 = vector.broadcast %select_n3A_1817 : i32 to vector<16xi32>
        %add3A_1833 = arith.addi %rem3A_1819, %add3A_1832 : vector<16xi32>
        %select_n3A_1834 = arith.select %and3A_1831, %add3A_1833, %rem3A_1819 : vector<16xi1>, vector<16xi32>
        %mul3A_1835 = arith.constant 100000 : i32
        %mul3A_1836 = vector.broadcast %mul3A_1835 : i32 to vector<16xi32>
        %mul3A_1837 = arith.muli %select_n3A_1834, %mul3A_1836 : vector<16xi32>
        %get3A_1838 = arith.index_cast %add3A_1808 : i32 to index
        %get3A_1839 = tpu.vector_load %arg5[%get3A_1838] {strides = array<i32>} : memref<13312xi32, #tpu.memory_space<vmem>>, vector<16xi32>,
        %get3A_1840 = vector.shape_cast %get3A_1839 : vector<16xi32> to vector<16xi32>
        %add3A_1841 = arith.addi %get3A_1840, %mul3A_1837 : vector<16xi32>
        %swap3A_1842 = arith.index_cast %add3A_1808 : i32 to index
        %swap3A_1843 = tpu.vector_load %arg5[%swap3A_1842] {strides = array<i32>} : memref<13312xi32, #tpu.memory_space<vmem>>, vector<16xi32>,
        %swap3A_1844 = vector.shape_cast %swap3A_1843 : vector<16xi32> to vector<16xi32>
        %swap3A_1845 = vector.shape_cast %add3A_1841 : vector<16xi32> to vector<16xi32>
        tpu.vector_store %arg5[%swap3A_1842], %swap3A_1845 {strides = array<i32>} : memref<13312xi32, #tpu.memory_space<vmem>>, vector<16xi32>,
        %mul3A_1846 = arith.constant 256 : i32
        %mul3A_1847 = arith.muli %add3A_1353, %mul3A_1846 : i32
        %add3A_1848 = arith.constant 192 : i32
        %add3A_1849 = arith.addi %mul3A_1847, %add3A_1848 : i32
        %add3A_1850 = arith.addi %mul3A_2, %add3A_1849 : i32
        %iota3A_1851 = tpu.iota {dimensions = array<i32: 0>} : vector<16xi32>
        %add3A_1852 = vector.broadcast %add3A_1850 : i32 to vector<16xi32>
        %add3A_1853 = arith.addi %add3A_1852, %iota3A_1851 : vector<16xi32>
        %jit3A_1854 = arith.constant 26 : i32
        %eq3A_1855 = arith.constant 0 : i32
        %eq3A_1856 = arith.cmpi eq, %jit3A_1854, %eq3A_1855 : i32
        %jit3A_1857 = arith.constant 1 : i32
        %select_n3A_1858 = arith.select %eq3A_1856, %jit3A_1857, %jit3A_1854 : i32
        %rem3A_1859 = vector.broadcast %select_n3A_1858 : i32 to vector<16xi32>
        %rem3A_1860 = arith.remsi %add3A_1853, %rem3A_1859 : vector<16xi32>
        %ne3A_1861 = arith.constant 0 : i32
        %ne3A_1862 = vector.broadcast %ne3A_1861 : i32 to vector<16xi32>
        %ne3A_1863 = arith.cmpi ne, %rem3A_1860, %ne3A_1862 : vector<16xi32>
        %lt3A_1864 = arith.constant 0 : i32
        %lt3A_1865 = vector.broadcast %lt3A_1864 : i32 to vector<16xi32>
        %lt3A_1866 = arith.cmpi slt, %rem3A_1860, %lt3A_1865 : vector<16xi32>
        %lt3A_1867 = arith.constant 0 : i32
        %lt3A_1868 = arith.cmpi slt, %select_n3A_1858, %lt3A_1867 : i32
        %ne3A_1869 = vector.broadcast %lt3A_1868 : i1 to vector<16xi1>
        %ne3A_1870 = vector.broadcast %ne3A_1869 : vector<16xi1> to vector<16xi1>
        %ne3A_1871 = arith.xori %lt3A_1866, %ne3A_1870 : vector<16xi1>
        %and3A_1872 = arith.andi %ne3A_1871, %ne3A_1863 : vector<16xi1>
        %add3A_1873 = vector.broadcast %select_n3A_1858 : i32 to vector<16xi32>
        %add3A_1874 = arith.addi %rem3A_1860, %add3A_1873 : vector<16xi32>
        %select_n3A_1875 = arith.select %and3A_1872, %add3A_1874, %rem3A_1860 : vector<16xi1>, vector<16xi32>
        %mul3A_1876 = arith.constant 100000 : i32
        %mul3A_1877 = vector.broadcast %mul3A_1876 : i32 to vector<16xi32>
        %mul3A_1878 = arith.muli %select_n3A_1875, %mul3A_1877 : vector<16xi32>
        %get3A_1879 = arith.index_cast %add3A_1849 : i32 to index
        %get3A_1880 = tpu.vector_load %arg5[%get3A_1879] {strides = array<i32>} : memref<13312xi32, #tpu.memory_space<vmem>>, vector<16xi32>,
        %get3A_1881 = vector.shape_cast %get3A_1880 : vector<16xi32> to vector<16xi32>
        %add3A_1882 = arith.addi %get3A_1881, %mul3A_1878 : vector<16xi32>
        %swap3A_1883 = arith.index_cast %add3A_1849 : i32 to index
        %swap3A_1884 = tpu.vector_load %arg5[%swap3A_1883] {strides = array<i32>} : memref<13312xi32, #tpu.memory_space<vmem>>, vector<16xi32>,
        %swap3A_1885 = vector.shape_cast %swap3A_1884 : vector<16xi32> to vector<16xi32>
        %swap3A_1886 = vector.shape_cast %add3A_1882 : vector<16xi32> to vector<16xi32>
        tpu.vector_store %arg5[%swap3A_1883], %swap3A_1886 {strides = array<i32>} : memref<13312xi32, #tpu.memory_space<vmem>>, vector<16xi32>,
        %mul3A_1887 = arith.constant 256 : i32
        %mul3A_1888 = arith.muli %add3A_1353, %mul3A_1887 : i32
        %add3A_1889 = arith.constant 208 : i32
        %add3A_1890 = arith.addi %mul3A_1888, %add3A_1889 : i32
        %add3A_1891 = arith.addi %mul3A_2, %add3A_1890 : i32
        %iota3A_1892 = tpu.iota {dimensions = array<i32: 0>} : vector<16xi32>
        %add3A_1893 = vector.broadcast %add3A_1891 : i32 to vector<16xi32>
        %add3A_1894 = arith.addi %add3A_1893, %iota3A_1892 : vector<16xi32>
        %jit3A_1895 = arith.constant 26 : i32
        %eq3A_1896 = arith.constant 0 : i32
        %eq3A_1897 = arith.cmpi eq, %jit3A_1895, %eq3A_1896 : i32
        %jit3A_1898 = arith.constant 1 : i32
        %select_n3A_1899 = arith.select %eq3A_1897, %jit3A_1898, %jit3A_1895 : i32
        %rem3A_1900 = vector.broadcast %select_n3A_1899 : i32 to vector<16xi32>
        %rem3A_1901 = arith.remsi %add3A_1894, %rem3A_1900 : vector<16xi32>
        %ne3A_1902 = arith.constant 0 : i32
        %ne3A_1903 = vector.broadcast %ne3A_1902 : i32 to vector<16xi32>
        %ne3A_1904 = arith.cmpi ne, %rem3A_1901, %ne3A_1903 : vector<16xi32>
        %lt3A_1905 = arith.constant 0 : i32
        %lt3A_1906 = vector.broadcast %lt3A_1905 : i32 to vector<16xi32>
        %lt3A_1907 = arith.cmpi slt, %rem3A_1901, %lt3A_1906 : vector<16xi32>
        %lt3A_1908 = arith.constant 0 : i32
        %lt3A_1909 = arith.cmpi slt, %select_n3A_1899, %lt3A_1908 : i32
        %ne3A_1910 = vector.broadcast %lt3A_1909 : i1 to vector<16xi1>
        %ne3A_1911 = vector.broadcast %ne3A_1910 : vector<16xi1> to vector<16xi1>
        %ne3A_1912 = arith.xori %lt3A_1907, %ne3A_1911 : vector<16xi1>
        %and3A_1913 = arith.andi %ne3A_1912, %ne3A_1904 : vector<16xi1>
        %add3A_1914 = vector.broadcast %select_n3A_1899 : i32 to vector<16xi32>
        %add3A_1915 = arith.addi %rem3A_1901, %add3A_1914 : vector<16xi32>
        %select_n3A_1916 = arith.select %and3A_1913, %add3A_1915, %rem3A_1901 : vector<16xi1>, vector<16xi32>
        %mul3A_1917 = arith.constant 100000 : i32
        %mul3A_1918 = vector.broadcast %mul3A_1917 : i32 to vector<16xi32>
        %mul3A_1919 = arith.muli %select_n3A_1916, %mul3A_1918 : vector<16xi32>
        %get3A_1920 = arith.index_cast %add3A_1890 : i32 to index
        %get3A_1921 = tpu.vector_load %arg5[%get3A_1920] {strides = array<i32>} : memref<13312xi32, #tpu.memory_space<vmem>>, vector<16xi32>,
        %get3A_1922 = vector.shape_cast %get3A_1921 : vector<16xi32> to vector<16xi32>
        %add3A_1923 = arith.addi %get3A_1922, %mul3A_1919 : vector<16xi32>
        %swap3A_1924 = arith.index_cast %add3A_1890 : i32 to index
        %swap3A_1925 = tpu.vector_load %arg5[%swap3A_1924] {strides = array<i32>} : memref<13312xi32, #tpu.memory_space<vmem>>, vector<16xi32>,
        %swap3A_1926 = vector.shape_cast %swap3A_1925 : vector<16xi32> to vector<16xi32>
        %swap3A_1927 = vector.shape_cast %add3A_1923 : vector<16xi32> to vector<16xi32>
        tpu.vector_store %arg5[%swap3A_1924], %swap3A_1927 {strides = array<i32>} : memref<13312xi32, #tpu.memory_space<vmem>>, vector<16xi32>,
        %mul3A_1928 = arith.constant 256 : i32
        %mul3A_1929 = arith.muli %add3A_1353, %mul3A_1928 : i32
        %add3A_1930 = arith.constant 224 : i32
        %add3A_1931 = arith.addi %mul3A_1929, %add3A_1930 : i32
        %add3A_1932 = arith.addi %mul3A_2, %add3A_1931 : i32
        %iota3A_1933 = tpu.iota {dimensions = array<i32: 0>} : vector<16xi32>
        %add3A_1934 = vector.broadcast %add3A_1932 : i32 to vector<16xi32>
        %add3A_1935 = arith.addi %add3A_1934, %iota3A_1933 : vector<16xi32>
        %jit3A_1936 = arith.constant 26 : i32
        %eq3A_1937 = arith.constant 0 : i32
        %eq3A_1938 = arith.cmpi eq, %jit3A_1936, %eq3A_1937 : i32
        %jit3A_1939 = arith.constant 1 : i32
        %select_n3A_1940 = arith.select %eq3A_1938, %jit3A_1939, %jit3A_1936 : i32
        %rem3A_1941 = vector.broadcast %select_n3A_1940 : i32 to vector<16xi32>
        %rem3A_1942 = arith.remsi %add3A_1935, %rem3A_1941 : vector<16xi32>
        %ne3A_1943 = arith.constant 0 : i32
        %ne3A_1944 = vector.broadcast %ne3A_1943 : i32 to vector<16xi32>
        %ne3A_1945 = arith.cmpi ne, %rem3A_1942, %ne3A_1944 : vector<16xi32>
        %lt3A_1946 = arith.constant 0 : i32
        %lt3A_1947 = vector.broadcast %lt3A_1946 : i32 to vector<16xi32>
        %lt3A_1948 = arith.cmpi slt, %rem3A_1942, %lt3A_1947 : vector<16xi32>
        %lt3A_1949 = arith.constant 0 : i32
        %lt3A_1950 = arith.cmpi slt, %select_n3A_1940, %lt3A_1949 : i32
        %ne3A_1951 = vector.broadcast %lt3A_1950 : i1 to vector<16xi1>
        %ne3A_1952 = vector.broadcast %ne3A_1951 : vector<16xi1> to vector<16xi1>
        %ne3A_1953 = arith.xori %lt3A_1948, %ne3A_1952 : vector<16xi1>
        %and3A_1954 = arith.andi %ne3A_1953, %ne3A_1945 : vector<16xi1>
        %add3A_1955 = vector.broadcast %select_n3A_1940 : i32 to vector<16xi32>
        %add3A_1956 = arith.addi %rem3A_1942, %add3A_1955 : vector<16xi32>
        %select_n3A_1957 = arith.select %and3A_1954, %add3A_1956, %rem3A_1942 : vector<16xi1>, vector<16xi32>
        %mul3A_1958 = arith.constant 100000 : i32
        %mul3A_1959 = vector.broadcast %mul3A_1958 : i32 to vector<16xi32>
        %mul3A_1960 = arith.muli %select_n3A_1957, %mul3A_1959 : vector<16xi32>
        %get3A_1961 = arith.index_cast %add3A_1931 : i32 to index
        %get3A_1962 = tpu.vector_load %arg5[%get3A_1961] {strides = array<i32>} : memref<13312xi32, #tpu.memory_space<vmem>>, vector<16xi32>,
        %get3A_1963 = vector.shape_cast %get3A_1962 : vector<16xi32> to vector<16xi32>
        %add3A_1964 = arith.addi %get3A_1963, %mul3A_1960 : vector<16xi32>
        %swap3A_1965 = arith.index_cast %add3A_1931 : i32 to index
        %swap3A_1966 = tpu.vector_load %arg5[%swap3A_1965] {strides = array<i32>} : memref<13312xi32, #tpu.memory_space<vmem>>, vector<16xi32>,
        %swap3A_1967 = vector.shape_cast %swap3A_1966 : vector<16xi32> to vector<16xi32>
        %swap3A_1968 = vector.shape_cast %add3A_1964 : vector<16xi32> to vector<16xi32>
        tpu.vector_store %arg5[%swap3A_1965], %swap3A_1968 {strides = array<i32>} : memref<13312xi32, #tpu.memory_space<vmem>>, vector<16xi32>,
        %mul3A_1969 = arith.constant 256 : i32
        %mul3A_1970 = arith.muli %add3A_1353, %mul3A_1969 : i32
        %add3A_1971 = arith.constant 240 : i32
        %add3A_1972 = arith.addi %mul3A_1970, %add3A_1971 : i32
        %add3A_1973 = arith.addi %mul3A_2, %add3A_1972 : i32
        %iota3A_1974 = tpu.iota {dimensions = array<i32: 0>} : vector<16xi32>
        %add3A_1975 = vector.broadcast %add3A_1973 : i32 to vector<16xi32>
        %add3A_1976 = arith.addi %add3A_1975, %iota3A_1974 : vector<16xi32>
        %jit3A_1977 = arith.constant 26 : i32
        %eq3A_1978 = arith.constant 0 : i32
        %eq3A_1979 = arith.cmpi eq, %jit3A_1977, %eq3A_1978 : i32
        %jit3A_1980 = arith.constant 1 : i32
        %select_n3A_1981 = arith.select %eq3A_1979, %jit3A_1980, %jit3A_1977 : i32
        %rem3A_1982 = vector.broadcast %select_n3A_1981 : i32 to vector<16xi32>
        %rem3A_1983 = arith.remsi %add3A_1976, %rem3A_1982 : vector<16xi32>
        %ne3A_1984 = arith.constant 0 : i32
        %ne3A_1985 = vector.broadcast %ne3A_1984 : i32 to vector<16xi32>
        %ne3A_1986 = arith.cmpi ne, %rem3A_1983, %ne3A_1985 : vector<16xi32>
        %lt3A_1987 = arith.constant 0 : i32
        %lt3A_1988 = vector.broadcast %lt3A_1987 : i32 to vector<16xi32>
        %lt3A_1989 = arith.cmpi slt, %rem3A_1983, %lt3A_1988 : vector<16xi32>
        %lt3A_1990 = arith.constant 0 : i32
        %lt3A_1991 = arith.cmpi slt, %select_n3A_1981, %lt3A_1990 : i32
        %ne3A_1992 = vector.broadcast %lt3A_1991 : i1 to vector<16xi1>
        %ne3A_1993 = vector.broadcast %ne3A_1992 : vector<16xi1> to vector<16xi1>
        %ne3A_1994 = arith.xori %lt3A_1989, %ne3A_1993 : vector<16xi1>
        %and3A_1995 = arith.andi %ne3A_1994, %ne3A_1986 : vector<16xi1>
        %add3A_1996 = vector.broadcast %select_n3A_1981 : i32 to vector<16xi32>
        %add3A_1997 = arith.addi %rem3A_1983, %add3A_1996 : vector<16xi32>
        %select_n3A_1998 = arith.select %and3A_1995, %add3A_1997, %rem3A_1983 : vector<16xi1>, vector<16xi32>
        %mul3A_1999 = arith.constant 100000 : i32
        %mul3A_2000 = vector.broadcast %mul3A_1999 : i32 to vector<16xi32>
        %mul3A_2001 = arith.muli %select_n3A_1998, %mul3A_2000 : vector<16xi32>
        %get3A_2002 = arith.index_cast %add3A_1972 : i32 to index
        %get3A_2003 = tpu.vector_load %arg5[%get3A_2002] {strides = array<i32>} : memref<13312xi32, #tpu.memory_space<vmem>>, vector<16xi32>,
        %get3A_2004 = vector.shape_cast %get3A_2003 : vector<16xi32> to vector<16xi32>
        %add3A_2005 = arith.addi %get3A_2004, %mul3A_2001 : vector<16xi32>
        %swap3A_2006 = arith.index_cast %add3A_1972 : i32 to index
        %swap3A_2007 = tpu.vector_load %arg5[%swap3A_2006] {strides = array<i32>} : memref<13312xi32, #tpu.memory_space<vmem>>, vector<16xi32>,
        %swap3A_2008 = vector.shape_cast %swap3A_2007 : vector<16xi32> to vector<16xi32>
        %swap3A_2009 = vector.shape_cast %add3A_2005 : vector<16xi32> to vector<16xi32>
        tpu.vector_store %arg5[%swap3A_2006], %swap3A_2009 {strides = array<i32>} : memref<13312xi32, #tpu.memory_space<vmem>>, vector<16xi32>,
        %add3A_2010 = arith.constant 2 : i32
        %add3A_2011 = arith.addi %mul3A_630, %add3A_2010 : i32
        %mul3A_2012 = arith.constant 256 : i32
        %mul3A_2013 = arith.muli %add3A_2011, %mul3A_2012 : i32
        %add3A_2014 = arith.constant 0 : i32
        %add3A_2015 = arith.addi %mul3A_2013, %add3A_2014 : i32
        %dma_start3A_2016 = arith.constant 0 : i32
        %dma_start3A_2017 = arith.constant 0 : i32
        %dma_start3A_2018 = tpu.memref_slice %arg6[%dma_start3A_2016, %dma_start3A_2017] : memref<256x128xf32, #tpu.memory_space<vmem>> -> memref<128x128xf32, #tpu.memory_space<vmem>>
        %dma_start3A_2019 = tpu.memref_slice %arg5[%add3A_2015] : memref<13312xi32, #tpu.memory_space<vmem>> -> memref<128xi32, #tpu.memory_space<vmem>>
        %dma_start3A_2020 = arith.constant 0 : i32
        %dma_start3A_2021 = arith.constant 0 : i32
        %dma_start3A_2022 = tpu.memref_slice %arg3[%dma_start3A_2020, %dma_start3A_2021] : memref<2600000x128xf32, #tpu.memory_space<hbm>> -> memref<2600000x128xf32, #tpu.memory_space<hbm>>
        tpu.enqueue_indirect_dma source(%dma_start3A_2022 : memref<2600000x128xf32, #tpu.memory_space<hbm>>) target(%dma_start3A_2018 : memref<128x128xf32, #tpu.memory_space<vmem>>) offsets(%dma_start3A_2019 : memref<128xi32, #tpu.memory_space<vmem>>) semaphore(%arg8 : memref<!tpu.dma_semaphore, #tpu.memory_space<semaphore_mem>>)
        %mul3A_2023 = arith.constant 256 : i32
        %mul3A_2024 = arith.muli %add3A_2011, %mul3A_2023 : i32
        %add3A_2025 = arith.constant 128 : i32
        %add3A_2026 = arith.addi %mul3A_2024, %add3A_2025 : i32
        %dma_start3A_2027 = arith.constant 128 : i32
        %dma_start3A_2028 = arith.constant 0 : i32
        %dma_start3A_2029 = tpu.memref_slice %arg6[%dma_start3A_2027, %dma_start3A_2028] : memref<256x128xf32, #tpu.memory_space<vmem>> -> memref<128x128xf32, #tpu.memory_space<vmem>>
        %dma_start3A_2030 = tpu.memref_slice %arg5[%add3A_2026] : memref<13312xi32, #tpu.memory_space<vmem>> -> memref<128xi32, #tpu.memory_space<vmem>>
        %dma_start3A_2031 = arith.constant 0 : i32
        %dma_start3A_2032 = arith.constant 0 : i32
        %dma_start3A_2033 = tpu.memref_slice %arg3[%dma_start3A_2031, %dma_start3A_2032] : memref<2600000x128xf32, #tpu.memory_space<hbm>> -> memref<2600000x128xf32, #tpu.memory_space<hbm>>
        tpu.enqueue_indirect_dma source(%dma_start3A_2033 : memref<2600000x128xf32, #tpu.memory_space<hbm>>) target(%dma_start3A_2029 : memref<128x128xf32, #tpu.memory_space<vmem>>) offsets(%dma_start3A_2030 : memref<128xi32, #tpu.memory_space<vmem>>) semaphore(%arg8 : memref<!tpu.dma_semaphore, #tpu.memory_space<semaphore_mem>>)
      } else {
      }
      %dma_wait3A_1333 = arith.constant 0 : i32
      %dma_wait3A_1334 = arith.constant 0 : i32
      %dma_wait3A_1335 = tpu.memref_slice %arg3[%dma_wait3A_1333, %dma_wait3A_1334] : memref<2600000x128xf32, #tpu.memory_space<hbm>> -> memref<256x128xf32, #tpu.memory_space<hbm>>
      %dma_wait3A_1336 = arith.constant 0 : i32
      %dma_wait3A_1337 = arith.constant 0 : i32
      %dma_wait3A_1338 = tpu.memref_slice %arg3[%dma_wait3A_1336, %dma_wait3A_1337] : memref<2600000x128xf32, #tpu.memory_space<hbm>> -> memref<256x128xf32, #tpu.memory_space<hbm>>
      tpu.wait_dma2 semaphore(%arg9 : memref<!tpu.dma_semaphore, #tpu.memory_space<semaphore_mem>>) src(%dma_wait3A_1338 : memref<256x128xf32, #tpu.memory_space<hbm>>) dst(%arg7 : memref<256x128xf32, #tpu.memory_space<vmem>>)
      %add3A_1339 = arith.constant 1 : i32
      %add3A_1340 = arith.addi %mul3A_630, %add3A_1339 : i32
      %mul3A_1341 = arith.constant 256 : i32
      %mul3A_1342 = arith.muli %add3A_1340, %mul3A_1341 : i32
      %add3A_1343 = arith.addi %mul3A_2, %mul3A_1342 : i32
      %dma_start3A_1344 = arith.constant 0 : i32
      %dma_start3A_1345 = tpu.memref_slice %arg4[%add3A_1343, %dma_start3A_1344] : memref<425984x128xf32, #tpu.memory_space<hbm>> -> memref<256x128xf32, #tpu.memory_space<hbm>>
      %dma_start3A_1346 = arith.constant 0 : i32
      %dma_start3A_1347 = tpu.memref_slice %arg4[%add3A_1343, %dma_start3A_1346] : memref<425984x128xf32, #tpu.memory_space<hbm>> -> memref<256x128xf32, #tpu.memory_space<hbm>>
      tpu.enqueue_dma source(%arg7 : memref<256x128xf32, #tpu.memory_space<vmem>>) target(%dma_start3A_1347 : memref<256x128xf32, #tpu.memory_space<hbm>>) target_semaphore(%arg11 : memref<!tpu.dma_semaphore, #tpu.memory_space<semaphore_mem>>)
    }
    %scan3A_620 = arith.constant 26 : i32
    %dma_wait3A = arith.constant 0 : i32
    %dma_wait3A_621 = tpu.memref_slice %arg4[%mul3A_2, %dma_wait3A] : memref<425984x128xf32, #tpu.memory_space<hbm>> -> memref<256x128xf32, #tpu.memory_space<hbm>>
    %dma_wait3A_622 = arith.constant 0 : i32
    %dma_wait3A_623 = tpu.memref_slice %arg4[%mul3A_2, %dma_wait3A_622] : memref<425984x128xf32, #tpu.memory_space<hbm>> -> memref<256x128xf32, #tpu.memory_space<hbm>>
    tpu.wait_dma2 semaphore(%arg10 : memref<!tpu.dma_semaphore, #tpu.memory_space<semaphore_mem>>) src(%arg6 : memref<256x128xf32, #tpu.memory_space<vmem>>) dst(%dma_wait3A_623 : memref<256x128xf32, #tpu.memory_space<hbm>>)
    %dma_wait3A_624 = arith.constant 0 : i32
    %dma_wait3A_625 = tpu.memref_slice %arg4[%mul3A_2, %dma_wait3A_624] : memref<425984x128xf32, #tpu.memory_space<hbm>> -> memref<256x128xf32, #tpu.memory_space<hbm>>
    %dma_wait3A_626 = arith.constant 0 : i32
    %dma_wait3A_627 = tpu.memref_slice %arg4[%mul3A_2, %dma_wait3A_626] : memref<425984x128xf32, #tpu.memory_space<hbm>> -> memref<256x128xf32, #tpu.memory_space<hbm>>
    tpu.wait_dma2 semaphore(%arg11 : memref<!tpu.dma_semaphore, #tpu.memory_space<semaphore_mem>>) src(%arg7 : memref<256x128xf32, #tpu.memory_space<vmem>>) dst(%dma_wait3A_627 : memref<256x128xf32, #tpu.memory_space<hbm>>)
    return
  }
}

</mosaic_0001>

<sc_bundles>
// kernel: kernel.3.cloned.1.call-start
scs
__scs_entry_jumppad:
0x0: {  	(pc) =	sbr.rel $0x88, $3  }
0x1: {  	(tag) =	ssettag $0x0;
	lr =	simm.s32 $0x1  }
0x2: {  	[smem:$0x3F9F] =	sst lr;
	_ =	strace $0xD0000000  }
0x3: {  	_ = 	snop  }
0x4: {  	_ = 	snop  }
0x5: {  	_ = 	snop  }
0x6: {  	_ = 	snop  }
0x7: {  	_ = 	snop  }
__scs_overlays_trampoline_lowered:
0x8: {  	[smem:$0x3FAE] =	sst s0  }
0x9: {  	[smem:$0x3FAF] =	sst s1  }
0xa: {  	[smem:$0x3FB0] =	sst s2  }
0xb: {  	[smem:$0x3FB1] =	sst s3  }
0xc: {  	[smem:$0x3FB2] =	sst s4  }
0xd: {  	[smem:$0x3FB3] =	sst s5  }
0xe: {  	[smem:$0x3FB4] =	sst s6  }
0xf: {  	[smem:$0x3FB5] =	sst s7  }
0x10: {  	[smem:$0x3FB6] =	sst s8  }
0x11: {  	[smem:$0x3FB7] =	sst s9;
	s0 =	simm.s32 @!p0 $0x0  }
0x12: {  	s1 =	sld [smem:$0x3F9D];
	s0 =	simm.s32 @p0 $0x1  }
0x13: {  	[smem:$0x3FB8] =	sst s0;
	s0 =	simm.s32 @!p1 $0x0  }
0x14: {  	s2 =	sld [smem:$0x3F9C];
	s0 =	simm.s32 @p1 $0x1  }
0x15: {  	[smem:$0x3FB9] =	sst s0;
	s0 =	simm.s32 @!p2 $0x0  }
0x16: {  	s3 =	sld [smem:$0x3FDB];
	s0 =	simm.s32 @p2 $0x1  }
0x17: {  	s4 =	simm.s32 $0x1BF5;
	[smem:$0x3FBB] =	sst s0  }
0x18: {  	s0 =	sld [smem:$0x3F9E];
	_ =	swait.ge [sflag:s4], $0x0  }
0x19: {  	s7 =	sld [smem:$0x3F9F]  }
0x1a: {  	s8 =	sadd.s32 $0xFFFFE003, lr  }
0x1b: {  	s9 =	sadd.s32 $0xFFFFFEF7, lr;
	s5 =	simm.s32 $0xFFFFFFFF;
	p2 =	slt.u32 s8, $0xFFFFF086  }
0x1c: {  	p1 =	slt.u32 s9, $0xF7A;
	s5 =	simm.s32 @!p2 $0x0  }
0x1d: {  	s5 =	simm.s32 @p1 $0x1;
	p0 =	seq.s32 s7, s2  }
0x1e: {  	s7 =	smul.u32 @!p0 $0xF7A, s2;
	p2 =	seq.s32 @!p0 s5, $0x0  }
0x1f: {  	s9 =	smul.u32 $0xF7A, s1;
	s8 =	simm.s32 @!p0 $0x1BF5;
	p2 =	por !p2, p0  }
0x20: {  	[sflag:s8] =	ssyncset.s32 @!p0 $0xFFFFF086;
	s6 =	sadd.s32 @!p0 s3, s7;
	s7 =	simm.s32 @!p0 $0x108  }
0x21: {  	s3 =	sadd.s32 s3, s9;
	s6 =	sadd.s32 @!p0 $0x88, s6;
	s7 =	simm.s32 @p2 $0x1082  }
0x22: {  	[simem:s7], [sflag:s8] =	dma.local @!p0 [hbm:s6], $0xF7A  }
0x23: {  	s9 =	sor.u32 $0xD0000000, s2;
	s6 =	simm.s32 $0x108;
	_ =	swait.ge @!p0 [sflag:s8], $0x0  }
0x24: {  	s3 =	sadd.s32 $0x88, s3;
	s6 =	simm.s32 @!p1 $0x1082;
	[sflag:s4] =	ssyncset.s32 $0xFFFFF086  }
0x25: {  	[simem:s6], [sflag:s4] =	dma.local [hbm:s3], $0xF7A  }
0x26: {  	[smem:$0x3F9F] =	sst s1;
	(tag) =	ssettag s2;
	_ =	strace s9  }
0x27: {  	s1 =	sld [smem:$0x3FAF]  }
0x28: {  	s2 =	sld [smem:$0x3FB0]  }
0x29: {  	s4 =	sld [smem:$0x3FB2]  }
0x2a: {  	p0 =	seq.s32 s5, $0x0;
	s5 =	sld [smem:$0x3FB3]  }
0x2b: {  	s6 =	sld [smem:$0x3FB4]  }
0x2c: {  	s7 =	sld [smem:$0x3FB5]  }
0x2d: {  	s3 =	simm.s32 $0x108;
	s8 =	sld [smem:$0x3FB6]  }
0x2e: {  	s3 =	simm.s32 @!p0 $0x1082;
	s9 =	sld [smem:$0x3FB7]  }
0x2f: {  	lr =	sadd.s32 s0, s3;
	s0 =	sld [smem:$0x3FAE]  }
0x30: {  	s3 =	sld [smem:$0x3FB1]  }
0x31: {  	[smem:$0x3FBA] =	sst s10  }
0x32: {  	s10 =	sld [smem:$0x3FB8];
	_ =	sdelay $0x3  }
0x33: {  	p0 =	seq.s32 s10, $0x1;
	s10 =	sld [smem:$0x3FBA];
	_ =	sdelay $0x3  }
0x34: {  	[smem:$0x3FBA] =	sst s10  }
0x35: {  	s10 =	sld [smem:$0x3FB9];
	_ =	sdelay $0x3  }
0x36: {  	p1 =	seq.s32 s10, $0x1;
	s10 =	sld [smem:$0x3FBA];
	_ =	sdelay $0x3  }
0x37: {  	[smem:$0x3FBA] =	sst s10  }
0x38: {  	s10 =	sld [smem:$0x3FBB]  }
0x39: {  	_ = 	snop;
	(pc) =	sbr.ind lr, $3  }
0x3a: {  	_ = 	snop  }
0x3b: {  	_ = 	snop  }
0x3c: {  	p2 =	seq.s32 s10, $0x1;
	s10 =	sld [smem:$0x3FBA]  }
0x3d: {  	_ =	shalt  }
0x3e: {  	_ =	shalt  }
0x3f: {  	_ =	shalt  }
0x40: {  	_ =	shalt  }
0x41: {  	_ =	shalt  }
0x42: {  	_ =	shalt  }
0x43: {  	_ =	shalt  }
0x44: {  	_ =	shalt  }
0x45: {  	_ =	shalt  }
0x46: {  	_ =	shalt  }
0x47: {  	_ =	shalt  }
0x48: {  	_ =	shalt  }
0x49: {  	_ =	shalt  }
0x4a: {  	_ =	shalt  }
0x4b: {  	_ =	shalt  }
0x4c: {  	_ =	shalt  }
0x4d: {  	_ =	shalt  }
0x4e: {  	_ =	shalt  }
0x4f: {  	_ =	shalt  }
0x50: {  	_ =	shalt  }
0x51: {  	_ =	shalt  }
0x52: {  	_ =	shalt  }
0x53: {  	_ =	shalt  }
0x54: {  	_ =	shalt  }
0x55: {  	_ =	shalt  }
0x56: {  	_ =	shalt  }
0x57: {  	_ =	shalt  }
0x58: {  	_ =	shalt  }
0x59: {  	_ =	shalt  }
0x5a: {  	_ =	shalt  }
0x5b: {  	_ =	shalt  }
0x5c: {  	_ =	shalt  }
0x5d: {  	_ =	shalt  }
0x5e: {  	_ =	shalt  }
0x5f: {  	_ =	shalt  }
0x60: {  	_ =	shalt  }
0x61: {  	_ =	shalt  }
0x62: {  	_ =	shalt  }
0x63: {  	_ =	shalt  }
0x64: {  	_ =	shalt  }
0x65: {  	_ =	shalt  }
0x66: {  	_ =	shalt  }
0x67: {  	_ =	shalt  }
0x68: {  	_ =	shalt  }
0x69: {  	_ =	shalt  }
0x6a: {  	_ =	shalt  }
0x6b: {  	_ =	shalt  }
0x6c: {  	_ =	shalt  }
0x6d: {  	_ =	shalt  }
0x6e: {  	_ =	shalt  }
0x6f: {  	_ =	shalt  }
0x70: {  	_ =	shalt  }
0x71: {  	_ =	shalt  }
0x72: {  	_ =	shalt  }
0x73: {  	_ =	shalt  }
0x74: {  	_ =	shalt  }
0x75: {  	_ =	shalt  }
0x76: {  	_ =	shalt  }
0x77: {  	_ =	shalt  }
0x78: {  	_ =	shalt  }
0x79: {  	_ =	shalt  }
0x7a: {  	_ =	shalt  }
0x7b: {  	_ =	shalt  }
0x7c: {  	_ =	shalt  }
0x7d: {  	_ =	shalt  }
0x7e: {  	_ =	shalt  }
0x7f: {  	_ =	shalt  }
0x80: {  	_ =	shalt  }
0x81: {  	_ =	shalt  }
0x82: {  	_ =	shalt  }
0x83: {  	_ =	shalt  }
0x84: {  	_ =	shalt  }
0x85: {  	_ =	shalt  }
0x86: {  	_ =	shalt  }
0x87: {  	_ =	shalt  }
.Lfunc_end0:
.L_simem_size_0:
called_computation.2_lowered:
.L_overlay_start_0:
0x88: {  	s2 =	sld [smem:$0x3FD9]  }
0x89: {  	s3 =	sld [smem:$0x3FFE];
	_ =	sdelay $0x1  }
0x8a: {  	s1 =	srdreg.scid  }
0x8b: {  	s0 =	sand.u32 $0x1, s1  }
0x8c: {  	s17 =	sshll.u32 s0, $0xA;
	s2 =	sadd.s32 s3, s2  }
0x8d: {  	s2 =	sadd.s32 s2, s17  }
0x8e: {  	[smem:$0x3FC6] =	sst s2  }
0x8f: {  	_ = 	snop  }
0x90: {  	s2 =	sld [smem:$0x3FD0];
	(tm) =	ssettm $0x1  }
0x91: {  	s18 =	sld [smem:$0x3FFB];
	_ =	sdelay $0x3  }
0x92: {  	_ =	strace s18  }
0x93: {  	s3 =	sld [smem:$0x3FFC];
	_ =	sdelay $0x3  }
0x94: {  	_ =	strace s3  }
0x95: {  	s3 =	sld [smem:$0x3FFD];
	_ =	sdelay $0x3  }
0x96: {  	_ =	strace s3  }
0x97: {  	_ =	strace $0x8FFFFFFF  }
0x98: {  	s19 =	sld [smem:$0x3FDB];
	_ =	sdelay $0x1  }
0x99: {  	s4 =	simm.s32 $_scs_section_size  }
0x9a: {  	s5 =	simm.s32 $_size__tile_overlayer_lowered;
	s6 =	simm.s32 $_tile_overlayer_lowered  }
0x9b: {  	s22 =	simm.s32 $0x1BFF;
	s21 =	sshll.u32 s6, $0x1;
	s3 =	sadd.s32 s4, s19  }
0x9c: {  	s7 =	simm.s32 $0x0;
	s20 =	sshll.u32 s5, $0x1;
	s5 =	sadd.s32 s21, s3  }
0x9d: {  	[timem:s7], [sflag:s22] =	dma.local [hbm:s5], s20  }
0x9e: {  	_ =	swait.ge [sflag:s22], s20  }
0x9f: {  	s4 =	ssub.s32 $0x0, s20;
	[sflag:s22] =	ssyncset.done $0x0  }
0xa0: {  	[sflag:s22] =	ssyncadd.s32 s4;
	_ =	sdelay $0x1  }
0xa1: {  	s23 =	simm.s32 $0x1B8B  }
0xa2: {  	_ =	swait.ge [sflag:s23], $0x1  }
0xa3: {  	[sflag:s23] =	ssyncset.done $0x0  }
0xa4: {  	s25 =	simm.s32 $0x1B8E;
	s24 =	sld [smem:$0x3FFE];
	[sflag:s23] =	ssyncadd.s32 $0xFFFFFFFF  }
0xa5: {  	s26 =	simm.s32 $execute0_lowered;
	[smem:$0x3FD2] =	sst s25  }
0xa6: {  	s5 =	sshll.u32 s26, $0x1;
	_ =	strace $0x80000049;
	[dreg:$0x1] =	wrdreg $0xFFFFFFFF  }
0xa7: {  	s28 =	simm.s32 $_size_execute0_lowered;
	s3 =	sadd.s32 s3, s5;
	[dreg:$0x0] =	wrdreg $0x0  }
0xa8: {  	s5 =	sshll.u32 s28, $0x1;
	[dreg:$0x2] =	wrdreg s3  }
0xa9: {  	[dreg:$0x3] =	wrdreg s5  }
0xaa: {  	[dreg:$0x4] =	wrdreg $0xC0  }
0xab: {  	_ =	task [dreg:s7], $0x5FFFF  }
0xac: {  	[dreg:$0x1] =	wrdreg $0xFFFFFFFF  }
0xad: {  	[dreg:$0x0] =	wrdreg $0x60  }
0xae: {  	[dreg:$0x2] =	wrdreg s2  }
0xaf: {  	[dreg:$0x3] =	wrdreg s24  }
0xb0: {  	[dreg:$0x4] =	wrdreg $0x9  }
0xb1: {  	_ =	task.clear_ibuf [dreg:s7], $0x5FFFF;
	_ =	strace $0x90000049  }
0xb2: {  	s29 =	simm.s32 $0x9;
	_ =	strace $0x8000004B  }
0xb3: {  	_ =	swait.ge [sflag:s29], $0x1  }
0xb4: {  	[sflag:s29] =	ssyncadd.s32 $0xFFFFFFFF  }
0xb5: {  	_ =	strace $0x9000004B  }
0xb6: {  	_ =	sfence  }
0xb7: {  	s30 =	sld [smem:$0x0];
	_ =	sdelay $0x2  }
0xb8: {  	s31 =	sshll.u32 s1, $0xD;
	s1 =	sshrl.u32 s1, $0x2  }
0xb9: {  	s3 =	sand.u32 $0x4000, s31;
	s1 =	sadd.s32 s1, s30  }
0xba: {  	s0 =	sor.u32 s3, s0;
	s1 =	sshll.u32 s1, $0x11  }
0xbb: {  	s0 =	sor.u32 s1, s0  }
0xbc: {  	s0 =	sadd.s32 $0x8F2B, s0  }
0xbd: {  	[sflag:s0] =	ssyncadd.remote.s32 $0x1  }
0xbe: {  	_ =	sfence.sel $0xFFFF  }
0xbf: {  	[dreg:$0x0] =	wrdreg $0xFFFFFFFF;
	(pc) =	sbr.abs _section_cstart, $3  }
0xc0: {  	[dreg:$0x1] =	wrdreg $0xFFFFFFFF  }
0xc1: {  	_ =	task.clear_ibuf [dreg:s7], $0x2FFFF;
	_ =	strace $0x9FFFFFFF  }
0xc2: {  	(tm) =	ssettm $0x7FFFFFFF  }
0xc3: {  	_ =	shalt  }
tec
execute0_lowered:
.L_overlay_start_1:
0x0: {  	(tag) =	ssettag $0x1  }
0x1: {  	s1 =	srdreg.scid;
	s0 =	stileid.u32  }
0x2: {  	s5 =	sand.u32 $0x1, s1;
	s14 =	sshll.u32 s0, $0x1  }
0x3: {  	s1 =	sor.u32 s5, s14  }
0x4: {  	s4 =	smul.u32 $0x3400, s1  }
0x5: {  	v0 =	vlaneseq.u32  }
0x6: {  	v1 =	vor.u32 s4, v0;
	s1 =	sor.u32 $0x10, s4  }
0x7: {  	s15 =	sor.u32 $0x20, s4;
	v2 =	vmulhi.u32 $0x4EC4EC4F, v1;
	v3 =	vor.u32 s1, v0  }
0x8: {  	s16 =	sor.u32 $0x30, s4;
	s20 =	sor.u32 $0x70, s4;
	v5 =	vor.u32 s15, v0;
	v4 =	vmulhi.u32 $0x4EC4EC4F, v3  }
0x9: {  	s21 =	sor.u32 $0x80, s4;
	s3 =	sor.u32 $0xD0, s4;
	v7 =	vor.u32 s16, v0;
	v11 =	vor.u32 s20, v0;
	v6 =	vmulhi.u32 $0x4EC4EC4F, v5  }
0xa: {  	v13 =	vor.u32 s21, v0;
	v17 =	vor.u32 s3, v0;
	v8 =	vmulhi.u32 $0x4EC4EC4F, v7  }
0xb: {  	v12 =	vmulhi.u32 $0x4EC4EC4F, v11;
	v2 =	vshrl.u32 v2, $0x3;
	v4 =	vshrl.u32 v4, $0x3  }
0xc: {  	s18 =	sor.u32 $0x50, s4;
	v14 =	vmulhi.u32 $0x4EC4EC4F, v13;
	v2 =	vmul.u32 $0x1A, v2;
	v4 =	vmul.u32 $0x1A, v4  }
0xd: {  	v9 =	vor.u32 s18, v0;
	v18 =	vmulhi.u32 $0x4EC4EC4F, v17  }
0xe: {  	s17 =	sor.u32 $0x40, s4;
	v1 =	vsub.s32 v1, v2;
	v2 =	vsub.s32 v3, v4;
	v3 =	vshrl.u32 v6, $0x3  }
0xf: {  	s19 =	sor.u32 $0x60, s4;
	v4 =	vshrl.u32 v8, $0x3;
	v6 =	vor.u32 s17, v0;
	v3 =	vmul.u32 $0x1A, v3  }
0x10: {  	s22 =	sor.u32 $0x90, s4;
	v10 =	vor.u32 s19, v0;
	v4 =	vmul.u32 $0x1A, v4;
	v8 =	vmulhi.u32 $0x4EC4EC4F, v6  }
0x11: {  	s26 =	sor.u32 $0xE0, s4;
	v15 =	vor.u32 s22, v0;
	v3 =	vsub.s32 v5, v3;
	v5 =	vmulhi.u32 $0x4EC4EC4F, v9  }
0x12: {  	v19 =	vor.u32 s26, v0;
	v4 =	vsub.s32 v7, v4;
	v7 =	vmulhi.u32 $0x4EC4EC4F, v10  }
0x13: {  	v12 =	vshrl.u32 v12, $0x3;
	v8 =	vshrl.u32 v8, $0x3;
	v5 =	vshrl.u32 v5, $0x3  }
0x14: {  	v8 =	vmul.u32 $0x1A, v8;
	v7 =	vshrl.u32 v7, $0x3;
	v5 =	vmul.u32 $0x1A, v5  }
0x15: {  	v20 =	vmulhi.u32 $0x4EC4EC4F, v19;
	v12 =	vmul.u32 $0x1A, v12;
	v7 =	vmul.u32 $0x1A, v7  }
0x16: {  	v6 =	vsub.s32 v6, v8;
	v8 =	vsub.s32 v9, v5;
	v5 =	vmulhi.u32 $0x4EC4EC4F, v15  }
0x17: {  	s23 =	sor.u32 $0xA0, s4;
	v7 =	vsub.s32 v10, v7;
	v9 =	vsub.s32 v11, v12;
	v10 =	vshrl.u32 v14, $0x3  }
0x18: {  	s24 =	sor.u32 $0xB0, s4;
	v11 =	vor.u32 s23, v0;
	v10 =	vmul.u32 $0x1A, v10;
	v5 =	vshrl.u32 v5, $0x3  }
0x19: {  	s8 =	smul.u32 $0x340000, s0;
	s25 =	sor.u32 $0xC0, s4;
	v14 =	vor.u32 s24, v0;
	v12 =	vmulhi.u32 $0x4EC4EC4F, v11;
	v5 =	vmul.u32 $0x1A, v5  }
0x1a: {  	s11 =	smul.u32 $0x6800, s0;
	v16 =	vor.u32 s25, v0;
	v10 =	vsub.s32 v13, v10;
	v13 =	vmulhi.u32 $0x4EC4EC4F, v14  }
0x1b: {  	s6 =	rddreg [dreg:$0x0];
	s28 =	smul.u32 $0x68000, s0;
	v15 =	vsub.s32 v15, v5;
	v5 =	vmulhi.u32 $0x4EC4EC4F, v16  }
0x1c: {  	s7 =	rddreg [dreg:$0x1];
	s9 =	smul.u32 $0x1A0000, s5;
	s10 =	ssub.s32 $0x2, s5;
	v18 =	vshrl.u32 v18, $0x3;
	v12 =	vshrl.u32 v12, $0x3;
	v13 =	vshrl.u32 v13, $0x3  }
0x1d: {  	s2 =	simm.s32 $0x0;
	s14 =	smul.u32 $0x3400, s5;
	s12 =	sshrl.u32 s10, $0x1;
	v12 =	vmul.u32 $0x1A, v12;
	v13 =	vmul.u32 $0x1A, v13;
	v5 =	vshrl.u32 v5, $0x3  }
0x1e: {  	[smem:$0x7FF] =	sst s2;
	s30 =	smul.u32 $0x34000, s5;
	s10 =	ssub.s32 s10, s12;
	v20 =	vshrl.u32 v20, $0x3;
	v18 =	vmul.u32 $0x1A, v18;
	v5 =	vmul.u32 $0x1A, v5  }
0x1f: {  	s29 =	sadd.s32 s9, s8;
	s9 =	simm.s32 $0x5;
	s13 =	sor.u32 $0xF0, s4;
	v11 =	vsub.s32 v11, v12;
	v12 =	vsub.s32 v14, v13;
	v13 =	vmul.u32 $0x1A, v20  }
0x20: {  	s12 =	simm.s32 $0x7400;
	s4 =	sshrl.u32 s4, $0x3;
	s5 =	smax.u32 s10, $0x1;
	v14 =	vsub.s32 v16, v5;
	v16 =	vsub.s32 v17, v18;
	v17 =	vor.u32 s13, v0  }
0x21: {  	s10 =	simm.s32 $0x80;
	s1 =	rddreg [dreg:$0x2];
	_ =	strace $0x8000004A;
	v1 =	vmul.u32 $0x186A0, v1;
	v18 =	vsub.s32 v19, v13;
	v13 =	vmulhi.u32 $0x4EC4EC4F, v17  }
0x22: {  	s3 =	sadd.s32 $0x27AD200, s7;
	s7 =	sadd.s32 $0xE00, s7;
	s4 =	sadd.s32 s6, s4;
	v2 =	vmul.u32 $0x186A0, v2;
	v3 =	vmul.u32 $0x186A0, v3;
	v4 =	vmul.u32 $0x186A0, v4  }
.Ltmp0:
0x23: {  	s6 =	sshrl.u32 s29, $0x3;
	s15 =	simm.s32 $0x1;
	v7 =	vmul.u32 $0x186A0, v7;
	v11 =	vmul.u32 $0x186A0, v11;
	v13 =	vshrl.u32 v13, $0x3;
	(pc) =	sbr.rel .LBB2_1-.Ltmp0, $4  }
0x24: {  	s16 =	simm.s32 $0x2;
	s18 =	simm.s32 $0x4;
	s19 =	simm.s32 $0x0;
	v12 =	vmul.u32 $0x186A0, v12;
	v5 =	vmul.u32 $0x186A0, v6;
	v19 =	vmul.u32 $0x1A, v13  }
0x25: {  	s31 =	sadd.s32 s28, s7;
	s6 =	sadd.s32 s6, s7;
	s7 =	sadd.s32 s14, s11;
	v6 =	vmul.u32 $0x186A0, v8;
	v8 =	vmul.u32 $0x186A0, v9;
	v9 =	vmul.u32 $0x186A0, v10  }
0x26: {  	s11 =	simm.s32 $0x3400;
	s14 =	simm.s32 $0xF400;
	s8 =	sadd.s32 s30, s31;
	v10 =	vmul.u32 $0x186A0, v15;
	v15 =	vmul.u32 $0x186A0, v18;
	v17 =	vsub.s32 v17, v19  }
0x27: {  	s8 =	sadd.s32 $0x1000, s8;
	s17 =	simm.s32 $0x3;
	s13 =	simm.s32 $0xB400;
	v13 =	vmul.u32 $0x186A0, v14;
	v14 =	vmul.u32 $0x186A0, v16;
	v16 =	vmul.u32 $0x186A0, v17  }
.LBB2_5:
0x28: {  	s19 =	sadd.s32 $0x1, s19  }
0x29: {  	_ =	swait.ge [sflag:s17], $0x8000;
	p0 =	sne.s32 s19, s5  }
.Ltmp1:
0x2a: {  	[sflag:s17] =	ssyncset.done $0x0;
	(pc) =	sbr.rel @!p0 .LBB2_6-.Ltmp1, $4  }
0x2b: {  	[sflag:s17] =	ssyncadd.s32 $0xFFFF8000  }
0x2c: {  	_ =	swait.ge [sflag:s18], $0x8000  }
0x2d: {  	[sflag:s18] =	ssyncset.done $0x0  }
0x2e: {  	[sflag:s18] =	ssyncadd.s32 $0xFFFF8000  }
.LBB2_1:
0x2f: {  	[tilespmem:s2], [sflag:$0x5] =	stream.linear.gather [hbm4b:s4+s2], $0x3400, $0x38;
	[tilespmem:$0x13400] =	vst v63  }
0x30: {  	_ =	swait.ge [sflag:s9], $0x3400  }
0x31: {  	[sflag:s9] =	ssyncset.done $0x0  }
0x32: {  	[sflag:s9] =	ssyncadd.s32 $0xFFFFCC00  }
0x33: {  	v17 =	vld [tilespmem:$0x0]  }
0x34: {  	v18 =	vld [tilespmem:$0x10]  }
0x35: {  	v19 =	vld [tilespmem:$0x20]  }
0x36: {  	v20 =	vld [tilespmem:$0x30]  }
0x37: {  	v21 =	vld [tilespmem:$0x40]  }
0x38: {  	v22 =	vld [tilespmem:$0x50];
	v17 =	vadd.s32 v1, v17  }
0x39: {  	[tilespmem:$0x0] =	vst v17;
	v17 =	vadd.s32 v2, v18;
	v18 =	vld [tilespmem:$0x60]  }
0x3a: {  	[tilespmem:$0x10] =	vst v17;
	v17 =	vadd.s32 v3, v19;
	v19 =	vld [tilespmem:$0x70]  }
0x3b: {  	v58 =	vld [tilespmem:$0x80];
	[tilespmem:$0x20] =	vst v17;
	v17 =	vadd.s32 v4, v20  }
0x3c: {  	v59 =	vld [tilespmem:$0x90];
	[tilespmem:$0x30] =	vst v17;
	v17 =	vadd.s32 v5, v21  }
0x3d: {  	v60 =	vld [tilespmem:$0xA0];
	[tilespmem:$0x40] =	vst v17;
	v17 =	vadd.s32 v6, v22  }
0x3e: {  	[tilespmem:$0x50] =	vst v17;
	v17 =	vadd.s32 v7, v18;
	v18 =	vld [tilespmem:$0xB0]  }
0x3f: {  	[tilespmem:$0x60] =	vst v17;
	v17 =	vadd.s32 v8, v19;
	v19 =	vld [tilespmem:$0xC0]  }
0x40: {  	v61 =	vld [tilespmem:$0xD0];
	[tilespmem:$0x70] =	vst v17;
	v17 =	vadd.s32 v9, v58  }
0x41: {  	v62 =	vld [tilespmem:$0xE0];
	[tilespmem:$0x80] =	vst v17;
	v17 =	vadd.s32 v10, v59  }
0x42: {  	v63 =	vld [tilespmem:$0xF0];
	[tilespmem:$0x90] =	vst v17;
	v17 =	vadd.s32 v11, v60  }
0x43: {  	[tilespmem:$0xA0] =	vst v17;
	v17 =	vadd.s32 v12, v18  }
0x44: {  	[tilespmem:$0xB0] =	vst v17;
	v17 =	vadd.s32 v13, v19  }
0x45: {  	[tilespmem:$0xC0] =	vst v17;
	v17 =	vadd.s32 v14, v61  }
0x46: {  	[tilespmem:$0xD0] =	vst v17;
	v17 =	vadd.s32 v15, v62  }
.Ltmp2:
0x47: {  	[tilespmem:$0xE0] =	vst v17;
	v17 =	vadd.s32 v16, v63;
	(pc) =	sbr.rel .LBB2_2-.Ltmp2, $4  }
0x48: {  	s20 =	simm.s32 $0x180;
	[tilespmem:$0xF0] =	vst v17  }
0x49: {  	[tilespmem:s11], [sflag:$0x1] =	stream.indirect.gather [hbm4b:s3+s10], $0x80, s2, s10, $0xb8;
	[tilespmem:$0x13400] =	vst v63  }
0x4a: {  	s21 =	smov.u32 s8;
	s22 =	simm.s32 $0x0;
	s23 =	smov.u32 s6  }
0x4b: {  	[tilespmem:s12], [sflag:$0x1] =	stream.indirect.gather [hbm4b:s3+s10], $0x80, s10, s10, $0xb8;
	[tilespmem:$0x13400] =	vst v63  }
.LBB2_4:
0x4c: {  	s22 =	sadd.s32 $0x200, s22  }
0x4d: {  	p0 =	sne.s32 s22, $0x3400  }
.Ltmp3:
0x4e: {  	_ =	swait.ge [sflag:s16], $0x8000;
	(pc) =	sbr.rel @!p0 .LBB2_5-.Ltmp3, $4  }
0x4f: {  	[sflag:s16] =	ssyncset.done $0x0  }
0x50: {  	[sflag:s16] =	ssyncadd.s32 $0xFFFF8000  }
0x51: {  	[hbm4b:s21+s2] =	stream.linear.scatter [tilespmem:s13], [sflag:$0x4], $0x8000, $0x38;
	[tilespmem:$0x13400] =	vst v63  }
0x52: {  	s23 =	sadd.s32 $0x2000, s23;
	s20 =	sadd.s32 $0x200, s20;
	s21 =	sadd.s32 $0x2000, s21  }
.LBB2_2:
0x53: {  	s24 =	sadd.s32 s22, s7  }
0x54: {  	p0 =	seq.s32 s22, $0x0;
	s25 =	sadd.s32 $0x100, s24  }
0x55: {  	s26 =	simm.s32 @!p0 $0x4;
	v17 =	vor.u32 s25, v0  }
0x56: {  	_ =	swait.ge @!p0 [sflag:s26], $0x8000;
	v18 =	vmulhi.u32 $0x4EC4EC4F, v17  }
0x57: {  	[sflag:s26] =	ssyncset.done @!p0 $0x0  }
0x58: {  	[sflag:s26] =	ssyncadd.s32 @!p0 $0xFFFF8000;
	v18 =	vshrl.u32 v18, $0x3  }
0x59: {  	v19 =	vld [tilespmem:s20+$0xFFFFFF80];
	v18 =	vmul.u32 $0x1A, v18;
	_ =	sdelay $0x1  }
0x5a: {  	s31 =	sadd.s32 $0x110, s24;
	v17 =	vsub.s32 v17, v18  }
0x5b: {  	v18 =	vor.u32 s31, v0;
	v17 =	vmul.u32 $0x186A0, v17  }
0x5c: {  	v20 =	vmulhi.u32 $0x4EC4EC4F, v18  }
0x5d: {  	v17 =	vadd.s32 v17, v19  }
0x5e: {  	[tilespmem:s20+$0xFFFFFF80] =	vst v17;
	v17 =	vshrl.u32 v20, $0x3  }
0x5f: {  	v19 =	vld [tilespmem:s20+$0xFFFFFF90];
	v17 =	vmul.u32 $0x1A, v17;
	_ =	sdelay $0x1  }
0x60: {  	s26 =	sadd.s32 $0x120, s24;
	v17 =	vsub.s32 v18, v17  }
0x61: {  	v18 =	vor.u32 s26, v0;
	v17 =	vmul.u32 $0x186A0, v17  }
0x62: {  	v50 =	vmulhi.u32 $0x4EC4EC4F, v18  }
0x63: {  	v17 =	vadd.s32 v17, v19  }
0x64: {  	[tilespmem:s20+$0xFFFFFF90] =	vst v17;
	v17 =	vshrl.u32 v50, $0x3  }
0x65: {  	v19 =	vld [tilespmem:s20+$0xFFFFFFA0];
	v17 =	vmul.u32 $0x1A, v17;
	_ =	sdelay $0x1  }
0x66: {  	s28 =	sadd.s32 $0x130, s24;
	v17 =	vsub.s32 v18, v17  }
0x67: {  	v18 =	vor.u32 s28, v0;
	v17 =	vmul.u32 $0x186A0, v17  }
0x68: {  	v51 =	vmulhi.u32 $0x4EC4EC4F, v18  }
0x69: {  	v17 =	vadd.s32 v17, v19  }
0x6a: {  	[tilespmem:s20+$0xFFFFFFA0] =	vst v17;
	v17 =	vshrl.u32 v51, $0x3  }
0x6b: {  	v19 =	vld [tilespmem:s20+$0xFFFFFFB0];
	v17 =	vmul.u32 $0x1A, v17;
	_ =	sdelay $0x1  }
0x6c: {  	s29 =	sadd.s32 $0x140, s24;
	v17 =	vsub.s32 v18, v17  }
0x6d: {  	v18 =	vor.u32 s29, v0;
	v17 =	vmul.u32 $0x186A0, v17  }
0x6e: {  	v52 =	vmulhi.u32 $0x4EC4EC4F, v18  }
0x6f: {  	v17 =	vadd.s32 v17, v19  }
0x70: {  	[tilespmem:s20+$0xFFFFFFB0] =	vst v17;
	v17 =	vshrl.u32 v52, $0x3  }
0x71: {  	v19 =	vld [tilespmem:s20+$0xFFFFFFC0];
	v17 =	vmul.u32 $0x1A, v17;
	_ =	sdelay $0x1  }
0x72: {  	s30 =	sadd.s32 $0x150, s24;
	v17 =	vsub.s32 v18, v17  }
0x73: {  	v18 =	vor.u32 s30, v0;
	v17 =	vmul.u32 $0x186A0, v17  }
0x74: {  	v53 =	vmulhi.u32 $0x4EC4EC4F, v18  }
0x75: {  	v17 =	vadd.s32 v17, v19  }
0x76: {  	[tilespmem:s20+$0xFFFFFFC0] =	vst v17;
	v17 =	vshrl.u32 v53, $0x3  }
0x77: {  	v19 =	vld [tilespmem:s20+$0xFFFFFFD0];
	v17 =	vmul.u32 $0x1A, v17;
	_ =	sdelay $0x1  }
0x78: {  	s31 =	sadd.s32 $0x160, s24;
	v17 =	vsub.s32 v18, v17  }
0x79: {  	v18 =	vor.u32 s31, v0;
	v17 =	vmul.u32 $0x186A0, v17  }
0x7a: {  	v54 =	vmulhi.u32 $0x4EC4EC4F, v18  }
0x7b: {  	v17 =	vadd.s32 v17, v19  }
0x7c: {  	[tilespmem:s20+$0xFFFFFFD0] =	vst v17;
	v17 =	vshrl.u32 v54, $0x3  }
0x7d: {  	v19 =	vld [tilespmem:s20+$0xFFFFFFE0];
	v17 =	vmul.u32 $0x1A, v17;
	_ =	sdelay $0x1  }
0x7e: {  	s26 =	sadd.s32 $0x170, s24;
	v17 =	vsub.s32 v18, v17  }
0x7f: {  	v18 =	vor.u32 s26, v0;
	v17 =	vmul.u32 $0x186A0, v17  }
0x80: {  	v55 =	vmulhi.u32 $0x4EC4EC4F, v18  }
0x81: {  	v17 =	vadd.s32 v17, v19  }
0x82: {  	[tilespmem:s20+$0xFFFFFFE0] =	vst v17;
	v17 =	vshrl.u32 v55, $0x3  }
0x83: {  	v19 =	vld [tilespmem:s20+$0xFFFFFFF0];
	v17 =	vmul.u32 $0x1A, v17;
	_ =	sdelay $0x1  }
0x84: {  	s28 =	sadd.s32 $0x180, s24;
	v17 =	vsub.s32 v18, v17  }
0x85: {  	v18 =	vor.u32 s28, v0;
	v17 =	vmul.u32 $0x186A0, v17  }
0x86: {  	v56 =	vmulhi.u32 $0x4EC4EC4F, v18  }
0x87: {  	v17 =	vadd.s32 v17, v19  }
0x88: {  	[tilespmem:s20+$0xFFFFFFF0] =	vst v17;
	v17 =	vshrl.u32 v56, $0x3  }
0x89: {  	v19 =	vld [tilespmem:s20+$0x0];
	v17 =	vmul.u32 $0x1A, v17;
	_ =	sdelay $0x1  }
0x8a: {  	s29 =	sadd.s32 $0x190, s24;
	v17 =	vsub.s32 v18, v17  }
0x8b: {  	v18 =	vor.u32 s29, v0;
	v17 =	vmul.u32 $0x186A0, v17  }
0x8c: {  	v57 =	vmulhi.u32 $0x4EC4EC4F, v18  }
0x8d: {  	v17 =	vadd.s32 v17, v19  }
0x8e: {  	[tilespmem:s20+$0x0] =	vst v17;
	v17 =	vshrl.u32 v57, $0x3  }
0x8f: {  	v19 =	vld [tilespmem:s20+$0x10];
	v17 =	vmul.u32 $0x1A, v17;
	_ =	sdelay $0x1  }
0x90: {  	s30 =	sadd.s32 $0x1A0, s24;
	v17 =	vsub.s32 v18, v17  }
0x91: {  	v18 =	vor.u32 s30, v0;
	v17 =	vmul.u32 $0x186A0, v17  }
0x92: {  	v58 =	vmulhi.u32 $0x4EC4EC4F, v18  }
0x93: {  	v17 =	vadd.s32 v17, v19  }
0x94: {  	[tilespmem:s20+$0x10] =	vst v17;
	v17 =	vshrl.u32 v58, $0x3  }
0x95: {  	v19 =	vld [tilespmem:s20+$0x20];
	v17 =	vmul.u32 $0x1A, v17;
	_ =	sdelay $0x1  }
0x96: {  	s31 =	sadd.s32 $0x1B0, s24;
	v17 =	vsub.s32 v18, v17  }
0x97: {  	v18 =	vor.u32 s31, v0;
	v17 =	vmul.u32 $0x186A0, v17  }
0x98: {  	v59 =	vmulhi.u32 $0x4EC4EC4F, v18  }
0x99: {  	v17 =	vadd.s32 v17, v19  }
0x9a: {  	[tilespmem:s20+$0x20] =	vst v17;
	v17 =	vshrl.u32 v59, $0x3  }
0x9b: {  	v19 =	vld [tilespmem:s20+$0x30];
	v17 =	vmul.u32 $0x1A, v17;
	_ =	sdelay $0x1  }
0x9c: {  	s26 =	sadd.s32 $0x1C0, s24;
	v17 =	vsub.s32 v18, v17  }
0x9d: {  	v18 =	vor.u32 s26, v0;
	v17 =	vmul.u32 $0x186A0, v17  }
0x9e: {  	v60 =	vmulhi.u32 $0x4EC4EC4F, v18  }
0x9f: {  	v17 =	vadd.s32 v17, v19  }
0xa0: {  	[tilespmem:s20+$0x30] =	vst v17;
	v17 =	vshrl.u32 v60, $0x3  }
0xa1: {  	v19 =	vld [tilespmem:s20+$0x40];
	v17 =	vmul.u32 $0x1A, v17;
	_ =	sdelay $0x1  }
0xa2: {  	s28 =	sadd.s32 $0x1D0, s24;
	v17 =	vsub.s32 v18, v17  }
0xa3: {  	v18 =	vor.u32 s28, v0;
	v17 =	vmul.u32 $0x186A0, v17  }
0xa4: {  	v61 =	vmulhi.u32 $0x4EC4EC4F, v18  }
0xa5: {  	v17 =	vadd.s32 v17, v19  }
0xa6: {  	[tilespmem:s20+$0x40] =	vst v17;
	v17 =	vshrl.u32 v61, $0x3  }
0xa7: {  	v19 =	vld [tilespmem:s20+$0x50];
	v17 =	vmul.u32 $0x1A, v17;
	_ =	sdelay $0x1  }
0xa8: {  	s29 =	sadd.s32 $0x1E0, s24;
	v17 =	vsub.s32 v18, v17  }
0xa9: {  	v18 =	vor.u32 s29, v0;
	v17 =	vmul.u32 $0x186A0, v17  }
0xaa: {  	v62 =	vmulhi.u32 $0x4EC4EC4F, v18  }
0xab: {  	v17 =	vadd.s32 v17, v19  }
0xac: {  	[tilespmem:s20+$0x50] =	vst v17;
	v17 =	vshrl.u32 v62, $0x3  }
0xad: {  	v19 =	vld [tilespmem:s20+$0x60];
	v17 =	vmul.u32 $0x1A, v17;
	_ =	sdelay $0x1  }
0xae: {  	s30 =	sadd.s32 $0x1F0, s24;
	v17 =	vsub.s32 v18, v17  }
0xaf: {  	v18 =	vor.u32 s30, v0;
	v17 =	vmul.u32 $0x186A0, v17  }
0xb0: {  	v63 =	vmulhi.u32 $0x4EC4EC4F, v18  }
0xb1: {  	v17 =	vadd.s32 v17, v19  }
0xb2: {  	[tilespmem:s20+$0x60] =	vst v17;
	v17 =	vshrl.u32 v63, $0x3  }
0xb3: {  	v19 =	vld [tilespmem:s20+$0x70];
	v17 =	vmul.u32 $0x1A, v17;
	_ =	sdelay $0x1  }
0xb4: {  	v17 =	vsub.s32 v18, v17  }
0xb5: {  	v17 =	vmul.u32 $0x186A0, v17;
	_ =	sdelay $0x1  }
0xb6: {  	v17 =	vadd.s32 v17, v19  }
0xb7: {  	s31 =	sadd.s32 $0xFFFFFF80, s20;
	[tilespmem:s20+$0x70] =	vst v17  }
0xb8: {  	[tilespmem:s13], [sflag:$0x2] =	stream.indirect.gather [hbm4b:s3+s10], $0x80, s31, s10, $0xb8;
	[tilespmem:$0x13400] =	vst v63  }
0xb9: {  	p0 =	seq.s32 s22, $0x3200  }
0xba: {  	[tilespmem:s14], [sflag:$0x2] =	stream.indirect.gather [hbm4b:s3+s10], $0x80, s20, s10, $0xb8;
	[tilespmem:$0x13400] =	vst v63  }
.Ltmp4:
0xbb: {  	_ = 	snop;
	(pc) =	sbr.rel @p0 .LBB2_4-.Ltmp4, $4  }
0xbc: {  	_ =	swait.ge [sflag:s15], $0x8000  }
0xbd: {  	[sflag:s15] =	ssyncset.done $0x0  }
0xbe: {  	[sflag:s15] =	ssyncadd.s32 $0xFFFF8000  }
0xbf: {  	[hbm4b:s23+s2] =	stream.linear.scatter [tilespmem:s11], [sflag:$0x3], $0x8000, $0x38;
	[tilespmem:$0x13400] =	vst v63  }
0xc0: {  	s25 =	sadd.s32 $0x200, s24  }
0xc1: {  	v17 =	vor.u32 s25, v0  }
0xc2: {  	_ =	swait.ge [sflag:s17], $0x8000;
	v18 =	vmulhi.u32 $0x4EC4EC4F, v17  }
0xc3: {  	[sflag:s17] =	ssyncset.done $0x0  }
0xc4: {  	[sflag:s17] =	ssyncadd.s32 $0xFFFF8000;
	v18 =	vshrl.u32 v18, $0x3  }
0xc5: {  	v19 =	vld [tilespmem:s20+$0x80];
	v18 =	vmul.u32 $0x1A, v18;
	_ =	sdelay $0x1  }
0xc6: {  	s30 =	sadd.s32 $0x210, s24;
	v17 =	vsub.s32 v17, v18  }
0xc7: {  	v18 =	vor.u32 s30, v0;
	v17 =	vmul.u32 $0x186A0, v17  }
0xc8: {  	v20 =	vmulhi.u32 $0x4EC4EC4F, v18  }
0xc9: {  	v17 =	vadd.s32 v17, v19  }
0xca: {  	[tilespmem:s20+$0x80] =	vst v17;
	v17 =	vshrl.u32 v20, $0x3  }
0xcb: {  	v19 =	vld [tilespmem:s20+$0x90];
	v17 =	vmul.u32 $0x1A, v17;
	_ =	sdelay $0x1  }
0xcc: {  	s31 =	sadd.s32 $0x220, s24;
	v17 =	vsub.s32 v18, v17  }
0xcd: {  	v18 =	vor.u32 s31, v0;
	v17 =	vmul.u32 $0x186A0, v17  }
0xce: {  	v50 =	vmulhi.u32 $0x4EC4EC4F, v18  }
0xcf: {  	v17 =	vadd.s32 v17, v19  }
0xd0: {  	[tilespmem:s20+$0x90] =	vst v17;
	v17 =	vshrl.u32 v50, $0x3  }
0xd1: {  	v19 =	vld [tilespmem:s20+$0xA0];
	v17 =	vmul.u32 $0x1A, v17;
	_ =	sdelay $0x1  }
0xd2: {  	s26 =	sadd.s32 $0x230, s24;
	v17 =	vsub.s32 v18, v17  }
0xd3: {  	v18 =	vor.u32 s26, v0;
	v17 =	vmul.u32 $0x186A0, v17  }
0xd4: {  	v51 =	vmulhi.u32 $0x4EC4EC4F, v18  }
0xd5: {  	v17 =	vadd.s32 v17, v19  }
0xd6: {  	[tilespmem:s20+$0xA0] =	vst v17;
	v17 =	vshrl.u32 v51, $0x3  }
0xd7: {  	v19 =	vld [tilespmem:s20+$0xB0];
	v17 =	vmul.u32 $0x1A, v17;
	_ =	sdelay $0x1  }
0xd8: {  	s28 =	sadd.s32 $0x240, s24;
	v17 =	vsub.s32 v18, v17  }
0xd9: {  	v18 =	vor.u32 s28, v0;
	v17 =	vmul.u32 $0x186A0, v17  }
0xda: {  	v52 =	vmulhi.u32 $0x4EC4EC4F, v18  }
0xdb: {  	v17 =	vadd.s32 v17, v19  }
0xdc: {  	[tilespmem:s20+$0xB0] =	vst v17;
	v17 =	vshrl.u32 v52, $0x3  }
0xdd: {  	v19 =	vld [tilespmem:s20+$0xC0];
	v17 =	vmul.u32 $0x1A, v17;
	_ =	sdelay $0x1  }
0xde: {  	s29 =	sadd.s32 $0x250, s24;
	v17 =	vsub.s32 v18, v17  }
0xdf: {  	v18 =	vor.u32 s29, v0;
	v17 =	vmul.u32 $0x186A0, v17  }
0xe0: {  	v53 =	vmulhi.u32 $0x4EC4EC4F, v18  }
0xe1: {  	v17 =	vadd.s32 v17, v19  }
0xe2: {  	[tilespmem:s20+$0xC0] =	vst v17;
	v17 =	vshrl.u32 v53, $0x3  }
0xe3: {  	v19 =	vld [tilespmem:s20+$0xD0];
	v17 =	vmul.u32 $0x1A, v17;
	_ =	sdelay $0x1  }
0xe4: {  	s30 =	sadd.s32 $0x260, s24;
	v17 =	vsub.s32 v18, v17  }
0xe5: {  	v18 =	vor.u32 s30, v0;
	v17 =	vmul.u32 $0x186A0, v17  }
0xe6: {  	v54 =	vmulhi.u32 $0x4EC4EC4F, v18  }
0xe7: {  	v17 =	vadd.s32 v17, v19  }
0xe8: {  	[tilespmem:s20+$0xD0] =	vst v17;
	v17 =	vshrl.u32 v54, $0x3  }
0xe9: {  	v19 =	vld [tilespmem:s20+$0xE0];
	v17 =	vmul.u32 $0x1A, v17;
	_ =	sdelay $0x1  }
0xea: {  	s31 =	sadd.s32 $0x270, s24;
	v17 =	vsub.s32 v18, v17  }
0xeb: {  	v18 =	vor.u32 s31, v0;
	v17 =	vmul.u32 $0x186A0, v17  }
0xec: {  	v55 =	vmulhi.u32 $0x4EC4EC4F, v18  }
0xed: {  	v17 =	vadd.s32 v17, v19  }
0xee: {  	[tilespmem:s20+$0xE0] =	vst v17;
	v17 =	vshrl.u32 v55, $0x3  }
0xef: {  	v19 =	vld [tilespmem:s20+$0xF0];
	v17 =	vmul.u32 $0x1A, v17;
	_ =	sdelay $0x1  }
0xf0: {  	s26 =	sadd.s32 $0x280, s24;
	v17 =	vsub.s32 v18, v17  }
0xf1: {  	v18 =	vor.u32 s26, v0;
	v17 =	vmul.u32 $0x186A0, v17  }
0xf2: {  	v56 =	vmulhi.u32 $0x4EC4EC4F, v18  }
0xf3: {  	v17 =	vadd.s32 v17, v19  }
0xf4: {  	[tilespmem:s20+$0xF0] =	vst v17;
	v17 =	vshrl.u32 v56, $0x3  }
0xf5: {  	v19 =	vld [tilespmem:s20+$0x100];
	v17 =	vmul.u32 $0x1A, v17;
	_ =	sdelay $0x1  }
0xf6: {  	s28 =	sadd.s32 $0x290, s24;
	v17 =	vsub.s32 v18, v17  }
0xf7: {  	v18 =	vor.u32 s28, v0;
	v17 =	vmul.u32 $0x186A0, v17  }
0xf8: {  	v57 =	vmulhi.u32 $0x4EC4EC4F, v18  }
0xf9: {  	v17 =	vadd.s32 v17, v19  }
0xfa: {  	[tilespmem:s20+$0x100] =	vst v17;
	v17 =	vshrl.u32 v57, $0x3  }
0xfb: {  	v19 =	vld [tilespmem:s20+$0x110];
	v17 =	vmul.u32 $0x1A, v17;
	_ =	sdelay $0x1  }
0xfc: {  	s29 =	sadd.s32 $0x2A0, s24;
	v17 =	vsub.s32 v18, v17  }
0xfd: {  	v18 =	vor.u32 s29, v0;
	v17 =	vmul.u32 $0x186A0, v17  }
0xfe: {  	v58 =	vmulhi.u32 $0x4EC4EC4F, v18  }
0xff: {  	v17 =	vadd.s32 v17, v19  }
0x100: {  	[tilespmem:s20+$0x110] =	vst v17;
	v17 =	vshrl.u32 v58, $0x3  }
0x101: {  	v19 =	vld [tilespmem:s20+$0x120];
	v17 =	vmul.u32 $0x1A, v17;
	_ =	sdelay $0x1  }
0x102: {  	s30 =	sadd.s32 $0x2B0, s24;
	v17 =	vsub.s32 v18, v17  }
0x103: {  	v18 =	vor.u32 s30, v0;
	v17 =	vmul.u32 $0x186A0, v17  }
0x104: {  	v59 =	vmulhi.u32 $0x4EC4EC4F, v18  }
0x105: {  	v17 =	vadd.s32 v17, v19  }
0x106: {  	[tilespmem:s20+$0x120] =	vst v17;
	v17 =	vshrl.u32 v59, $0x3  }
0x107: {  	v19 =	vld [tilespmem:s20+$0x130];
	v17 =	vmul.u32 $0x1A, v17;
	_ =	sdelay $0x1  }
0x108: {  	s31 =	sadd.s32 $0x2C0, s24;
	v17 =	vsub.s32 v18, v17  }
0x109: {  	v18 =	vor.u32 s31, v0;
	v17 =	vmul.u32 $0x186A0, v17  }
0x10a: {  	v60 =	vmulhi.u32 $0x4EC4EC4F, v18  }
0x10b: {  	v17 =	vadd.s32 v17, v19  }
0x10c: {  	[tilespmem:s20+$0x130] =	vst v17;
	v17 =	vshrl.u32 v60, $0x3  }
0x10d: {  	v19 =	vld [tilespmem:s20+$0x140];
	v17 =	vmul.u32 $0x1A, v17;
	_ =	sdelay $0x1  }
0x10e: {  	s26 =	sadd.s32 $0x2D0, s24;
	v17 =	vsub.s32 v18, v17  }
0x10f: {  	v18 =	vor.u32 s26, v0;
	v17 =	vmul.u32 $0x186A0, v17  }
0x110: {  	v61 =	vmulhi.u32 $0x4EC4EC4F, v18  }
0x111: {  	v17 =	vadd.s32 v17, v19  }
0x112: {  	[tilespmem:s20+$0x140] =	vst v17;
	v17 =	vshrl.u32 v61, $0x3  }
0x113: {  	v19 =	vld [tilespmem:s20+$0x150];
	v17 =	vmul.u32 $0x1A, v17;
	_ =	sdelay $0x1  }
0x114: {  	s28 =	sadd.s32 $0x2E0, s24;
	v17 =	vsub.s32 v18, v17  }
0x115: {  	v18 =	vor.u32 s28, v0;
	v17 =	vmul.u32 $0x186A0, v17  }
0x116: {  	v62 =	vmulhi.u32 $0x4EC4EC4F, v18  }
0x117: {  	v17 =	vadd.s32 v17, v19  }
0x118: {  	[tilespmem:s20+$0x150] =	vst v17;
	v17 =	vshrl.u32 v62, $0x3  }
0x119: {  	v19 =	vld [tilespmem:s20+$0x160];
	v17 =	vmul.u32 $0x1A, v17;
	_ =	sdelay $0x1  }
0x11a: {  	s29 =	sadd.s32 $0x2F0, s24;
	v17 =	vsub.s32 v18, v17  }
0x11b: {  	v18 =	vor.u32 s29, v0;
	v17 =	vmul.u32 $0x186A0, v17  }
0x11c: {  	v63 =	vmulhi.u32 $0x4EC4EC4F, v18  }
0x11d: {  	v17 =	vadd.s32 v17, v19  }
0x11e: {  	[tilespmem:s20+$0x160] =	vst v17;
	v17 =	vshrl.u32 v63, $0x3  }
0x11f: {  	v19 =	vld [tilespmem:s20+$0x170];
	v17 =	vmul.u32 $0x1A, v17;
	_ =	sdelay $0x1  }
0x120: {  	v17 =	vsub.s32 v18, v17  }
0x121: {  	v17 =	vmul.u32 $0x186A0, v17;
	_ =	sdelay $0x1  }
.Ltmp5:
0x122: {  	v17 =	vadd.s32 v17, v19;
	(pc) =	sbr.rel .LBB2_4-.Ltmp5, $4  }
0x123: {  	s30 =	sadd.s32 $0x80, s20;
	[tilespmem:s20+$0x170] =	vst v17  }
0x124: {  	[tilespmem:s11], [sflag:$0x1] =	stream.indirect.gather [hbm4b:s3+s10], $0x80, s30, s10, $0xb8;
	[tilespmem:$0x13400] =	vst v63  }
0x125: {  	s31 =	sadd.s32 $0x100, s20  }
0x126: {  	[tilespmem:s12], [sflag:$0x1] =	stream.indirect.gather [hbm4b:s3+s10], $0x80, s31, s10, $0xb8;
	[tilespmem:$0x13400] =	vst v63  }
.LBB2_6:
0x127: {  	_ =	sfence.sel $0x180000  }
0x128: {  	[bflag:$0x0] =	sbarrier.arrive $0xFFFF  }
0x129: {  	p0 =	sne.s32 s0, $0x0;
	_ =	strace $0x9000004A  }
0x12a: {  	s0 =	sadd.s32 @!p0 $0x100000, s1;
	[bflag:$0x2] =	sbarrier.arrive $0xFFFF  }
0x12b: {  	[sflag:s0] =	ssyncadd.tile.s32 @!p0 $0x1;
	_ =	shalt  }
.Lfunc_end2:
_tile_overlayer_lowered:
.L_overlay_start_2:
0x12c: {  	(tag) =	ssettag $0x2  }
0x12d: {  	s0 =	rddreg [dreg:$0x0];
	s2 =	stileid.u32  }
0x12e: {  	s1 =	rddreg [dreg:$0x1];
	p0 =	sne.s32 s2, $0x0  }
0x12f: {  	s3 =	rddreg [dreg:$0x2];
	[bflag:$0x3] =	sbarrier.arrive $0xFFFF;
	s2 =	simm.s32 @!p0 $0x1C05  }
0x130: {  	[timem:s3], [sflag:s2] =	dma.local @!p0 [hbm:s0], s1  }
0x131: {  	s0 =	simm.s32 @!p0 $0x5  }
0x132: {  	_ =	swait.ge @!p0 [sflag:s0], s1  }
0x133: {  	s1 =	ssub.s32 @!p0 $0x0, s1;
	[sflag:s0] =	ssyncset.done @!p0 $0x0  }
0x134: {  	[sflag:s0] =	ssyncadd.s32 @!p0 s1  }
0x135: {  	[bflag:$0x3] =	sbarrier.arrive $0xFFFF  }
0x136: {  	_ =	shalt  }

// kernel: sparse-core-data-format-call.1.cloned.1.call-start
scs
called_computation.1_lowered:
.L_overlay_start_0:
0x0: {  	s2 =	sld [smem:$0x3FD9]  }
0x1: {  	s3 =	sld [smem:$0x3FFE];
	_ =	sdelay $0x1  }
0x2: {  	s1 =	srdreg.scid  }
0x3: {  	s0 =	sand.u32 $0x1, s1  }
0x4: {  	s18 =	sshll.u32 s0, $0xA;
	s2 =	sadd.s32 s3, s2  }
0x5: {  	s2 =	sadd.s32 s2, s18  }
0x6: {  	[smem:$0x3FC6] =	sst s2  }
0x7: {  	_ = 	snop  }
0x8: {  	s2 =	sld [smem:$0x3FC8];
	(tm) =	ssettm $0x1  }
0x9: {  	s19 =	sld [smem:$0x3FFB];
	_ =	sdelay $0x3  }
0xa: {  	_ =	strace s19  }
0xb: {  	s3 =	sld [smem:$0x3FFC];
	_ =	sdelay $0x3  }
0xc: {  	_ =	strace s3  }
0xd: {  	s3 =	sld [smem:$0x3FFD];
	_ =	sdelay $0x3  }
0xe: {  	_ =	strace s3  }
0xf: {  	_ =	strace $0x8FFFFFFF  }
0x10: {  	s20 =	sld [smem:$0x3FDB];
	_ =	sdelay $0x1  }
0x11: {  	s4 =	simm.s32 $_scs_section_size  }
0x12: {  	s5 =	simm.s32 $_size__tile_overlayer_lowered;
	s6 =	simm.s32 $_tile_overlayer_lowered  }
0x13: {  	s23 =	simm.s32 $0x1BFF;
	s22 =	sshll.u32 s6, $0x1;
	s3 =	sadd.s32 s4, s20  }
0x14: {  	s7 =	simm.s32 $0x0;
	s21 =	sshll.u32 s5, $0x1;
	s5 =	sadd.s32 s22, s3  }
0x15: {  	[timem:s7], [sflag:s23] =	dma.local [hbm:s5], s21  }
0x16: {  	_ =	swait.ge [sflag:s23], s21  }
0x17: {  	s4 =	ssub.s32 $0x0, s21;
	[sflag:s23] =	ssyncset.done $0x0  }
0x18: {  	[sflag:s23] =	ssyncadd.s32 s4;
	_ =	sdelay $0x1  }
0x19: {  	s24 =	simm.s32 $0x1B8B  }
0x1a: {  	_ =	swait.ge [sflag:s24], $0x1  }
0x1b: {  	[sflag:s24] =	ssyncset.done $0x0  }
0x1c: {  	s26 =	simm.s32 $0x1B8E;
	s25 =	sld [smem:$0x3FFE];
	[sflag:s24] =	ssyncadd.s32 $0xFFFFFFFF  }
0x1d: {  	s27 =	simm.s32 $execute0_lowered;
	[smem:$0x3FD2] =	sst s26  }
0x1e: {  	s5 =	sshll.u32 s27, $0x1;
	_ =	strace $0x80000046;
	[dreg:$0x1] =	wrdreg $0xFFFFFFFF  }
0x1f: {  	s28 =	simm.s32 $_size_execute0_lowered;
	s3 =	sadd.s32 s3, s5;
	[dreg:$0x0] =	wrdreg $0x0  }
0x20: {  	s5 =	sshll.u32 s28, $0x1;
	[dreg:$0x2] =	wrdreg s3  }
0x21: {  	[dreg:$0x3] =	wrdreg s5  }
0x22: {  	[dreg:$0x4] =	wrdreg $0xC0  }
0x23: {  	_ =	task [dreg:s7], $0x5FFFF  }
0x24: {  	[dreg:$0x1] =	wrdreg $0xFFFFFFFF  }
0x25: {  	[dreg:$0x0] =	wrdreg $0x60  }
0x26: {  	[dreg:$0x2] =	wrdreg s2  }
0x27: {  	[dreg:$0x3] =	wrdreg s25  }
0x28: {  	[dreg:$0x4] =	wrdreg $0x9  }
0x29: {  	_ =	task.clear_ibuf [dreg:s7], $0x5FFFF;
	_ =	strace $0x90000046  }
0x2a: {  	s29 =	simm.s32 $0x9;
	_ =	strace $0x80000048  }
0x2b: {  	_ =	swait.ge [sflag:s29], $0x1  }
0x2c: {  	[sflag:s29] =	ssyncadd.s32 $0xFFFFFFFF  }
0x2d: {  	_ =	strace $0x90000048  }
0x2e: {  	_ =	sfence  }
0x2f: {  	s30 =	sld [smem:$0x0];
	_ =	sdelay $0x2  }
0x30: {  	s31 =	sshll.u32 s1, $0xD;
	s1 =	sshrl.u32 s1, $0x2  }
0x31: {  	s3 =	sand.u32 $0x4000, s31;
	s1 =	sadd.s32 s1, s30  }
0x32: {  	s0 =	sor.u32 s3, s0;
	s1 =	sshll.u32 s1, $0x11  }
0x33: {  	s0 =	sor.u32 s1, s0  }
0x34: {  	s0 =	sadd.s32 $0x8F2B, s0  }
0x35: {  	[sflag:s0] =	ssyncadd.remote.s32 $0x1  }
0x36: {  	_ =	sfence.sel $0xFFFF  }
0x37: {  	[dreg:$0x0] =	wrdreg $0xFFFFFFFF;
	(pc) =	sbr.abs _section_cstart, $3  }
0x38: {  	[dreg:$0x1] =	wrdreg $0xFFFFFFFF  }
0x39: {  	_ =	task.clear_ibuf [dreg:s7], $0x2FFFF;
	_ =	strace $0x9FFFFFFF  }
0x3a: {  	(tm) =	ssettm $0x7FFFFFFF  }
0x3b: {  	_ =	shalt  }
tec
execute0_lowered:
.L_overlay_start_1:
0x0: {  	(tag) =	ssettag $0x1  }
0x1: {  	s2 =	rddreg [dreg:$0x0]  }
0x2: {  	s0 =	srdreg.scid;
	s5 =	rddreg [dreg:$0x1]  }
0x3: {  	s31 =	simm.s32 $0x2;
	s16 =	simm.s32 $0x0;
	p0 =	por $0x0, $0x0  }
0x4: {  	s8 =	simm.s32 $0x80;
	s17 =	simm.s32 $0x0;
	s1 =	sshll.u32 s0, $0x4  }
0x5: {  	s18 =	simm.s32 $0x0;
	s0 =	stileid.u32;
	s1 =	sand.u32 $0x10, s1  }
0x6: {  	s9 =	simm.s32 $0x0;
	s10 =	simm.s32 $0x0;
	s1 =	sor.u32 s0, s1  }
0x7: {  	s11 =	simm.s32 $0x0;
	s13 =	simm.s32 $0x0;
	s3 =	sshll.u32 s1, $0x8  }
.Ltmp0:
0x8: {  	s14 =	simm.s32 $0x0;
	s4 =	ssub.s32 $0x18600, s3;
	(pc) =	sbr.rel .LBB1_1-.Ltmp0, $4  }
0x9: {  	s15 =	simm.s32 $0x0;
	s1 =	rddreg [dreg:$0x2];
	s6 =	sshrl.u32 s4, $0xD  }
0xa: {  	_ =	strace $0x80000047;
	s4 =	simm.s32 $0x1;
	s7 =	smul.u32 $0x1A, s6  }
0xb: {  	s5 =	sadd.s32 $0xE00, s5;
	s12 =	smov.u32 s3;
	[sflag:s4] =	ssyncpa.u1 $0x0  }
0xc: {  	[sflag:s31] =	ssyncpa.u1 $0x0;
	s6 =	sadd.s32 $0x1A, s7;
	s7 =	sadd.s32 $0x1B, s7  }
.LBB1_5:
0xd: {  	p1 =	slt.u32 s15, $0x2  }
0xe: {  	s19 =	smov.u32 s18;
	p2 =	sgt.s32 @!p1 s18, $0x19  }
0xf: {  	s20 =	sshra.s32 @!p1 s18, $0x1F;
	p3 =	sgt.s32 @!p1 s16, $0x185A0;
	p4 =	sgt.s32 @!p1 s17, $0x40  }
0x10: {  	s21 =	sshra.s32 @!p1 s17, $0x1F;
	p2 =	por !p2, p1;
	s18 =	sand.u32 @!p1 s20, s18  }
0x11: {  	p4 =	por !p4, p1;
	s20 =	smov.u32 s17;
	s19 =	simm.s32 @p2 $0x19  }
0x12: {  	s17 =	sand.u32 @!p1 s21, s17;
	s20 =	simm.s32 @p4 $0x40;
	s18 =	ssub.s32 @!p1 s19, s18  }
0x13: {  	p3 =	por !p3, p1;
	s17 =	ssub.s32 @!p1 s20, s17;
	s19 =	sadd.s32 @!p1 $0xFFFFFFE7, s18  }
0x14: {  	s20 =	sshra.s32 @!p1 s16, $0x1F;
	s18 =	ssub.s32 @!p1 $0x1A, s18;
	p2 =	sgt.s32 @!p1 s19, $0x0  }
0x15: {  	s19 =	smov.u32 s16;
	s16 =	sand.u32 @!p1 s20, s16;
	s20 =	sadd.s32 @!p1 $0xFFFFFFC0, s17  }
0x16: {  	s17 =	ssub.s32 @!p1 $0x80, s17;
	s19 =	simm.s32 @p3 $0x185A0;
	p2 =	por !p2, p1  }
0x17: {  	s18 =	simm.s32 @!p2 $0x0;
	s16 =	ssub.s32 @!p1 s19, s16;
	p2 =	sgt.s32 @!p1 s20, $0x3F  }
0x18: {  	s20 =	smov.u32 s13;
	s19 =	sadd.s32 @!p1 $0xFFFE7A60, s16;
	p2 =	por !p2, p1  }
0x19: {  	s16 =	ssub.s32 @!p1 $0x186A0, s16;
	s17 =	simm.s32 @!p2 $0x0;
	p2 =	sgt.s32 @!p1 s19, $0xFF  }
0x1a: {  	s19 =	sadd.s32 $0x2000, s12;
	p2 =	por !p2, p1;
	s17 =	smul.u32 @!p1 s18, s17  }
0x1b: {  	s18 =	sadd.s32 $0x40, s13;
	s16 =	simm.s32 @!p2 $0x0;
	p2 =	sgt.s32 s19, $0x1869F  }
0x1c: {  	s16 =	smul.u32 @!p1 s16, s17;
	s20 =	smov.u32 @p2 s18  }
0x1d: {  	s19 =	smov.u32 @p2 s3;
	s17 =	simm.s32 $0x1;
	p2 =	sgt.s32 s20, $0x3F  }
0x1e: {  	s17 =	simm.s32 @!p2 $0x0  }
0x1f: {  	p0 =	por !p0, !p0;
	s23 =	sadd.s32 s17, s14  }
0x20: {  	s21 =	simm.s32 @!p1 $0x2;
	s20 =	simm.s32 @p2 $0x0;
	p2 =	sgt.s32 s23, $0x19  }
0x21: {  	s18 =	smov.u32 s11;
	s23 =	simm.s32 @p2 $0x0;
	p2 =	sne.s32 s15, s7  }
.Ltmp1:
0x22: {  	s11 =	smov.u32 s14;
	s16 =	sand.u32 @!p1 $0x3FFFFFFF, s16;
	(pc) =	sbr.rel @!p2 .LBB1_6-.Ltmp1, $4  }
0x23: {  	_ =	swait.ge @!p1 [sflag:s21], s16;
	s22 =	ssub.s32 @!p1 $0x0, s16;
	s16 =	smov.u32 s9  }
0x24: {  	s17 =	smov.u32 s10;
	s9 =	smov.u32 s12;
	s10 =	smov.u32 s13  }
0x25: {  	s12 =	smov.u32 s19;
	s13 =	smov.u32 s20;
	[sflag:s21] =	ssyncset.done @!p1 $0x0  }
0x26: {  	s15 =	sadd.s32 $0x1, s15;
	[sflag:s21] =	ssyncadd.s32 @!p1 s22;
	s14 =	smov.u32 s23  }
.LBB1_1:
0x27: {  	p1 =	sge.u32 s15, s6  }
0x28: {  	s19 =	sshrl.u32 @!p1 s13, $0x3  }
0x29: {  	s20 =	sshll.u32 @!p1 s12, $0x3;
	s19 =	smul.u32 @!p1 $0xC3800, s19  }
0x2a: {  	s21 =	sshll.u32 @!p1 s13, $0x7;
	s20 =	sand.u32 @!p1 $0xFFFFFC00, s20  }
0x2b: {  	s19 =	sadd.s32 @!p1 s19, s20;
	s20 =	sand.u32 @!p1 $0x380, s21  }
0x2c: {  	s21 =	sand.u32 @!p1 $0x7F, s12;
	s19 =	sor.u32 @!p1 s20, s19  }
0x2d: {  	s20 =	sor.u32 @!p1 s21, s19  }
0x2e: {  	s21 =	smulhi.u32 @!p1 $0xA79C7B17, s20  }
0x2f: {  	s19 =	smulhi.u32 @!p1 $0xA79C7B17, s19  }
0x30: {  	s21 =	sshrl.u32 @!p1 s21, $0x10  }
0x31: {  	s19 =	sshrl.u32 @!p1 s19, $0x10;
	s21 =	smul.u32 @!p1 $0x18700, s21  }
0x32: {  	s22 =	sxor.u32 @!p1 $0xFFFFFFFF, s15;
	s23 =	smul.u32 @!p1 $0xC3800, s14;
	s19 =	sand.u32 @!p1 $0x3F, s19  }
0x33: {  	s22 =	sshll.u32 @!p1 s22, $0xE;
	s19 =	smul.u32 @!p1 $0x30E0, s19;
	s20 =	ssub.s32 @!p1 s20, s21  }
0x34: {  	s21 =	sand.u32 @!p1 $0x4000, s22;
	s22 =	sadd.s32 @!p1 s2, s23;
	s23 =	sand.u32 @!p1 $0x7, s20  }
0x35: {  	s20 =	sshrl.u32 @!p1 s20, $0x3;
	s19 =	sadd.s32 @!p1 s19, s22;
	s22 =	sshll.u32 @!p1 s23, $0x12  }
0x36: {  	s19 =	sadd.s32 @!p1 s20, s19;
	s20 =	sor.u32 @!p1 $0x800, s22;
	s22 =	simm.s32 @!p1 $0xC3800  }
0x37: {  	[tilespmem:s21], [sflag:$0x1] =	stream.strided.gather @!p1 [hbm4b:s19+s20], $0x4000, s22, s20, $0x38;
	[tilespmem:$0x10200] =	vst v63  }
0x38: {  	p1 =	seq.s32 s15, $0x0  }
0x39: {  	p2 =	sge.u32 @!p1 s15, s7  }
0x3a: {  	p1 =	por p1, p2  }
.Ltmp2:
0x3b: {  	_ = 	snop;
	(pc) =	sbr.rel @p1 .LBB1_5-.Ltmp2, $1  }
0x3c: {  	_ =	sdelay $0x3  }
0x3d: {  	s21 =	simm.s32 $0x0  }
0x3e: {  	s22 =	sand.u32 $0x3800, s21;
	s23 =	sand.u32 $0x380, s21  }
0x3f: {  	s19 =	sand.u32 $0x1, s15;
	s23 =	sor.u32 s23, s22  }
0x40: {  	_ =	swait.ge [sflag:s4], $0x4000;
	s20 =	sshll.u32 s19, $0xE;
	s22 =	sand.u32 $0x3B00, s23  }
0x41: {  	[sflag:s4] =	ssyncset.done $0x0;
	s21 =	sand.u32 $0x80, s21;
	s22 =	sadd.s32 s22, s20  }
0x42: {  	[sflag:s4] =	ssyncadd.s32 $0xFFFFC000;
	s25 =	sadd.s32 s21, s22  }
0x43: {  	v4 =	vld [tilespmem:s25+$0x400]  }
0x44: {  	s24 =	simm.s32 $0x1;
	v5 =	vld [tilespmem:s25+$0x0]  }
0x45: {  	s24 =	simm.s32 @!p0 $0x0;
	v6 =	vld [tilespmem:s25+$0x10]  }
0x46: {  	v0 =	vmov s20;
	s31 =	smul.u32 $0x10400, s24;
	v7 =	vld [tilespmem:s25+$0x20]  }
0x47: {  	v9 =	vld [tilespmem:s25+$0x30]  }
0x48: {  	s21 =	sshrl.u32 s31, $0x2;
	v10 =	vld [tilespmem:s25+$0x40]  }
0x49: {  	s21 =	sor.u32 $0x8000, s21;
	v11 =	vld [tilespmem:s25+$0x50]  }
0x4a: {  	v8 =	vld [tilespmem:s25+$0x60];
	s22 =	sadd.s32 $0x0, s21  }
0x4b: {  	v1 =	vld.idx.msk [tilespmem:v0+s23+$0x410 ss:$0x1], $0xffff;
	[tilespmem:s22+$0x2080 ss:$0x41] =	vst.msk $0xffff, v4  }
0x4c: {  	v2 =	vld.idx.msk [tilespmem:v0+s23+$0x420 ss:$0x1], $0xffff;
	[tilespmem:s22+$0x0 ss:$0x41] =	vst.msk $0xffff, v5  }
0x4d: {  	v3 =	vld.idx.msk [tilespmem:v0+s23+$0x430 ss:$0x1], $0xffff;
	[tilespmem:s22+$0x410 ss:$0x41] =	vst.msk $0xffff, v6  }
0x4e: {  	s19 =	smul.u32 $0x10400, s19;
	[tilespmem:s22+$0x820 ss:$0x41] =	vst.msk $0xffff, v7;
	v7 =	vld [tilespmem:s25+$0x70]  }
0x4f: {  	s26 =	simm.s32 $0x80;
	s27 =	simm.s32 $0x8;
	[tilespmem:s22+$0xC30 ss:$0x41] =	vst.msk $0xffff, v9;
	v4 =	vld.idx.msk [tilespmem:v0+s23+$0x440 ss:$0x1], $0xffff  }
0x50: {  	s29 =	sand.u32 $0x380, s26;
	s19 =	sshrl.u32 s19, $0x2;
	[tilespmem:s22+$0x1040 ss:$0x41] =	vst.msk $0xffff, v10;
	v5 =	vld.idx.msk [tilespmem:v0+s23+$0x450 ss:$0x1], $0xffff;
	s25 =	simm.s32 $0x100  }
0x51: {  	s24 =	simm.s32 $0x4;
	s19 =	sor.u32 $0x8000, s19;
	[tilespmem:s22+$0x1450 ss:$0x41] =	vst.msk $0xffff, v11;
	v6 =	vld.idx.msk [tilespmem:v0+s23+$0x460 ss:$0x1], $0xffff;
	s28 =	sand.u32 $0x3800, s25  }
.LBB1_3:
0x52: {  	p1 =	sne.s32 s27, $0xFC;
	[tilespmem:s22+$0x1860 ss:$0x41] =	vst.msk $0xffff, v8;
	v8 =	vld.idx.msk [tilespmem:v0+s23+$0x470 ss:$0x1], $0xffff;
	s23 =	sor.u32 s29, s28  }
0x53: {  	s28 =	sand.u32 $0x3B00, s23;
	v9 =	vld.idx.msk [tilespmem:v0+s23+$0x410 ss:$0x1], $0xffff;
	[tilespmem:s22+$0x1C70 ss:$0x41] =	vst.msk $0xffff, v7  }
0x54: {  	s29 =	sand.u32 $0x80, s26;
	s28 =	sadd.s32 s28, s20;
	v7 =	vld.idx.msk [tilespmem:v0+s23+$0x420 ss:$0x1], $0xffff;
	[tilespmem:s22+$0x2490 ss:$0x41] =	vst.msk $0xffff, v1  }
0x55: {  	s28 =	sadd.s32 s29, s28;
	v10 =	vld.idx.msk [tilespmem:v0+s23+$0x430 ss:$0x1], $0xffff;
	[tilespmem:s22+$0x28A0 ss:$0x41] =	vst.msk $0xffff, v2  }
0x56: {  	v11 =	vld [tilespmem:s28+$0x400];
	[tilespmem:s22+$0x2CB0 ss:$0x41] =	vst.msk $0xffff, v3  }
0x57: {  	v12 =	vld [tilespmem:s28+$0x0];
	[tilespmem:s22+$0x30C0 ss:$0x41] =	vst.msk $0xffff, v4  }
0x58: {  	v4 =	vld [tilespmem:s28+$0x10];
	[tilespmem:s22+$0x34D0 ss:$0x41] =	vst.msk $0xffff, v5  }
0x59: {  	s29 =	sshra.s32 s24, $0x2;
	s24 =	smov.u32 s27;
	v1 =	vmov v9;
	v5 =	vld [tilespmem:s28+$0x20];
	[tilespmem:s22+$0x38E0 ss:$0x41] =	vst.msk $0xffff, v6  }
0x5a: {  	v2 =	vmov v7;
	v6 =	vld [tilespmem:s28+$0x30];
	[tilespmem:s22+$0x3CF0 ss:$0x41] =	vst.msk $0xffff, v8;
	s22 =	sadd.s32 s29, s21  }
0x5b: {  	v3 =	vmov v10;
	v9 =	vld [tilespmem:s28+$0x40];
	[tilespmem:s22+$0x2080 ss:$0x41] =	vst.msk $0xffff, v11  }
0x5c: {  	[tilespmem:s22+$0x0 ss:$0x41] =	vst.msk $0xffff, v12;
	v10 =	vld [tilespmem:s28+$0x50]  }
.Ltmp3:
0x5d: {  	[tilespmem:s22+$0x410 ss:$0x41] =	vst.msk $0xffff, v4;
	v8 =	vld [tilespmem:s28+$0x60];
	(pc) =	sbr.rel @p1 .LBB1_3-.Ltmp3, $4  }
0x5e: {  	[tilespmem:s22+$0x820 ss:$0x41] =	vst.msk $0xffff, v5;
	v7 =	vld [tilespmem:s28+$0x70]  }
0x5f: {  	[tilespmem:s22+$0xC30 ss:$0x41] =	vst.msk $0xffff, v6;
	v4 =	vld.idx.msk [tilespmem:v0+s23+$0x440 ss:$0x1], $0xffff  }
0x60: {  	s26 =	sadd.s32 $0x80, s26;
	s25 =	sadd.s32 $0x100, s25;
	[tilespmem:s22+$0x1040 ss:$0x41] =	vst.msk $0xffff, v9;
	v5 =	vld.idx.msk [tilespmem:v0+s23+$0x450 ss:$0x1], $0xffff  }
0x61: {  	s27 =	sadd.s32 $0x4, s27;
	s29 =	sand.u32 $0x380, s26;
	s28 =	sand.u32 $0x3800, s25;
	[tilespmem:s22+$0x1450 ss:$0x41] =	vst.msk $0xffff, v10;
	v6 =	vld.idx.msk [tilespmem:v0+s23+$0x460 ss:$0x1], $0xffff  }
0x62: {  	_ =	sdelay $0x3  }
0x63: {  	s25 =	sor.u32 s29, s28;
	v47 =	vld.idx.msk [tilespmem:v0+s23+$0x470 ss:$0x1], $0xffff  }
0x64: {  	[tilespmem:s22+$0x1860 ss:$0x41] =	vst.msk $0xffff, v8;
	v57 =	vld.idx.msk [tilespmem:v0+s25+$0x410 ss:$0x1], $0xffff  }
0x65: {  	[tilespmem:s22+$0x2490 ss:$0x41] =	vst.msk $0xffff, v1;
	v58 =	vld.idx.msk [tilespmem:v0+s25+$0x420 ss:$0x1], $0xffff  }
0x66: {  	[tilespmem:s22+$0x28A0 ss:$0x41] =	vst.msk $0xffff, v2;
	v59 =	vld.idx.msk [tilespmem:v0+s25+$0x430 ss:$0x1], $0xffff  }
0x67: {  	[tilespmem:s22+$0x2CB0 ss:$0x41] =	vst.msk $0xffff, v3;
	v60 =	vld.idx.msk [tilespmem:v0+s25+$0x440 ss:$0x1], $0xffff  }
0x68: {  	s26 =	sand.u32 $0x80, s26;
	s27 =	sand.u32 $0x3B00, s25;
	[tilespmem:s22+$0x1C70 ss:$0x41] =	vst.msk $0xffff, v7;
	v61 =	vld.idx.msk [tilespmem:v0+s25+$0x450 ss:$0x1], $0xffff  }
0x69: {  	s29 =	sshll.u32 s10, $0x3;
	s24 =	sshra.s32 s24, $0x2;
	v62 =	vld.idx.msk [tilespmem:v0+s25+$0x460 ss:$0x1], $0xffff;
	s20 =	sadd.s32 s27, s20;
	[tilespmem:s22+$0x30C0 ss:$0x41] =	vst.msk $0xffff, v4  }
0x6a: {  	p1 =	sgt.s32 s11, $0x19;
	s31 =	sand.u32 $0xFFFFFC00, s29;
	v63 =	vld.idx.msk [tilespmem:v0+s25+$0x470 ss:$0x1], $0xffff;
	s23 =	sadd.s32 s26, s20;
	[tilespmem:s22+$0x34D0 ss:$0x41] =	vst.msk $0xffff, v5  }
0x6b: {  	p2 =	sgt.s32 s10, $0x40;
	s29 =	sshra.s32 s11, $0x1F;
	s25 =	smul.u32 $0x186A00, s11;
	v48 =	vld [tilespmem:s23+$0x400];
	[tilespmem:s22+$0x38E0 ss:$0x41] =	vst.msk $0xffff, v6  }
0x6c: {  	s26 =	sshll.u32 s9, $0x7;
	s20 =	sadd.s32 s24, s21;
	s24 =	sand.u32 s29, s11;
	v49 =	vld [tilespmem:s23+$0x0];
	[tilespmem:s22+$0x3CF0 ss:$0x41] =	vst.msk $0xffff, v47  }
0x6d: {  	s29 =	sshra.s32 s9, $0x1F;
	v50 =	vld [tilespmem:s23+$0x10];
	s30 =	sand.u32 $0xFFFFFC00, s26;
	s28 =	sand.u32 $0x380, s26;
	[tilespmem:s20+$0x2490 ss:$0x41] =	vst.msk $0xffff, v57  }
0x6e: {  	v51 =	vld [tilespmem:s23+$0x20];
	s27 =	sadd.s32 s31, s30;
	s22 =	smov.u32 s11;
	s31 =	sshra.s32 s10, $0x1F;
	[tilespmem:s20+$0x28A0 ss:$0x41] =	vst.msk $0xffff, v58  }
0x6f: {  	v52 =	vld [tilespmem:s23+$0x30];
	s21 =	sor.u32 s28, s27;
	s22 =	simm.s32 @!p1 $0x19;
	s28 =	sand.u32 s31, s10;
	[tilespmem:s20+$0x2CB0 ss:$0x41] =	vst.msk $0xffff, v59  }
0x70: {  	v53 =	vld [tilespmem:s23+$0x40];
	s27 =	smov.u32 s9;
	[tilespmem:s20+$0x30C0 ss:$0x41] =	vst.msk $0xffff, v60;
	s21 =	sshrl.u32 s21, $0x7;
	s22 =	ssub.s32 s22, s24  }
0x71: {  	v54 =	vld [tilespmem:s23+$0x50];
	[tilespmem:s20+$0x34D0 ss:$0x41] =	vst.msk $0xffff, v61;
	s24 =	smov.u32 s10;
	s26 =	smulhi.u32 $0x14F8B59, s21;
	s30 =	sadd.s32 $0xFFFFFFE7, s22  }
0x72: {  	v55 =	vld [tilespmem:s23+$0x60];
	[tilespmem:s20+$0x38E0 ss:$0x41] =	vst.msk $0xffff, v62;
	s24 =	simm.s32 @!p2 $0x40;
	p2 =	sgt.s32 s9, $0x185A0;
	s22 =	ssub.s32 $0x1A, s22  }
0x73: {  	v56 =	vld [tilespmem:s23+$0x70];
	[tilespmem:s20+$0x3CF0 ss:$0x41] =	vst.msk $0xffff, v63;
	p1 =	sgt.s32 s30, $0x0;
	s23 =	ssub.s32 s24, s28;
	s27 =	simm.s32 @!p2 $0x185A0  }
0x74: {  	[tilespmem:s20+$0x2080 ss:$0x41] =	vst.msk $0xffff, v48;
	s24 =	sand.u32 s29, s9;
	s28 =	sand.u32 $0x7, s10;
	s26 =	sshrl.u32 s26, $0x9  }
0x75: {  	[tilespmem:s20+$0x0 ss:$0x41] =	vst.msk $0xffff, v49;
	s24 =	ssub.s32 s27, s24;
	s30 =	sadd.s32 $0xFFFFFFC0, s23;
	s22 =	simm.s32 @p1 $0x0  }
0x76: {  	[tilespmem:s20+$0x410 ss:$0x41] =	vst.msk $0xffff, v50;
	s23 =	ssub.s32 $0x80, s23;
	s27 =	sshrl.u32 s10, $0x3;
	p1 =	sgt.s32 s30, $0x3F  }
0x77: {  	[tilespmem:s20+$0x820 ss:$0x41] =	vst.msk $0xffff, v51;
	s26 =	smul.u32 $0x186A0, s26;
	s31 =	sadd.s32 $0xFFFE7A60, s24;
	s23 =	simm.s32 @p1 $0x0  }
0x78: {  	[tilespmem:s20+$0xC30 ss:$0x41] =	vst.msk $0xffff, v52;
	s24 =	ssub.s32 $0x186A0, s24;
	p1 =	sgt.s32 s31, $0xFF;
	s22 =	smul.u32 s22, s23  }
.Ltmp4:
0x79: {  	[tilespmem:s20+$0x1040 ss:$0x41] =	vst.msk $0xffff, v53;
	s24 =	simm.s32 @p1 $0x0;
	s21 =	ssub.s32 s21, s26;
	(pc) =	sbr.rel .LBB1_5-.Ltmp4, $4  }
0x7a: {  	[tilespmem:s20+$0x1450 ss:$0x41] =	vst.msk $0xffff, v54;
	s23 =	sadd.s32 s5, s25;
	s22 =	smul.u32 s24, s22;
	s24 =	sand.u32 $0xF, s27  }
0x7b: {  	[tilespmem:s20+$0x1860 ss:$0x41] =	vst.msk $0xffff, v55;
	s29 =	sshll.u32 s28, $0x12;
	s21 =	sshll.u32 s21, $0x4;
	s23 =	sadd.s32 s24, s23  }
0x7c: {  	[tilespmem:s20+$0x1C70 ss:$0x41] =	vst.msk $0xffff, v56;
	s31 =	sor.u32 $0x40, s29;
	s30 =	sand.u32 $0x3FFFFFFF, s22;
	s21 =	sadd.s32 s21, s23  }
0x7d: {  	[hbm4b:s21+s31] =	stream.strided.scatter [tilespmem:s19], [sflag:$0x2], s30, s8, s31, $0x18;
	[tilespmem:$0x10200] =	vst v63  }
.LBB1_6:
0x7e: {  	_ =	sfence.sel $0x180000  }
0x7f: {  	s2 =	simm.s32 $0x1;
	[bflag:$0x0] =	sbarrier.arrive $0xFFFF  }
0x80: {  	s31 =	simm.s32 $0x2;
	[sflag:s2] =	ssyncpa.u1 $0x1  }
0x81: {  	[sflag:s31] =	ssyncpa.u1 $0x1  }
0x82: {  	p0 =	sne.s32 s0, $0x0;
	_ =	strace $0x90000047  }
0x83: {  	s0 =	sadd.s32 @!p0 $0x100000, s1;
	[bflag:$0x2] =	sbarrier.arrive $0xFFFF  }
0x84: {  	[sflag:s0] =	ssyncadd.tile.s32 @!p0 $0x1;
	_ =	shalt  }
.Lfunc_end1:
_tile_overlayer_lowered:
.L_overlay_start_2:
0x85: {  	(tag) =	ssettag $0x2  }
0x86: {  	s0 =	rddreg [dreg:$0x0];
	s2 =	stileid.u32  }
0x87: {  	s1 =	rddreg [dreg:$0x1];
	p0 =	sne.s32 s2, $0x0  }
0x88: {  	s3 =	rddreg [dreg:$0x2];
	[bflag:$0x3] =	sbarrier.arrive $0xFFFF;
	s2 =	simm.s32 @!p0 $0x1C01  }
0x89: {  	[timem:s3], [sflag:s2] =	dma.local @!p0 [hbm:s0], s1  }
0x8a: {  	s0 =	simm.s32 @!p0 $0x1  }
0x8b: {  	_ =	swait.ge @!p0 [sflag:s0], s1  }
0x8c: {  	s1 =	ssub.s32 @!p0 $0x0, s1;
	[sflag:s0] =	ssyncset.done @!p0 $0x0  }
0x8d: {  	[sflag:s0] =	ssyncadd.s32 @!p0 s1  }
0x8e: {  	[bflag:$0x3] =	sbarrier.arrive $0xFFFF  }
0x8f: {  	_ =	shalt  }

// kernel: sparse-core-data-format-call.cloned.1.call-start
scs
called_computation_lowered:
.L_overlay_start_0:
0x0: {  	s2 =	sld [smem:$0x3FD9]  }
0x1: {  	s3 =	sld [smem:$0x3FFE];
	_ =	sdelay $0x1  }
0x2: {  	s1 =	srdreg.scid  }
0x3: {  	s0 =	sand.u32 $0x1, s1  }
0x4: {  	s18 =	sshll.u32 s0, $0xA;
	s2 =	sadd.s32 s3, s2  }
0x5: {  	s2 =	sadd.s32 s2, s18  }
0x6: {  	[smem:$0x3FC6] =	sst s2  }
0x7: {  	_ = 	snop  }
0x8: {  	s2 =	sld [smem:$0x3FD0];
	(tm) =	ssettm $0x1  }
0x9: {  	s19 =	sld [smem:$0x3FFB];
	_ =	sdelay $0x3  }
0xa: {  	_ =	strace s19  }
0xb: {  	s3 =	sld [smem:$0x3FFC];
	_ =	sdelay $0x3  }
0xc: {  	_ =	strace s3  }
0xd: {  	s3 =	sld [smem:$0x3FFD];
	_ =	sdelay $0x3  }
0xe: {  	_ =	strace s3  }
0xf: {  	_ =	strace $0x8FFFFFFF  }
0x10: {  	s20 =	sld [smem:$0x3FDB];
	_ =	sdelay $0x1  }
0x11: {  	s4 =	simm.s32 $_scs_section_size  }
0x12: {  	s5 =	simm.s32 $_size__tile_overlayer_lowered;
	s6 =	simm.s32 $_tile_overlayer_lowered  }
0x13: {  	s23 =	simm.s32 $0x1BFF;
	s22 =	sshll.u32 s6, $0x1;
	s3 =	sadd.s32 s4, s20  }
0x14: {  	s7 =	simm.s32 $0x0;
	s21 =	sshll.u32 s5, $0x1;
	s5 =	sadd.s32 s22, s3  }
0x15: {  	[timem:s7], [sflag:s23] =	dma.local [hbm:s5], s21  }
0x16: {  	_ =	swait.ge [sflag:s23], s21  }
0x17: {  	s4 =	ssub.s32 $0x0, s21;
	[sflag:s23] =	ssyncset.done $0x0  }
0x18: {  	[sflag:s23] =	ssyncadd.s32 s4;
	_ =	sdelay $0x1  }
0x19: {  	s24 =	simm.s32 $0x1B8B  }
0x1a: {  	_ =	swait.ge [sflag:s24], $0x1  }
0x1b: {  	[sflag:s24] =	ssyncset.done $0x0  }
0x1c: {  	s26 =	simm.s32 $0x1B8E;
	s25 =	sld [smem:$0x3FFE];
	[sflag:s24] =	ssyncadd.s32 $0xFFFFFFFF  }
0x1d: {  	s27 =	simm.s32 $execute0_lowered;
	[smem:$0x3FD2] =	sst s26  }
0x1e: {  	s5 =	sshll.u32 s27, $0x1;
	_ =	strace $0x8000004C;
	[dreg:$0x1] =	wrdreg $0xFFFFFFFF  }
0x1f: {  	s28 =	simm.s32 $_size_execute0_lowered;
	s3 =	sadd.s32 s3, s5;
	[dreg:$0x0] =	wrdreg $0x0  }
0x20: {  	s5 =	sshll.u32 s28, $0x1;
	[dreg:$0x2] =	wrdreg s3  }
0x21: {  	[dreg:$0x3] =	wrdreg s5  }
0x22: {  	[dreg:$0x4] =	wrdreg $0xC0  }
0x23: {  	_ =	task [dreg:s7], $0x5FFFF  }
0x24: {  	[dreg:$0x1] =	wrdreg $0xFFFFFFFF  }
0x25: {  	[dreg:$0x0] =	wrdreg $0x60  }
0x26: {  	[dreg:$0x2] =	wrdreg s25  }
0x27: {  	[dreg:$0x3] =	wrdreg s2  }
0x28: {  	[dreg:$0x4] =	wrdreg $0x9  }
0x29: {  	_ =	task.clear_ibuf [dreg:s7], $0x5FFFF;
	_ =	strace $0x9000004C  }
0x2a: {  	s29 =	simm.s32 $0x9;
	_ =	strace $0x8000004E  }
0x2b: {  	_ =	swait.ge [sflag:s29], $0x1  }
0x2c: {  	[sflag:s29] =	ssyncadd.s32 $0xFFFFFFFF  }
0x2d: {  	_ =	strace $0x9000004E  }
0x2e: {  	_ =	sfence  }
0x2f: {  	s30 =	sld [smem:$0x0];
	_ =	sdelay $0x2  }
0x30: {  	s31 =	sshll.u32 s1, $0xD;
	s1 =	sshrl.u32 s1, $0x2  }
0x31: {  	s3 =	sand.u32 $0x4000, s31;
	s1 =	sadd.s32 s1, s30  }
0x32: {  	s0 =	sor.u32 s3, s0;
	s1 =	sshll.u32 s1, $0x11  }
0x33: {  	s0 =	sor.u32 s1, s0  }
0x34: {  	s0 =	sadd.s32 $0x8F2B, s0  }
0x35: {  	[sflag:s0] =	ssyncadd.remote.s32 $0x1  }
0x36: {  	_ =	sfence.sel $0xFFFF  }
0x37: {  	[dreg:$0x0] =	wrdreg $0xFFFFFFFF;
	(pc) =	sbr.abs _section_cstart, $3  }
0x38: {  	[dreg:$0x1] =	wrdreg $0xFFFFFFFF  }
0x39: {  	_ =	task.clear_ibuf [dreg:s7], $0x2FFFF;
	_ =	strace $0x9FFFFFFF  }
0x3a: {  	(tm) =	ssettm $0x7FFFFFFF  }
0x3b: {  	_ =	shalt  }
tec
execute0_lowered:
.L_overlay_start_1:
0x0: {  	(tag) =	ssettag $0x1  }
0x1: {  	s0 =	srdreg.scid  }
0x2: {  	s1 =	sshll.u32 s0, $0x4  }
0x3: {  	s0 =	stileid.u32;
	s1 =	sand.u32 $0x10, s1  }
0x4: {  	s1 =	sor.u32 s0, s1  }
0x5: {  	s6 =	rddreg [dreg:$0x0];
	s4 =	simm.s32 $0x1;
	s2 =	sshll.u32 s1, $0x7  }
0x6: {  	s7 =	simm.s32 $0x2;
	s12 =	simm.s32 $0x0;
	s1 =	ssub.s32 $0x4000, s2  }
0x7: {  	s8 =	simm.s32 $0x20000;
	s13 =	simm.s32 $0x0;
	s3 =	sand.u32 $0xF80, s1  }
0x8: {  	s9 =	simm.s32 $0x0;
	s5 =	sshrl.u32 s1, $0xC;
	p0 =	sne.s32 s3, $0x0  }
.Ltmp0:
0x9: {  	s1 =	rddreg [dreg:$0x2];
	s4 =	simm.s32 @!p0 $0x0;
	(pc) =	sbr.rel .LBB1_1-.Ltmp0, $4  }
0xa: {  	s11 =	simm.s32 $0x0;
	s3 =	rddreg [dreg:$0x1];
	s5 =	sadd.s32 s4, s5  }
0xb: {  	_ =	strace $0x8000004D;
	s4 =	simm.s32 $0x1;
	s5 =	smul.u32 $0x1A, s5  }
0xc: {  	s6 =	sadd.s32 $0x680E00, s6;
	s10 =	smov.u32 s2;
	[sflag:s4] =	ssyncpa.u1 $0x0  }
0xd: {  	p0 =	por $0x0, $0x0;
	[sflag:s7] =	ssyncpa.u1 $0x0;
	s7 =	sor.u32 $0x1, s5  }
.LBB1_4:
0xe: {  	s16 =	sshll.u32 s13, $0x3;
	s17 =	sand.u32 $0x78, s13  }
0xf: {  	s30 =	sand.u32 $0x1F800, s13;
	s12 =	sshll.u32 s12, $0x11;
	s16 =	sand.u32 $0x3C00, s16  }
0x10: {  	[tilespmem:s15+$0x810 ss:$0x81] =	vst.msk $0xffff, v2;
	s31 =	sand.u32 $0x7, s13;
	s16 =	sor.u32 s17, s16;
	s17 =	sadd.s32 s3, s30  }
0x11: {  	[tilespmem:s15+$0x1020 ss:$0x81] =	vst.msk $0xffff, v0;
	s13 =	sshll.u32 s31, $0x12;
	s12 =	sadd.s32 s12, s17;
	s16 =	sshrl.u32 s16, $0x3  }
0x12: {  	[tilespmem:s15+$0x0 ss:$0x81] =	vst.msk $0xffff, v1;
	s13 =	sor.u32 $0x400, s13;
	s12 =	sadd.s32 s16, s12  }
0x13: {  	[hbm4b:s12+s13] =	stream.strided.scatter [tilespmem:s14], [sflag:$0x2], $0x2000, s8, s13, $0x20;
	[tilespmem:$0x8080] =	vst v63  }
.LBB1_5:
0x14: {  	s14 =	sadd.s32 $0x1, s9  }
0x15: {  	s12 =	sadd.s32 $0x1000, s10;
	s16 =	smov.u32 s10;
	p2 =	sgt.s32 s14, $0x19  }
0x16: {  	s16 =	smov.u32 @p2 s12  }
0x17: {  	s14 =	simm.s32 @p2 $0x0;
	p2 =	sgt.s32 s16, $0x3FFF  }
0x18: {  	s16 =	smov.u32 @p2 s2;
	p2 =	sne.s32 s11, s7  }
.Ltmp1:
0x19: {  	p1 =	slt.u32 s11, $0x2;
	(pc) =	sbr.rel @!p2 .LBB1_6-.Ltmp1, $4  }
0x1a: {  	s15 =	simm.s32 @!p1 $0x2  }
0x1b: {  	s13 =	smov.u32 s10;
	p0 =	por !p0, !p0;
	_ =	swait.ge @!p1 [sflag:s15], $0x2000  }
0x1c: {  	s12 =	smov.u32 s9;
	[sflag:s15] =	ssyncset.done @!p1 $0x0;
	s9 =	smov.u32 s14  }
0x1d: {  	s11 =	sadd.s32 $0x1, s11;
	[sflag:s15] =	ssyncadd.s32 @!p1 $0xFFFFE000;
	s10 =	smov.u32 s16  }
.LBB1_1:
0x1e: {  	p1 =	sge.u32 s11, s5  }
0x1f: {  	s31 =	sadd.s32 $0xFFFFFFFF, s11;
	s14 =	sxor.u32 @!p1 $0xFFFFFFFF, s11  }
0x20: {  	s15 =	sshll.u32 @!p1 s10, $0x9;
	s16 =	sshll.u32 @!p1 s9, $0x4;
	s17 =	simm.s32 @!p1 $0x1000  }
0x21: {  	s14 =	sshll.u32 @!p1 s14, $0xD;
	s16 =	sand.u32 @!p1 $0x1F0, s16;
	s15 =	sadd.s32 @!p1 s6, s15  }
0x22: {  	s14 =	sand.u32 @!p1 $0x2000, s14;
	s15 =	sadd.s32 @!p1 s16, s15;
	s16 =	simm.s32 @!p1 $0x40  }
0x23: {  	[tilespmem:s14], [sflag:$0x1] =	stream.strided.gather @!p1 [hbm4b:s15+s16], $0x2000, s17, s16, $0x38;
	[tilespmem:$0x8080] =	vst v63  }
0x24: {  	p1 =	sge.u32 s31, s5  }
.Ltmp2:
0x25: {  	_ = 	snop;
	(pc) =	sbr.rel @p1 .LBB1_5-.Ltmp2, $1  }
0x26: {  	_ =	sdelay $0x3  }
0x27: {  	s14 =	simm.s32 $0x1  }
0x28: {  	_ =	swait.ge [sflag:s4], $0x2000;
	s14 =	simm.s32 @!p0 $0x0  }
0x29: {  	[sflag:s4] =	ssyncset.done $0x0;
	s15 =	sshll.u32 s14, $0xD  }
0x2a: {  	[sflag:s4] =	ssyncadd.s32 $0xFFFFE000;
	s18 =	sor.u32 $0x20, s15  }
0x2b: {  	s14 =	smul.u32 $0x8100, s14;
	v3 =	vld [tilespmem:s18+$0x10]  }
0x2c: {  	s30 =	sand.u32 $0x1, s11;
	v2 =	vld [tilespmem:s18+$0xFFFFFFF0]  }
0x2d: {  	s15 =	smul.u32 $0x8100, s30;
	s14 =	sshrl.u32 s14, $0x2;
	v0 =	vld [tilespmem:s18+$0x0]  }
0x2e: {  	v1 =	vld [tilespmem:s18+$0xFFFFFFE0];
	s16 =	sor.u32 $0x4000, s14  }
0x2f: {  	s31 =	sshrl.u32 s15, $0x2;
	s15 =	sadd.s32 $0x0, s16  }
0x30: {  	s17 =	simm.s32 $0x4;
	s18 =	sadd.s32 $0x40, s18;
	s14 =	sor.u32 $0x4000, s31;
	[tilespmem:s15+$0x1830 ss:$0x81] =	vst.msk $0xffff, v3  }
.LBB1_3:
0x31: {  	v3 =	vld [tilespmem:s18+$0x10];
	p1 =	sne.s32 s17, $0x1FC;
	[tilespmem:s15+$0x810 ss:$0x81] =	vst.msk $0xffff, v2;
	s19 =	smov.u32 s17;
	s17 =	sadd.s32 $0x4, s17  }
.Ltmp3:
0x32: {  	v2 =	vld [tilespmem:s18+$0xFFFFFFF0];
	[tilespmem:s15+$0x1020 ss:$0x81] =	vst.msk $0xffff, v0;
	(pc) =	sbr.rel @p1 .LBB1_3-.Ltmp3, $4  }
0x33: {  	v0 =	vld [tilespmem:s18+$0x0];
	[tilespmem:s15+$0x0 ss:$0x81] =	vst.msk $0xffff, v1  }
0x34: {  	s15 =	sshra.s32 s19, $0x2;
	v1 =	vld [tilespmem:s18+$0xFFFFFFE0]  }
0x35: {  	s15 =	sadd.s32 s15, s16  }
0x36: {  	s18 =	sadd.s32 $0x40, s18;
	[tilespmem:s15+$0x1830 ss:$0x81] =	vst.msk $0xffff, v3  }
.Ltmp4:
0x37: {  	_ = 	snop;
	(pc) =	sbr.rel .LBB1_4-.Ltmp4, $1  }
0x38: {  	_ =	sdelay $0x3  }
.LBB1_6:
0x39: {  	_ =	sfence.sel $0x180000  }
0x3a: {  	s2 =	simm.s32 $0x1;
	[bflag:$0x0] =	sbarrier.arrive $0xFFFF  }
0x3b: {  	s31 =	simm.s32 $0x2;
	[sflag:s2] =	ssyncpa.u1 $0x1  }
0x3c: {  	[sflag:s31] =	ssyncpa.u1 $0x1  }
0x3d: {  	p0 =	sne.s32 s0, $0x0;
	_ =	strace $0x9000004D  }
0x3e: {  	s0 =	sadd.s32 @!p0 $0x100000, s1;
	[bflag:$0x2] =	sbarrier.arrive $0xFFFF  }
0x3f: {  	[sflag:s0] =	ssyncadd.tile.s32 @!p0 $0x1;
	_ =	shalt  }
.Lfunc_end1:
_tile_overlayer_lowered:
.L_overlay_start_2:
0x40: {  	(tag) =	ssettag $0x2  }
0x41: {  	s0 =	rddreg [dreg:$0x0];
	s2 =	stileid.u32  }
0x42: {  	s1 =	rddreg [dreg:$0x1];
	p0 =	sne.s32 s2, $0x0  }
0x43: {  	s3 =	rddreg [dreg:$0x2];
	[bflag:$0x3] =	sbarrier.arrive $0xFFFF;
	s2 =	simm.s32 @!p0 $0x1C01  }
0x44: {  	[timem:s3], [sflag:s2] =	dma.local @!p0 [hbm:s0], s1  }
0x45: {  	s0 =	simm.s32 @!p0 $0x1  }
0x46: {  	_ =	swait.ge @!p0 [sflag:s0], s1  }
0x47: {  	s1 =	ssub.s32 @!p0 $0x0, s1;
	[sflag:s0] =	ssyncset.done @!p0 $0x0  }
0x48: {  	[sflag:s0] =	ssyncadd.s32 @!p0 s1  }
0x49: {  	[bflag:$0x3] =	sbarrier.arrive $0xFFFF  }
0x4a: {  	_ =	shalt  }

</sc_bundles>
